<compile_context>
chip_gen: v7x
topology: tpu7x:2x2x1
jax: 0.10.2.dev20260603
libtpu: 0.0.44.dev20260713+nightly
codegen_flags: <defaults>
</compile_context>

<pallas_src>
import functools

import jax
import jax.numpy as jnp
from jax import lax
from jax.experimental import pallas as pl
from jax.experimental.pallas import tpu as pltpu
from jax.experimental.pallas import tpu_sc as plsc

Q_N = 2048
K_N = 100000
DP = 64
KNN = 16
H_N = 128

QB = 256
KC = 8192
NCHUNK = 13
K_PAD = NCHUNK * KC
NTILE = 32
QPT = Q_N // NTILE
FW = 128
BIG = 1e30
IMAX = jnp.iinfo(jnp.int32).max



def _knn_block(lg_ref, cd_ref, c2_ref, pp_ref, idx_ref, tab_ref, bestv,
               besti):
    c = pl.program_id(0)
    q = pl.program_id(1)
    qrow = q * QB

    @pl.when(c == 0)
    def _init():
        bestv[pl.ds(qrow, QB), :] = jnp.full((QB, KNN), BIG, jnp.float32)
        besti[pl.ds(qrow, QB), :] = jnp.zeros((QB, KNN), jnp.float32)

    cd = cd_ref[...]

    @pl.when(q == 0)
    def _tab():
        tab_ref[:, 0:DP] = pp_ref[...]
        tab_ref[:, DP:DP + 3] = cd
        tab_ref[:, DP + 3:] = jnp.zeros((KC, FW - DP - 3), jnp.float32)

    lg = lg_ref[...]
    qc = lax.dot_general(lg, cd, (((1,), (1,)), ((), ())),
                         preferred_element_type=jnp.float32)
    t = c2_ref[...] - 2.0 * qc

    lane = lax.broadcasted_iota(jnp.int32, (QB, 128), 1).astype(jnp.float32)
    base_f = (c * KC).astype(jnp.float32)
    m1 = t[:, 0:128]
    i1 = lane + base_f
    m2 = jnp.full((QB, 128), BIG, jnp.float32)
    i2 = jnp.full((QB, 128), -1.0, jnp.float32)
    m3 = jnp.full((QB, 128), BIG, jnp.float32)
    i3 = jnp.full((QB, 128), -1.0, jnp.float32)
    for cc in range(1, KC // 128):
        x = t[:, cc * 128:(cc + 1) * 128]
        g = lane + (base_f + float(cc * 128))
        lt1 = x < m1
        hi1 = jnp.maximum(m1, x)
        hi1_i = jnp.where(lt1, i1, g)
        m1 = jnp.minimum(m1, x)
        i1 = jnp.where(lt1, g, i1)
        lt2 = hi1 < m2
        hi2 = jnp.maximum(m2, hi1)
        hi2_i = jnp.where(lt2, i2, hi1_i)
        m2 = jnp.minimum(m2, hi1)
        i2 = jnp.where(lt2, hi1_i, i2)
        lt3 = hi2 < m3
        m3 = jnp.minimum(m3, hi2)
        i3 = jnp.where(lt3, hi2_i, i3)

    bigq = jnp.full((QB, KNN), BIG, jnp.float32)
    noneq = jnp.full((QB, KNN), -1.0, jnp.float32)
    work = jnp.concatenate([bestv[pl.ds(qrow, QB), :], m1], axis=1)
    gidx = jnp.concatenate([besti[pl.ds(qrow, QB), :], i1], axis=1)
    repv1 = jnp.concatenate([bigq, m2], axis=1)
    repi1 = jnp.concatenate([noneq, i2], axis=1)
    repv2 = jnp.concatenate([bigq, m3], axis=1)
    repi2 = jnp.concatenate([noneq, i3], axis=1)
    for s in range(KNN):
        m = jnp.min(work, axis=1, keepdims=True)
        sel = jnp.min(jnp.where(work == m, gidx, 3e8), axis=1,
                      keepdims=True)
        bestv[pl.ds(qrow, QB), s:s + 1] = m
        besti[pl.ds(qrow, QB), s:s + 1] = sel
        hit = gidx == sel
        work = jnp.where(hit, repv1, work)
        gidx = jnp.where(hit, repi1, gidx)
        repv1 = jnp.where(hit, repv2, repv1)
        repi1 = jnp.where(hit, repi2, repi1)
        repv2 = jnp.where(hit, BIG, repv2)

    @pl.when(c == NCHUNK - 1)
    def _emit():
        idx_ref[...] = besti[pl.ds(qrow, QB), :].astype(jnp.int32)


def _knn_topk(lg, cdp, c2p, ppp):
    return pl.pallas_call(
        _knn_block,
        grid=(NCHUNK, Q_N // QB),
        in_specs=[
            pl.BlockSpec((QB, 3), lambda c, q: (q, 0)),
            pl.BlockSpec((KC, 3), lambda c, q: (c, 0)),
            pl.BlockSpec((1, KC), lambda c, q: (0, c)),
            pl.BlockSpec((KC, DP), lambda c, q: (c, 0)),
        ],
        out_specs=[
            pl.BlockSpec((QB, KNN), lambda c, q: (q, 0)),
            pl.BlockSpec((KC, FW), lambda c, q: (c, 0)),
        ],
        out_shape=[
            jax.ShapeDtypeStruct((Q_N, KNN), jnp.int32),
            jax.ShapeDtypeStruct((K_PAD, FW), jnp.float32),
        ],
        scratch_shapes=[
            pltpu.VMEM((Q_N, KNN), jnp.float32),
            pltpu.VMEM((Q_N, KNN), jnp.float32),
        ],
    )(lg, cdp, c2p, ppp)



def _gather_body(idx_hbm, ctab_hbm, out_hbm, idxv, rows, obuf, semg):
    wid = lax.axis_index("s") * 2 + lax.axis_index("c")
    q0 = wid * QPT
    pltpu.sync_copy(idx_hbm.at[pl.ds(q0 * KNN, QPT * KNN)], idxv)
    for half in range(2):
        nrow = QPT * KNN // 2
        pltpu.async_copy(
            ctab_hbm.at[idxv.at[pl.ds(half * nrow, nrow)]], rows, semg
        ).wait()

        def q_body(i, _):
            for cv in range(FW // 16):
                a0 = rows[i * KNN, pl.ds(cv * 16, 16)]

                def nb(j, a):
                    return a + rows[i * KNN + j, pl.ds(cv * 16, 16)]
                acc = lax.fori_loop(1, KNN, nb, a0)
                obuf[pl.ds((half * (QPT // 2) + i) * FW + cv * 16, 16)] = (
                    acc * (1.0 / KNN))
            return 0
        lax.fori_loop(0, QPT // 2, q_body, 0)
    pltpu.sync_copy(obuf, out_hbm.at[pl.ds(q0 * FW, QPT * FW)])


def _gather_mean(idx_flat, ctab):
    mesh = plsc.VectorSubcoreMesh(core_axis_name="c", subcore_axis_name="s")
    f = functools.partial(
        pl.kernel,
        out_type=jax.ShapeDtypeStruct((Q_N * FW,), jnp.float32),
        mesh=mesh,
        scratch_types=[
            pltpu.VMEM((QPT * KNN,), jnp.int32),
            pltpu.VMEM((QPT * KNN // 2, FW), jnp.float32),
            pltpu.VMEM((QPT * FW,), jnp.float32),
            pltpu.SemaphoreType.DMA,
        ],
    )(_gather_body)
    return f(idx_flat, ctab)



def _mlp_block(x_ref, lg_ref, w1_ref, w1q_ref, b1_ref, w2_ref, b2_ref,
               w3_ref, b3_ref, o_ref):
    h = jnp.dot(x_ref[...], w1_ref[...], preferred_element_type=jnp.float32)
    h = h + jnp.dot(lg_ref[...], w1q_ref[...],
                    preferred_element_type=jnp.float32)
    h = jnp.maximum(h + b1_ref[...], 0.0)
    h = jnp.dot(h, w2_ref[...], preferred_element_type=jnp.float32)
    h = jnp.maximum(h + b2_ref[...], 0.0)
    o_ref[...] = (jnp.dot(h, w3_ref[...], preferred_element_type=jnp.float32)
                  + b3_ref[...])


def _mlp(x, lg, w1p, w1q, b1, w2, b2, w3, b3):
    blk = 512
    return pl.pallas_call(
        _mlp_block,
        grid=(Q_N // blk,),
        in_specs=[
            pl.BlockSpec((blk, FW), lambda i: (i, 0)),
            pl.BlockSpec((blk, 3), lambda i: (i, 0)),
            pl.BlockSpec((FW, H_N), lambda i: (0, 0)),
            pl.BlockSpec((3, H_N), lambda i: (0, 0)),
            pl.BlockSpec((1, H_N), lambda i: (0, 0)),
            pl.BlockSpec((H_N, H_N), lambda i: (0, 0)),
            pl.BlockSpec((1, H_N), lambda i: (0, 0)),
            pl.BlockSpec((H_N, H_N), lambda i: (0, 0)),
            pl.BlockSpec((1, H_N), lambda i: (0, 0)),
        ],
        out_specs=pl.BlockSpec((blk, H_N), lambda i: (i, 0)),
        out_shape=jax.ShapeDtypeStruct((Q_N, H_N), jnp.float32),
    )(x, lg, w1p, w1q, b1, w2, b2, w3, b3)


def kernel(latent_grid, coords, params, W1, b1, W2, b2, W3, b3):
    f32 = jnp.float32
    padk = K_PAD - K_N
    cdp = jnp.concatenate([coords, jnp.zeros((padk, 3), f32)], axis=0)
    c2p = jnp.concatenate([jnp.sum(coords * coords, axis=1),
                           jnp.full((padk,), BIG, f32)]).reshape(1, K_PAD)
    w1p = jnp.concatenate(
        [W1[6:], W1[3:6], jnp.zeros((FW - W1.shape[0] + 3, H_N), f32)],
        axis=0)
    w1q = W1[:3]

    idx, ctab = _knn_topk(latent_grid, cdp, c2p, params)
    enc = _gather_mean(idx.reshape(-1), ctab).reshape(Q_N, FW)
    return _mlp(enc, latent_grid, w1p, w1q, b1.reshape(1, -1),
                W2, b2.reshape(1, -1), W3, b3.reshape(1, -1))

# --- scband reference (transcript-rebuilt; emitter-appended) ---
"""Pipeline reference for scband-simple-encoder-19499151524013 (READ-ONLY COPY).

The authoritative reference and input builder live on the scoring server;
editing this copy changes nothing except your own understanding.
"""

import jax, jax.numpy as jnp
import numpy as np

Q = 2048
K = 100000
DC = 3
DP = 64
KNN = 16
LATENT = 128
H = 128
DIN = DC * 2 + DP


def setup_inputs(seed: int = 0) -> dict:
    key = jax.random.key(seed)
    ks = jax.random.split(key, 10)
    latent_grid = jax.random.uniform(ks[0], (Q, DC), dtype=jnp.float32)
    coords = jax.random.uniform(ks[1], (K, DC), dtype=jnp.float32)
    params = jax.random.normal(ks[2], (K, DP), dtype=jnp.float32)
    W1 = jax.random.normal(ks[3], (DIN, H), dtype=jnp.float32) * (1.0 / np.sqrt(DIN))
    b1 = jnp.zeros((H,), dtype=jnp.float32)
    W2 = jax.random.normal(ks[4], (H, H), dtype=jnp.float32) * (1.0 / np.sqrt(H))
    b2 = jnp.zeros((H,), dtype=jnp.float32)
    W3 = jax.random.normal(ks[5], (H, LATENT), dtype=jnp.float32) * (1.0 / np.sqrt(H))
    b3 = jnp.zeros((LATENT,), dtype=jnp.float32)
    return {"latent_grid": latent_grid, "coords": coords, "params": params,
            "W1": W1, "b1": b1, "W2": W2, "b2": b2, "W3": W3, "b3": b3}


def reference(latent_grid, coords, params, W1, b1, W2, b2, W3, b3):
    # exact kNN of latent_grid queries against coords keys (replaces sklearn NearestNeighbors)
    q2 = jnp.sum(latent_grid * latent_grid, axis=1, keepdims=True)  # [Q, 1]
    c2 = jnp.sum(coords * coords, axis=1)                           # [K]
    d2 = q2 - 2.0 * (latent_grid @ coords.T) + c2[None, :]          # [Q, K]
    _, idx = jax.lax.top_k(-d2, KNN)                                # [Q, KNN] nearest-first
    neighbor_coords = coords[idx]                                   # [Q, KNN, DC] gather
    neighbor_params = params[idx]                                   # [Q, KNN, DP] gather
    mean_coords = jnp.mean(neighbor_coords, axis=1)                 # [Q, DC]
    mean_params = jnp.mean(neighbor_params, axis=1)                 # [Q, DP]
    enc_inp = jnp.concatenate([latent_grid, mean_coords, mean_params], axis=-1)  # [Q, DIN]
    x = jax.nn.relu(enc_inp @ W1 + b1)
    x = jax.nn.relu(x @ W2 + b2)
    out = x @ W3 + b3                                               # [Q, LATENT]
    return out

if __name__ == "__main__":
    import jax
    _d = setup_inputs()
    print(jax.jit(kernel)(*tuple(_d.values())))

</pallas_src>

<mosaic_0001>
#map = affine_map<(d0, d1) -> (0)>
#map1 = affine_map<(d0, d1) -> (0, 0)>
module attributes {stable_mosaic.version = 14 : i64} {
  func.func @_gather_body(%arg0: i32, %arg1: i32, %arg2: memref<32768xi32, #tpu.memory_space<hbm>>, %arg3: memref<106496x128xf32, #tpu.memory_space<hbm>>, %arg4: memref<262144xf32, #tpu.memory_space<hbm>>, %arg5: memref<1024xi32, #tpu.memory_space<vmem>>, %arg6: memref<512x128xf32, #tpu.memory_space<vmem>>, %arg7: memref<8192xf32, #tpu.memory_space<vmem>>, %arg8: memref<!tpu.dma_semaphore, #tpu.memory_space<semaphore_mem>>) attributes {dimension_semantics = [#tpu.dimension_semantics<core_parallel>, #tpu.dimension_semantics<subcore_parallel>], iteration_bounds = array<i64: 2, 16>, scalar_prefetch = 0 : i64, scratch_operands = 4 : i64, tpu.core_type = #tpu.core_type<sc_vector_subcore>, window_params = [{transform_indices = #map}, {transform_indices = #map1}, {transform_indices = #map}]} {
    %mul3A = arith.constant 2 : i32
    %mul3A_0 = arith.muli %arg1, %mul3A : i32
    %add3A = arith.addi %mul3A_0, %arg0 : i32
    %mul3A_1 = arith.constant 64 : i32
    %mul3A_2 = arith.muli %add3A, %mul3A_1 : i32
    %mul3A_3 = arith.constant 16 : i32
    %mul3A_4 = arith.muli %mul3A_2, %mul3A_3 : i32
    "tpu.region"() ({
      %run_scoped3A = tpu.sem_alloc : memref<!tpu.dma_semaphore, #tpu.memory_space<semaphore_mem>>
      %dma_start3A_38 = tpu.memref_slice %arg2[%mul3A_4] : memref<32768xi32, #tpu.memory_space<hbm>> -> memref<1024xi32, #tpu.memory_space<hbm>>
      %dma_start3A_39 = tpu.memref_slice %arg2[%mul3A_4] : memref<32768xi32, #tpu.memory_space<hbm>> -> memref<1024xi32, #tpu.memory_space<hbm>>
      tpu.enqueue_dma source(%dma_start3A_39 : memref<1024xi32, #tpu.memory_space<hbm>>) target(%arg5 : memref<1024xi32, #tpu.memory_space<vmem>>) target_semaphore(%run_scoped3A : memref<!tpu.dma_semaphore, #tpu.memory_space<semaphore_mem>>)
      %dma_wait3A_40 = tpu.memref_slice %arg2[%mul3A_4] : memref<32768xi32, #tpu.memory_space<hbm>> -> memref<1024xi32, #tpu.memory_space<hbm>>
      %dma_wait3A_41 = tpu.memref_slice %arg2[%mul3A_4] : memref<32768xi32, #tpu.memory_space<hbm>> -> memref<1024xi32, #tpu.memory_space<hbm>>
      tpu.wait_dma2 semaphore(%run_scoped3A : memref<!tpu.dma_semaphore, #tpu.memory_space<semaphore_mem>>) src(%dma_wait3A_41 : memref<1024xi32, #tpu.memory_space<hbm>>) dst(%arg5 : memref<1024xi32, #tpu.memory_space<vmem>>)
      tpu.yield
    }) : () -> ()
    %dma_start3A = arith.constant 0 : i32
    %dma_start3A_5 = tpu.memref_slice %arg5[%dma_start3A] : memref<1024xi32, #tpu.memory_space<vmem>> -> memref<512xi32, #tpu.memory_space<vmem>>
    %dma_start3A_6 = arith.constant 0 : i32
    %dma_start3A_7 = arith.constant 0 : i32
    %dma_start3A_8 = tpu.memref_slice %arg3[%dma_start3A_6, %dma_start3A_7] : memref<106496x128xf32, #tpu.memory_space<hbm>> -> memref<106496x128xf32, #tpu.memory_space<hbm>>
    tpu.enqueue_indirect_dma source(%dma_start3A_8 : memref<106496x128xf32, #tpu.memory_space<hbm>>) target(%arg6 : memref<512x128xf32, #tpu.memory_space<vmem>>) offsets(%dma_start3A_5 : memref<512xi32, #tpu.memory_space<vmem>>) semaphore(%arg8 : memref<!tpu.dma_semaphore, #tpu.memory_space<semaphore_mem>>)
    %dma_wait3A = arith.constant 0 : i32
    %dma_wait3A_9 = tpu.memref_slice %arg5[%dma_wait3A] : memref<1024xi32, #tpu.memory_space<vmem>> -> memref<512xi32, #tpu.memory_space<vmem>>
    %dma_wait3A_10 = arith.constant 0 : i32
    %dma_wait3A_11 = arith.constant 0 : i32
    %dma_wait3A_12 = tpu.memref_slice %arg3[%dma_wait3A_10, %dma_wait3A_11] : memref<106496x128xf32, #tpu.memory_space<hbm>> -> memref<106496x128xf32, #tpu.memory_space<hbm>>
    tpu.wait_indirect_dma semaphore(%arg8 : memref<!tpu.dma_semaphore, #tpu.memory_space<semaphore_mem>>) src(%dma_wait3A_12 : memref<106496x128xf32, #tpu.memory_space<hbm>>) dst(%arg6 : memref<512x128xf32, #tpu.memory_space<vmem>>)
    %scan3A = arith.constant 0 : i32
    %scan3A_13 = arith.constant 0 : i32
    %scan3A_14 = arith.constant 32 : i32
    %scan3A_15 = arith.addi %scan3A_13, %scan3A_14 : i32
    %scan3A_16 = arith.constant 1 : i32
    %scan3A_17 = scf.for %scan3A_38 = %scan3A_13 to %scan3A_15 step %scan3A_16 iter_args(%scan3A_39 = %scan3A) -> (i32)  : i32 {
      %mul3A_40 = arith.constant 16 : i32
      %mul3A_41 = arith.muli %scan3A_38, %mul3A_40 : i32
      %get3A = arith.index_cast %mul3A_41 : i32 to index
      %get3A_42 = arith.constant 0 : index
      %get3A_43 = tpu.vector_load %arg6[%get3A, %get3A_42] {strides = array<i32>} : memref<512x128xf32, #tpu.memory_space<vmem>>, vector<1x16xf32>,
      %get3A_44 = vector.shape_cast %get3A_43 : vector<1x16xf32> to vector<16xf32>
      %scan3A_45 = arith.constant 1 : i32
      %scan3A_46 = arith.constant 15 : i32
      %scan3A_47 = arith.addi %scan3A_45, %scan3A_46 : i32
      %scan3A_48 = arith.constant 1 : i32
      %scan3A_49 = scf.for %scan3A_239 = %scan3A_45 to %scan3A_47 step %scan3A_48 iter_args(%scan3A_240 = %get3A_44) -> (vector<16xf32>)  : i32 {
        %mul3A_241 = arith.constant 16 : i32
        %mul3A_242 = arith.muli %scan3A_38, %mul3A_241 : i32
        %add3A_243 = arith.addi %mul3A_242, %scan3A_239 : i32
        %get3A_244 = arith.index_cast %add3A_243 : i32 to index
        %get3A_245 = arith.constant 0 : index
        %get3A_246 = tpu.vector_load %arg6[%get3A_244, %get3A_245] {strides = array<i32>} : memref<512x128xf32, #tpu.memory_space<vmem>>, vector<1x16xf32>,
        %get3A_247 = vector.shape_cast %get3A_246 : vector<1x16xf32> to vector<16xf32>
        %add3A_248 = arith.addf %scan3A_240, %get3A_247 : vector<16xf32>
        scf.yield %add3A_248 : vector<16xf32>
      }
      %scan3A_50 = arith.constant 15 : i32
      %mul3A_51 = arith.constant 6.250000e-02 : f32
      %mul3A_52 = vector.broadcast %mul3A_51 : f32 to vector<16xf32>
      %mul3A_53 = arith.mulf %scan3A_49, %mul3A_52 : vector<16xf32>
      %add3A_54 = arith.constant 0 : i32
      %add3A_55 = arith.addi %add3A_54, %scan3A_38 : i32
      %mul3A_56 = arith.constant 128 : i32
      %mul3A_57 = arith.muli %add3A_55, %mul3A_56 : i32
      %add3A_58 = arith.constant 0 : i32
      %add3A_59 = arith.addi %mul3A_57, %add3A_58 : i32
      %swap3A = arith.index_cast %add3A_59 : i32 to index
      %swap3A_60 = tpu.vector_load %arg7[%swap3A] {strides = array<i32>} : memref<8192xf32, #tpu.memory_space<vmem>>, vector<16xf32>,
      %swap3A_61 = vector.shape_cast %swap3A_60 : vector<16xf32> to vector<16xf32>
      %swap3A_62 = vector.shape_cast %mul3A_53 : vector<16xf32> to vector<16xf32>
      tpu.vector_store %arg7[%swap3A], %swap3A_62 {strides = array<i32>} : memref<8192xf32, #tpu.memory_space<vmem>>, vector<16xf32>,
      %mul3A_63 = arith.constant 16 : i32
      %mul3A_64 = arith.muli %scan3A_38, %mul3A_63 : i32
      %get3A_65 = arith.index_cast %mul3A_64 : i32 to index
      %get3A_66 = arith.constant 16 : index
      %get3A_67 = tpu.vector_load %arg6[%get3A_65, %get3A_66] {strides = array<i32>} : memref<512x128xf32, #tpu.memory_space<vmem>>, vector<1x16xf32>,
      %get3A_68 = vector.shape_cast %get3A_67 : vector<1x16xf32> to vector<16xf32>
      %scan3A_69 = arith.constant 1 : i32
      %scan3A_70 = arith.constant 15 : i32
      %scan3A_71 = arith.addi %scan3A_69, %scan3A_70 : i32
      %scan3A_72 = arith.constant 1 : i32
      %scan3A_73 = scf.for %scan3A_239 = %scan3A_69 to %scan3A_71 step %scan3A_72 iter_args(%scan3A_240 = %get3A_68) -> (vector<16xf32>)  : i32 {
        %mul3A_241 = arith.constant 16 : i32
        %mul3A_242 = arith.muli %scan3A_38, %mul3A_241 : i32
        %add3A_243 = arith.addi %mul3A_242, %scan3A_239 : i32
        %get3A_244 = arith.index_cast %add3A_243 : i32 to index
        %get3A_245 = arith.constant 16 : index
        %get3A_246 = tpu.vector_load %arg6[%get3A_244, %get3A_245] {strides = array<i32>} : memref<512x128xf32, #tpu.memory_space<vmem>>, vector<1x16xf32>,
        %get3A_247 = vector.shape_cast %get3A_246 : vector<1x16xf32> to vector<16xf32>
        %add3A_248 = arith.addf %scan3A_240, %get3A_247 : vector<16xf32>
        scf.yield %add3A_248 : vector<16xf32>
      }
      %scan3A_74 = arith.constant 15 : i32
      %mul3A_75 = arith.constant 6.250000e-02 : f32
      %mul3A_76 = vector.broadcast %mul3A_75 : f32 to vector<16xf32>
      %mul3A_77 = arith.mulf %scan3A_73, %mul3A_76 : vector<16xf32>
      %add3A_78 = arith.constant 0 : i32
      %add3A_79 = arith.addi %add3A_78, %scan3A_38 : i32
      %mul3A_80 = arith.constant 128 : i32
      %mul3A_81 = arith.muli %add3A_79, %mul3A_80 : i32
      %add3A_82 = arith.constant 16 : i32
      %add3A_83 = arith.addi %mul3A_81, %add3A_82 : i32
      %swap3A_84 = arith.index_cast %add3A_83 : i32 to index
      %swap3A_85 = tpu.vector_load %arg7[%swap3A_84] {strides = array<i32>} : memref<8192xf32, #tpu.memory_space<vmem>>, vector<16xf32>,
      %swap3A_86 = vector.shape_cast %swap3A_85 : vector<16xf32> to vector<16xf32>
      %swap3A_87 = vector.shape_cast %mul3A_77 : vector<16xf32> to vector<16xf32>
      tpu.vector_store %arg7[%swap3A_84], %swap3A_87 {strides = array<i32>} : memref<8192xf32, #tpu.memory_space<vmem>>, vector<16xf32>,
      %mul3A_88 = arith.constant 16 : i32
      %mul3A_89 = arith.muli %scan3A_38, %mul3A_88 : i32
      %get3A_90 = arith.index_cast %mul3A_89 : i32 to index
      %get3A_91 = arith.constant 32 : index
      %get3A_92 = tpu.vector_load %arg6[%get3A_90, %get3A_91] {strides = array<i32>} : memref<512x128xf32, #tpu.memory_space<vmem>>, vector<1x16xf32>,
      %get3A_93 = vector.shape_cast %get3A_92 : vector<1x16xf32> to vector<16xf32>
      %scan3A_94 = arith.constant 1 : i32
      %scan3A_95 = arith.constant 15 : i32
      %scan3A_96 = arith.addi %scan3A_94, %scan3A_95 : i32
      %scan3A_97 = arith.constant 1 : i32
      %scan3A_98 = scf.for %scan3A_239 = %scan3A_94 to %scan3A_96 step %scan3A_97 iter_args(%scan3A_240 = %get3A_93) -> (vector<16xf32>)  : i32 {
        %mul3A_241 = arith.constant 16 : i32
        %mul3A_242 = arith.muli %scan3A_38, %mul3A_241 : i32
        %add3A_243 = arith.addi %mul3A_242, %scan3A_239 : i32
        %get3A_244 = arith.index_cast %add3A_243 : i32 to index
        %get3A_245 = arith.constant 32 : index
        %get3A_246 = tpu.vector_load %arg6[%get3A_244, %get3A_245] {strides = array<i32>} : memref<512x128xf32, #tpu.memory_space<vmem>>, vector<1x16xf32>,
        %get3A_247 = vector.shape_cast %get3A_246 : vector<1x16xf32> to vector<16xf32>
        %add3A_248 = arith.addf %scan3A_240, %get3A_247 : vector<16xf32>
        scf.yield %add3A_248 : vector<16xf32>
      }
      %scan3A_99 = arith.constant 15 : i32
      %mul3A_100 = arith.constant 6.250000e-02 : f32
      %mul3A_101 = vector.broadcast %mul3A_100 : f32 to vector<16xf32>
      %mul3A_102 = arith.mulf %scan3A_98, %mul3A_101 : vector<16xf32>
      %add3A_103 = arith.constant 0 : i32
      %add3A_104 = arith.addi %add3A_103, %scan3A_38 : i32
      %mul3A_105 = arith.constant 128 : i32
      %mul3A_106 = arith.muli %add3A_104, %mul3A_105 : i32
      %add3A_107 = arith.constant 32 : i32
      %add3A_108 = arith.addi %mul3A_106, %add3A_107 : i32
      %swap3A_109 = arith.index_cast %add3A_108 : i32 to index
      %swap3A_110 = tpu.vector_load %arg7[%swap3A_109] {strides = array<i32>} : memref<8192xf32, #tpu.memory_space<vmem>>, vector<16xf32>,
      %swap3A_111 = vector.shape_cast %swap3A_110 : vector<16xf32> to vector<16xf32>
      %swap3A_112 = vector.shape_cast %mul3A_102 : vector<16xf32> to vector<16xf32>
      tpu.vector_store %arg7[%swap3A_109], %swap3A_112 {strides = array<i32>} : memref<8192xf32, #tpu.memory_space<vmem>>, vector<16xf32>,
      %mul3A_113 = arith.constant 16 : i32
      %mul3A_114 = arith.muli %scan3A_38, %mul3A_113 : i32
      %get3A_115 = arith.index_cast %mul3A_114 : i32 to index
      %get3A_116 = arith.constant 48 : index
      %get3A_117 = tpu.vector_load %arg6[%get3A_115, %get3A_116] {strides = array<i32>} : memref<512x128xf32, #tpu.memory_space<vmem>>, vector<1x16xf32>,
      %get3A_118 = vector.shape_cast %get3A_117 : vector<1x16xf32> to vector<16xf32>
      %scan3A_119 = arith.constant 1 : i32
      %scan3A_120 = arith.constant 15 : i32
      %scan3A_121 = arith.addi %scan3A_119, %scan3A_120 : i32
      %scan3A_122 = arith.constant 1 : i32
      %scan3A_123 = scf.for %scan3A_239 = %scan3A_119 to %scan3A_121 step %scan3A_122 iter_args(%scan3A_240 = %get3A_118) -> (vector<16xf32>)  : i32 {
        %mul3A_241 = arith.constant 16 : i32
        %mul3A_242 = arith.muli %scan3A_38, %mul3A_241 : i32
        %add3A_243 = arith.addi %mul3A_242, %scan3A_239 : i32
        %get3A_244 = arith.index_cast %add3A_243 : i32 to index
        %get3A_245 = arith.constant 48 : index
        %get3A_246 = tpu.vector_load %arg6[%get3A_244, %get3A_245] {strides = array<i32>} : memref<512x128xf32, #tpu.memory_space<vmem>>, vector<1x16xf32>,
        %get3A_247 = vector.shape_cast %get3A_246 : vector<1x16xf32> to vector<16xf32>
        %add3A_248 = arith.addf %scan3A_240, %get3A_247 : vector<16xf32>
        scf.yield %add3A_248 : vector<16xf32>
      }
      %scan3A_124 = arith.constant 15 : i32
      %mul3A_125 = arith.constant 6.250000e-02 : f32
      %mul3A_126 = vector.broadcast %mul3A_125 : f32 to vector<16xf32>
      %mul3A_127 = arith.mulf %scan3A_123, %mul3A_126 : vector<16xf32>
      %add3A_128 = arith.constant 0 : i32
      %add3A_129 = arith.addi %add3A_128, %scan3A_38 : i32
      %mul3A_130 = arith.constant 128 : i32
      %mul3A_131 = arith.muli %add3A_129, %mul3A_130 : i32
      %add3A_132 = arith.constant 48 : i32
      %add3A_133 = arith.addi %mul3A_131, %add3A_132 : i32
      %swap3A_134 = arith.index_cast %add3A_133 : i32 to index
      %swap3A_135 = tpu.vector_load %arg7[%swap3A_134] {strides = array<i32>} : memref<8192xf32, #tpu.memory_space<vmem>>, vector<16xf32>,
      %swap3A_136 = vector.shape_cast %swap3A_135 : vector<16xf32> to vector<16xf32>
      %swap3A_137 = vector.shape_cast %mul3A_127 : vector<16xf32> to vector<16xf32>
      tpu.vector_store %arg7[%swap3A_134], %swap3A_137 {strides = array<i32>} : memref<8192xf32, #tpu.memory_space<vmem>>, vector<16xf32>,
      %mul3A_138 = arith.constant 16 : i32
      %mul3A_139 = arith.muli %scan3A_38, %mul3A_138 : i32
      %get3A_140 = arith.index_cast %mul3A_139 : i32 to index
      %get3A_141 = arith.constant 64 : index
      %get3A_142 = tpu.vector_load %arg6[%get3A_140, %get3A_141] {strides = array<i32>} : memref<512x128xf32, #tpu.memory_space<vmem>>, vector<1x16xf32>,
      %get3A_143 = vector.shape_cast %get3A_142 : vector<1x16xf32> to vector<16xf32>
      %scan3A_144 = arith.constant 1 : i32
      %scan3A_145 = arith.constant 15 : i32
      %scan3A_146 = arith.addi %scan3A_144, %scan3A_145 : i32
      %scan3A_147 = arith.constant 1 : i32
      %scan3A_148 = scf.for %scan3A_239 = %scan3A_144 to %scan3A_146 step %scan3A_147 iter_args(%scan3A_240 = %get3A_143) -> (vector<16xf32>)  : i32 {
        %mul3A_241 = arith.constant 16 : i32
        %mul3A_242 = arith.muli %scan3A_38, %mul3A_241 : i32
        %add3A_243 = arith.addi %mul3A_242, %scan3A_239 : i32
        %get3A_244 = arith.index_cast %add3A_243 : i32 to index
        %get3A_245 = arith.constant 64 : index
        %get3A_246 = tpu.vector_load %arg6[%get3A_244, %get3A_245] {strides = array<i32>} : memref<512x128xf32, #tpu.memory_space<vmem>>, vector<1x16xf32>,
        %get3A_247 = vector.shape_cast %get3A_246 : vector<1x16xf32> to vector<16xf32>
        %add3A_248 = arith.addf %scan3A_240, %get3A_247 : vector<16xf32>
        scf.yield %add3A_248 : vector<16xf32>
      }
      %scan3A_149 = arith.constant 15 : i32
      %mul3A_150 = arith.constant 6.250000e-02 : f32
      %mul3A_151 = vector.broadcast %mul3A_150 : f32 to vector<16xf32>
      %mul3A_152 = arith.mulf %scan3A_148, %mul3A_151 : vector<16xf32>
      %add3A_153 = arith.constant 0 : i32
      %add3A_154 = arith.addi %add3A_153, %scan3A_38 : i32
      %mul3A_155 = arith.constant 128 : i32
      %mul3A_156 = arith.muli %add3A_154, %mul3A_155 : i32
      %add3A_157 = arith.constant 64 : i32
      %add3A_158 = arith.addi %mul3A_156, %add3A_157 : i32
      %swap3A_159 = arith.index_cast %add3A_158 : i32 to index
      %swap3A_160 = tpu.vector_load %arg7[%swap3A_159] {strides = array<i32>} : memref<8192xf32, #tpu.memory_space<vmem>>, vector<16xf32>,
      %swap3A_161 = vector.shape_cast %swap3A_160 : vector<16xf32> to vector<16xf32>
      %swap3A_162 = vector.shape_cast %mul3A_152 : vector<16xf32> to vector<16xf32>
      tpu.vector_store %arg7[%swap3A_159], %swap3A_162 {strides = array<i32>} : memref<8192xf32, #tpu.memory_space<vmem>>, vector<16xf32>,
      %mul3A_163 = arith.constant 16 : i32
      %mul3A_164 = arith.muli %scan3A_38, %mul3A_163 : i32
      %get3A_165 = arith.index_cast %mul3A_164 : i32 to index
      %get3A_166 = arith.constant 80 : index
      %get3A_167 = tpu.vector_load %arg6[%get3A_165, %get3A_166] {strides = array<i32>} : memref<512x128xf32, #tpu.memory_space<vmem>>, vector<1x16xf32>,
      %get3A_168 = vector.shape_cast %get3A_167 : vector<1x16xf32> to vector<16xf32>
      %scan3A_169 = arith.constant 1 : i32
      %scan3A_170 = arith.constant 15 : i32
      %scan3A_171 = arith.addi %scan3A_169, %scan3A_170 : i32
      %scan3A_172 = arith.constant 1 : i32
      %scan3A_173 = scf.for %scan3A_239 = %scan3A_169 to %scan3A_171 step %scan3A_172 iter_args(%scan3A_240 = %get3A_168) -> (vector<16xf32>)  : i32 {
        %mul3A_241 = arith.constant 16 : i32
        %mul3A_242 = arith.muli %scan3A_38, %mul3A_241 : i32
        %add3A_243 = arith.addi %mul3A_242, %scan3A_239 : i32
        %get3A_244 = arith.index_cast %add3A_243 : i32 to index
        %get3A_245 = arith.constant 80 : index
        %get3A_246 = tpu.vector_load %arg6[%get3A_244, %get3A_245] {strides = array<i32>} : memref<512x128xf32, #tpu.memory_space<vmem>>, vector<1x16xf32>,
        %get3A_247 = vector.shape_cast %get3A_246 : vector<1x16xf32> to vector<16xf32>
        %add3A_248 = arith.addf %scan3A_240, %get3A_247 : vector<16xf32>
        scf.yield %add3A_248 : vector<16xf32>
      }
      %scan3A_174 = arith.constant 15 : i32
      %mul3A_175 = arith.constant 6.250000e-02 : f32
      %mul3A_176 = vector.broadcast %mul3A_175 : f32 to vector<16xf32>
      %mul3A_177 = arith.mulf %scan3A_173, %mul3A_176 : vector<16xf32>
      %add3A_178 = arith.constant 0 : i32
      %add3A_179 = arith.addi %add3A_178, %scan3A_38 : i32
      %mul3A_180 = arith.constant 128 : i32
      %mul3A_181 = arith.muli %add3A_179, %mul3A_180 : i32
      %add3A_182 = arith.constant 80 : i32
      %add3A_183 = arith.addi %mul3A_181, %add3A_182 : i32
      %swap3A_184 = arith.index_cast %add3A_183 : i32 to index
      %swap3A_185 = tpu.vector_load %arg7[%swap3A_184] {strides = array<i32>} : memref<8192xf32, #tpu.memory_space<vmem>>, vector<16xf32>,
      %swap3A_186 = vector.shape_cast %swap3A_185 : vector<16xf32> to vector<16xf32>
      %swap3A_187 = vector.shape_cast %mul3A_177 : vector<16xf32> to vector<16xf32>
      tpu.vector_store %arg7[%swap3A_184], %swap3A_187 {strides = array<i32>} : memref<8192xf32, #tpu.memory_space<vmem>>, vector<16xf32>,
      %mul3A_188 = arith.constant 16 : i32
      %mul3A_189 = arith.muli %scan3A_38, %mul3A_188 : i32
      %get3A_190 = arith.index_cast %mul3A_189 : i32 to index
      %get3A_191 = arith.constant 96 : index
      %get3A_192 = tpu.vector_load %arg6[%get3A_190, %get3A_191] {strides = array<i32>} : memref<512x128xf32, #tpu.memory_space<vmem>>, vector<1x16xf32>,
      %get3A_193 = vector.shape_cast %get3A_192 : vector<1x16xf32> to vector<16xf32>
      %scan3A_194 = arith.constant 1 : i32
      %scan3A_195 = arith.constant 15 : i32
      %scan3A_196 = arith.addi %scan3A_194, %scan3A_195 : i32
      %scan3A_197 = arith.constant 1 : i32
      %scan3A_198 = scf.for %scan3A_239 = %scan3A_194 to %scan3A_196 step %scan3A_197 iter_args(%scan3A_240 = %get3A_193) -> (vector<16xf32>)  : i32 {
        %mul3A_241 = arith.constant 16 : i32
        %mul3A_242 = arith.muli %scan3A_38, %mul3A_241 : i32
        %add3A_243 = arith.addi %mul3A_242, %scan3A_239 : i32
        %get3A_244 = arith.index_cast %add3A_243 : i32 to index
        %get3A_245 = arith.constant 96 : index
        %get3A_246 = tpu.vector_load %arg6[%get3A_244, %get3A_245] {strides = array<i32>} : memref<512x128xf32, #tpu.memory_space<vmem>>, vector<1x16xf32>,
        %get3A_247 = vector.shape_cast %get3A_246 : vector<1x16xf32> to vector<16xf32>
        %add3A_248 = arith.addf %scan3A_240, %get3A_247 : vector<16xf32>
        scf.yield %add3A_248 : vector<16xf32>
      }
      %scan3A_199 = arith.constant 15 : i32
      %mul3A_200 = arith.constant 6.250000e-02 : f32
      %mul3A_201 = vector.broadcast %mul3A_200 : f32 to vector<16xf32>
      %mul3A_202 = arith.mulf %scan3A_198, %mul3A_201 : vector<16xf32>
      %add3A_203 = arith.constant 0 : i32
      %add3A_204 = arith.addi %add3A_203, %scan3A_38 : i32
      %mul3A_205 = arith.constant 128 : i32
      %mul3A_206 = arith.muli %add3A_204, %mul3A_205 : i32
      %add3A_207 = arith.constant 96 : i32
      %add3A_208 = arith.addi %mul3A_206, %add3A_207 : i32
      %swap3A_209 = arith.index_cast %add3A_208 : i32 to index
      %swap3A_210 = tpu.vector_load %arg7[%swap3A_209] {strides = array<i32>} : memref<8192xf32, #tpu.memory_space<vmem>>, vector<16xf32>,
      %swap3A_211 = vector.shape_cast %swap3A_210 : vector<16xf32> to vector<16xf32>
      %swap3A_212 = vector.shape_cast %mul3A_202 : vector<16xf32> to vector<16xf32>
      tpu.vector_store %arg7[%swap3A_209], %swap3A_212 {strides = array<i32>} : memref<8192xf32, #tpu.memory_space<vmem>>, vector<16xf32>,
      %mul3A_213 = arith.constant 16 : i32
      %mul3A_214 = arith.muli %scan3A_38, %mul3A_213 : i32
      %get3A_215 = arith.index_cast %mul3A_214 : i32 to index
      %get3A_216 = arith.constant 112 : index
      %get3A_217 = tpu.vector_load %arg6[%get3A_215, %get3A_216] {strides = array<i32>} : memref<512x128xf32, #tpu.memory_space<vmem>>, vector<1x16xf32>,
      %get3A_218 = vector.shape_cast %get3A_217 : vector<1x16xf32> to vector<16xf32>
      %scan3A_219 = arith.constant 1 : i32
      %scan3A_220 = arith.constant 15 : i32
      %scan3A_221 = arith.addi %scan3A_219, %scan3A_220 : i32
      %scan3A_222 = arith.constant 1 : i32
      %scan3A_223 = scf.for %scan3A_239 = %scan3A_219 to %scan3A_221 step %scan3A_222 iter_args(%scan3A_240 = %get3A_218) -> (vector<16xf32>)  : i32 {
        %mul3A_241 = arith.constant 16 : i32
        %mul3A_242 = arith.muli %scan3A_38, %mul3A_241 : i32
        %add3A_243 = arith.addi %mul3A_242, %scan3A_239 : i32
        %get3A_244 = arith.index_cast %add3A_243 : i32 to index
        %get3A_245 = arith.constant 112 : index
        %get3A_246 = tpu.vector_load %arg6[%get3A_244, %get3A_245] {strides = array<i32>} : memref<512x128xf32, #tpu.memory_space<vmem>>, vector<1x16xf32>,
        %get3A_247 = vector.shape_cast %get3A_246 : vector<1x16xf32> to vector<16xf32>
        %add3A_248 = arith.addf %scan3A_240, %get3A_247 : vector<16xf32>
        scf.yield %add3A_248 : vector<16xf32>
      }
      %scan3A_224 = arith.constant 15 : i32
      %mul3A_225 = arith.constant 6.250000e-02 : f32
      %mul3A_226 = vector.broadcast %mul3A_225 : f32 to vector<16xf32>
      %mul3A_227 = arith.mulf %scan3A_223, %mul3A_226 : vector<16xf32>
      %add3A_228 = arith.constant 0 : i32
      %add3A_229 = arith.addi %add3A_228, %scan3A_38 : i32
      %mul3A_230 = arith.constant 128 : i32
      %mul3A_231 = arith.muli %add3A_229, %mul3A_230 : i32
      %add3A_232 = arith.constant 112 : i32
      %add3A_233 = arith.addi %mul3A_231, %add3A_232 : i32
      %swap3A_234 = arith.index_cast %add3A_233 : i32 to index
      %swap3A_235 = tpu.vector_load %arg7[%swap3A_234] {strides = array<i32>} : memref<8192xf32, #tpu.memory_space<vmem>>, vector<16xf32>,
      %swap3A_236 = vector.shape_cast %swap3A_235 : vector<16xf32> to vector<16xf32>
      %swap3A_237 = vector.shape_cast %mul3A_227 : vector<16xf32> to vector<16xf32>
      tpu.vector_store %arg7[%swap3A_234], %swap3A_237 {strides = array<i32>} : memref<8192xf32, #tpu.memory_space<vmem>>, vector<16xf32>,
      %scan3A_238 = arith.constant 0 : i32
      scf.yield %scan3A_238 : i32
    }
    %scan3A_18 = arith.constant 32 : i32
    %dma_start3A_19 = arith.constant 512 : i32
    %dma_start3A_20 = tpu.memref_slice %arg5[%dma_start3A_19] : memref<1024xi32, #tpu.memory_space<vmem>> -> memref<512xi32, #tpu.memory_space<vmem>>
    %dma_start3A_21 = arith.constant 0 : i32
    %dma_start3A_22 = arith.constant 0 : i32
    %dma_start3A_23 = tpu.memref_slice %arg3[%dma_start3A_21, %dma_start3A_22] : memref<106496x128xf32, #tpu.memory_space<hbm>> -> memref<106496x128xf32, #tpu.memory_space<hbm>>
    tpu.enqueue_indirect_dma source(%dma_start3A_23 : memref<106496x128xf32, #tpu.memory_space<hbm>>) target(%arg6 : memref<512x128xf32, #tpu.memory_space<vmem>>) offsets(%dma_start3A_20 : memref<512xi32, #tpu.memory_space<vmem>>) semaphore(%arg8 : memref<!tpu.dma_semaphore, #tpu.memory_space<semaphore_mem>>)
    %dma_wait3A_24 = arith.constant 512 : i32
    %dma_wait3A_25 = tpu.memref_slice %arg5[%dma_wait3A_24] : memref<1024xi32, #tpu.memory_space<vmem>> -> memref<512xi32, #tpu.memory_space<vmem>>
    %dma_wait3A_26 = arith.constant 0 : i32
    %dma_wait3A_27 = arith.constant 0 : i32
    %dma_wait3A_28 = tpu.memref_slice %arg3[%dma_wait3A_26, %dma_wait3A_27] : memref<106496x128xf32, #tpu.memory_space<hbm>> -> memref<106496x128xf32, #tpu.memory_space<hbm>>
    tpu.wait_indirect_dma semaphore(%arg8 : memref<!tpu.dma_semaphore, #tpu.memory_space<semaphore_mem>>) src(%dma_wait3A_28 : memref<106496x128xf32, #tpu.memory_space<hbm>>) dst(%arg6 : memref<512x128xf32, #tpu.memory_space<vmem>>)
    %scan3A_29 = arith.constant 0 : i32
    %scan3A_30 = arith.constant 0 : i32
    %scan3A_31 = arith.constant 32 : i32
    %scan3A_32 = arith.addi %scan3A_30, %scan3A_31 : i32
    %scan3A_33 = arith.constant 1 : i32
    %scan3A_34 = scf.for %scan3A_38 = %scan3A_30 to %scan3A_32 step %scan3A_33 iter_args(%scan3A_39 = %scan3A_29) -> (i32)  : i32 {
      %mul3A_40 = arith.constant 16 : i32
      %mul3A_41 = arith.muli %scan3A_38, %mul3A_40 : i32
      %get3A = arith.index_cast %mul3A_41 : i32 to index
      %get3A_42 = arith.constant 0 : index
      %get3A_43 = tpu.vector_load %arg6[%get3A, %get3A_42] {strides = array<i32>} : memref<512x128xf32, #tpu.memory_space<vmem>>, vector<1x16xf32>,
      %get3A_44 = vector.shape_cast %get3A_43 : vector<1x16xf32> to vector<16xf32>
      %scan3A_45 = arith.constant 1 : i32
      %scan3A_46 = arith.constant 15 : i32
      %scan3A_47 = arith.addi %scan3A_45, %scan3A_46 : i32
      %scan3A_48 = arith.constant 1 : i32
      %scan3A_49 = scf.for %scan3A_239 = %scan3A_45 to %scan3A_47 step %scan3A_48 iter_args(%scan3A_240 = %get3A_44) -> (vector<16xf32>)  : i32 {
        %mul3A_241 = arith.constant 16 : i32
        %mul3A_242 = arith.muli %scan3A_38, %mul3A_241 : i32
        %add3A_243 = arith.addi %mul3A_242, %scan3A_239 : i32
        %get3A_244 = arith.index_cast %add3A_243 : i32 to index
        %get3A_245 = arith.constant 0 : index
        %get3A_246 = tpu.vector_load %arg6[%get3A_244, %get3A_245] {strides = array<i32>} : memref<512x128xf32, #tpu.memory_space<vmem>>, vector<1x16xf32>,
        %get3A_247 = vector.shape_cast %get3A_246 : vector<1x16xf32> to vector<16xf32>
        %add3A_248 = arith.addf %scan3A_240, %get3A_247 : vector<16xf32>
        scf.yield %add3A_248 : vector<16xf32>
      }
      %scan3A_50 = arith.constant 15 : i32
      %mul3A_51 = arith.constant 6.250000e-02 : f32
      %mul3A_52 = vector.broadcast %mul3A_51 : f32 to vector<16xf32>
      %mul3A_53 = arith.mulf %scan3A_49, %mul3A_52 : vector<16xf32>
      %add3A_54 = arith.constant 32 : i32
      %add3A_55 = arith.addi %add3A_54, %scan3A_38 : i32
      %mul3A_56 = arith.constant 128 : i32
      %mul3A_57 = arith.muli %add3A_55, %mul3A_56 : i32
      %add3A_58 = arith.constant 0 : i32
      %add3A_59 = arith.addi %mul3A_57, %add3A_58 : i32
      %swap3A = arith.index_cast %add3A_59 : i32 to index
      %swap3A_60 = tpu.vector_load %arg7[%swap3A] {strides = array<i32>} : memref<8192xf32, #tpu.memory_space<vmem>>, vector<16xf32>,
      %swap3A_61 = vector.shape_cast %swap3A_60 : vector<16xf32> to vector<16xf32>
      %swap3A_62 = vector.shape_cast %mul3A_53 : vector<16xf32> to vector<16xf32>
      tpu.vector_store %arg7[%swap3A], %swap3A_62 {strides = array<i32>} : memref<8192xf32, #tpu.memory_space<vmem>>, vector<16xf32>,
      %mul3A_63 = arith.constant 16 : i32
      %mul3A_64 = arith.muli %scan3A_38, %mul3A_63 : i32
      %get3A_65 = arith.index_cast %mul3A_64 : i32 to index
      %get3A_66 = arith.constant 16 : index
      %get3A_67 = tpu.vector_load %arg6[%get3A_65, %get3A_66] {strides = array<i32>} : memref<512x128xf32, #tpu.memory_space<vmem>>, vector<1x16xf32>,
      %get3A_68 = vector.shape_cast %get3A_67 : vector<1x16xf32> to vector<16xf32>
      %scan3A_69 = arith.constant 1 : i32
      %scan3A_70 = arith.constant 15 : i32
      %scan3A_71 = arith.addi %scan3A_69, %scan3A_70 : i32
      %scan3A_72 = arith.constant 1 : i32
      %scan3A_73 = scf.for %scan3A_239 = %scan3A_69 to %scan3A_71 step %scan3A_72 iter_args(%scan3A_240 = %get3A_68) -> (vector<16xf32>)  : i32 {
        %mul3A_241 = arith.constant 16 : i32
        %mul3A_242 = arith.muli %scan3A_38, %mul3A_241 : i32
        %add3A_243 = arith.addi %mul3A_242, %scan3A_239 : i32
        %get3A_244 = arith.index_cast %add3A_243 : i32 to index
        %get3A_245 = arith.constant 16 : index
        %get3A_246 = tpu.vector_load %arg6[%get3A_244, %get3A_245] {strides = array<i32>} : memref<512x128xf32, #tpu.memory_space<vmem>>, vector<1x16xf32>,
        %get3A_247 = vector.shape_cast %get3A_246 : vector<1x16xf32> to vector<16xf32>
        %add3A_248 = arith.addf %scan3A_240, %get3A_247 : vector<16xf32>
        scf.yield %add3A_248 : vector<16xf32>
      }
      %scan3A_74 = arith.constant 15 : i32
      %mul3A_75 = arith.constant 6.250000e-02 : f32
      %mul3A_76 = vector.broadcast %mul3A_75 : f32 to vector<16xf32>
      %mul3A_77 = arith.mulf %scan3A_73, %mul3A_76 : vector<16xf32>
      %add3A_78 = arith.constant 32 : i32
      %add3A_79 = arith.addi %add3A_78, %scan3A_38 : i32
      %mul3A_80 = arith.constant 128 : i32
      %mul3A_81 = arith.muli %add3A_79, %mul3A_80 : i32
      %add3A_82 = arith.constant 16 : i32
      %add3A_83 = arith.addi %mul3A_81, %add3A_82 : i32
      %swap3A_84 = arith.index_cast %add3A_83 : i32 to index
      %swap3A_85 = tpu.vector_load %arg7[%swap3A_84] {strides = array<i32>} : memref<8192xf32, #tpu.memory_space<vmem>>, vector<16xf32>,
      %swap3A_86 = vector.shape_cast %swap3A_85 : vector<16xf32> to vector<16xf32>
      %swap3A_87 = vector.shape_cast %mul3A_77 : vector<16xf32> to vector<16xf32>
      tpu.vector_store %arg7[%swap3A_84], %swap3A_87 {strides = array<i32>} : memref<8192xf32, #tpu.memory_space<vmem>>, vector<16xf32>,
      %mul3A_88 = arith.constant 16 : i32
      %mul3A_89 = arith.muli %scan3A_38, %mul3A_88 : i32
      %get3A_90 = arith.index_cast %mul3A_89 : i32 to index
      %get3A_91 = arith.constant 32 : index
      %get3A_92 = tpu.vector_load %arg6[%get3A_90, %get3A_91] {strides = array<i32>} : memref<512x128xf32, #tpu.memory_space<vmem>>, vector<1x16xf32>,
      %get3A_93 = vector.shape_cast %get3A_92 : vector<1x16xf32> to vector<16xf32>
      %scan3A_94 = arith.constant 1 : i32
      %scan3A_95 = arith.constant 15 : i32
      %scan3A_96 = arith.addi %scan3A_94, %scan3A_95 : i32
      %scan3A_97 = arith.constant 1 : i32
      %scan3A_98 = scf.for %scan3A_239 = %scan3A_94 to %scan3A_96 step %scan3A_97 iter_args(%scan3A_240 = %get3A_93) -> (vector<16xf32>)  : i32 {
        %mul3A_241 = arith.constant 16 : i32
        %mul3A_242 = arith.muli %scan3A_38, %mul3A_241 : i32
        %add3A_243 = arith.addi %mul3A_242, %scan3A_239 : i32
        %get3A_244 = arith.index_cast %add3A_243 : i32 to index
        %get3A_245 = arith.constant 32 : index
        %get3A_246 = tpu.vector_load %arg6[%get3A_244, %get3A_245] {strides = array<i32>} : memref<512x128xf32, #tpu.memory_space<vmem>>, vector<1x16xf32>,
        %get3A_247 = vector.shape_cast %get3A_246 : vector<1x16xf32> to vector<16xf32>
        %add3A_248 = arith.addf %scan3A_240, %get3A_247 : vector<16xf32>
        scf.yield %add3A_248 : vector<16xf32>
      }
      %scan3A_99 = arith.constant 15 : i32
      %mul3A_100 = arith.constant 6.250000e-02 : f32
      %mul3A_101 = vector.broadcast %mul3A_100 : f32 to vector<16xf32>
      %mul3A_102 = arith.mulf %scan3A_98, %mul3A_101 : vector<16xf32>
      %add3A_103 = arith.constant 32 : i32
      %add3A_104 = arith.addi %add3A_103, %scan3A_38 : i32
      %mul3A_105 = arith.constant 128 : i32
      %mul3A_106 = arith.muli %add3A_104, %mul3A_105 : i32
      %add3A_107 = arith.constant 32 : i32
      %add3A_108 = arith.addi %mul3A_106, %add3A_107 : i32
      %swap3A_109 = arith.index_cast %add3A_108 : i32 to index
      %swap3A_110 = tpu.vector_load %arg7[%swap3A_109] {strides = array<i32>} : memref<8192xf32, #tpu.memory_space<vmem>>, vector<16xf32>,
      %swap3A_111 = vector.shape_cast %swap3A_110 : vector<16xf32> to vector<16xf32>
      %swap3A_112 = vector.shape_cast %mul3A_102 : vector<16xf32> to vector<16xf32>
      tpu.vector_store %arg7[%swap3A_109], %swap3A_112 {strides = array<i32>} : memref<8192xf32, #tpu.memory_space<vmem>>, vector<16xf32>,
      %mul3A_113 = arith.constant 16 : i32
      %mul3A_114 = arith.muli %scan3A_38, %mul3A_113 : i32
      %get3A_115 = arith.index_cast %mul3A_114 : i32 to index
      %get3A_116 = arith.constant 48 : index
      %get3A_117 = tpu.vector_load %arg6[%get3A_115, %get3A_116] {strides = array<i32>} : memref<512x128xf32, #tpu.memory_space<vmem>>, vector<1x16xf32>,
      %get3A_118 = vector.shape_cast %get3A_117 : vector<1x16xf32> to vector<16xf32>
      %scan3A_119 = arith.constant 1 : i32
      %scan3A_120 = arith.constant 15 : i32
      %scan3A_121 = arith.addi %scan3A_119, %scan3A_120 : i32
      %scan3A_122 = arith.constant 1 : i32
      %scan3A_123 = scf.for %scan3A_239 = %scan3A_119 to %scan3A_121 step %scan3A_122 iter_args(%scan3A_240 = %get3A_118) -> (vector<16xf32>)  : i32 {
        %mul3A_241 = arith.constant 16 : i32
        %mul3A_242 = arith.muli %scan3A_38, %mul3A_241 : i32
        %add3A_243 = arith.addi %mul3A_242, %scan3A_239 : i32
        %get3A_244 = arith.index_cast %add3A_243 : i32 to index
        %get3A_245 = arith.constant 48 : index
        %get3A_246 = tpu.vector_load %arg6[%get3A_244, %get3A_245] {strides = array<i32>} : memref<512x128xf32, #tpu.memory_space<vmem>>, vector<1x16xf32>,
        %get3A_247 = vector.shape_cast %get3A_246 : vector<1x16xf32> to vector<16xf32>
        %add3A_248 = arith.addf %scan3A_240, %get3A_247 : vector<16xf32>
        scf.yield %add3A_248 : vector<16xf32>
      }
      %scan3A_124 = arith.constant 15 : i32
      %mul3A_125 = arith.constant 6.250000e-02 : f32
      %mul3A_126 = vector.broadcast %mul3A_125 : f32 to vector<16xf32>
      %mul3A_127 = arith.mulf %scan3A_123, %mul3A_126 : vector<16xf32>
      %add3A_128 = arith.constant 32 : i32
      %add3A_129 = arith.addi %add3A_128, %scan3A_38 : i32
      %mul3A_130 = arith.constant 128 : i32
      %mul3A_131 = arith.muli %add3A_129, %mul3A_130 : i32
      %add3A_132 = arith.constant 48 : i32
      %add3A_133 = arith.addi %mul3A_131, %add3A_132 : i32
      %swap3A_134 = arith.index_cast %add3A_133 : i32 to index
      %swap3A_135 = tpu.vector_load %arg7[%swap3A_134] {strides = array<i32>} : memref<8192xf32, #tpu.memory_space<vmem>>, vector<16xf32>,
      %swap3A_136 = vector.shape_cast %swap3A_135 : vector<16xf32> to vector<16xf32>
      %swap3A_137 = vector.shape_cast %mul3A_127 : vector<16xf32> to vector<16xf32>
      tpu.vector_store %arg7[%swap3A_134], %swap3A_137 {strides = array<i32>} : memref<8192xf32, #tpu.memory_space<vmem>>, vector<16xf32>,
      %mul3A_138 = arith.constant 16 : i32
      %mul3A_139 = arith.muli %scan3A_38, %mul3A_138 : i32
      %get3A_140 = arith.index_cast %mul3A_139 : i32 to index
      %get3A_141 = arith.constant 64 : index
      %get3A_142 = tpu.vector_load %arg6[%get3A_140, %get3A_141] {strides = array<i32>} : memref<512x128xf32, #tpu.memory_space<vmem>>, vector<1x16xf32>,
      %get3A_143 = vector.shape_cast %get3A_142 : vector<1x16xf32> to vector<16xf32>
      %scan3A_144 = arith.constant 1 : i32
      %scan3A_145 = arith.constant 15 : i32
      %scan3A_146 = arith.addi %scan3A_144, %scan3A_145 : i32
      %scan3A_147 = arith.constant 1 : i32
      %scan3A_148 = scf.for %scan3A_239 = %scan3A_144 to %scan3A_146 step %scan3A_147 iter_args(%scan3A_240 = %get3A_143) -> (vector<16xf32>)  : i32 {
        %mul3A_241 = arith.constant 16 : i32
        %mul3A_242 = arith.muli %scan3A_38, %mul3A_241 : i32
        %add3A_243 = arith.addi %mul3A_242, %scan3A_239 : i32
        %get3A_244 = arith.index_cast %add3A_243 : i32 to index
        %get3A_245 = arith.constant 64 : index
        %get3A_246 = tpu.vector_load %arg6[%get3A_244, %get3A_245] {strides = array<i32>} : memref<512x128xf32, #tpu.memory_space<vmem>>, vector<1x16xf32>,
        %get3A_247 = vector.shape_cast %get3A_246 : vector<1x16xf32> to vector<16xf32>
        %add3A_248 = arith.addf %scan3A_240, %get3A_247 : vector<16xf32>
        scf.yield %add3A_248 : vector<16xf32>
      }
      %scan3A_149 = arith.constant 15 : i32
      %mul3A_150 = arith.constant 6.250000e-02 : f32
      %mul3A_151 = vector.broadcast %mul3A_150 : f32 to vector<16xf32>
      %mul3A_152 = arith.mulf %scan3A_148, %mul3A_151 : vector<16xf32>
      %add3A_153 = arith.constant 32 : i32
      %add3A_154 = arith.addi %add3A_153, %scan3A_38 : i32
      %mul3A_155 = arith.constant 128 : i32
      %mul3A_156 = arith.muli %add3A_154, %mul3A_155 : i32
      %add3A_157 = arith.constant 64 : i32
      %add3A_158 = arith.addi %mul3A_156, %add3A_157 : i32
      %swap3A_159 = arith.index_cast %add3A_158 : i32 to index
      %swap3A_160 = tpu.vector_load %arg7[%swap3A_159] {strides = array<i32>} : memref<8192xf32, #tpu.memory_space<vmem>>, vector<16xf32>,
      %swap3A_161 = vector.shape_cast %swap3A_160 : vector<16xf32> to vector<16xf32>
      %swap3A_162 = vector.shape_cast %mul3A_152 : vector<16xf32> to vector<16xf32>
      tpu.vector_store %arg7[%swap3A_159], %swap3A_162 {strides = array<i32>} : memref<8192xf32, #tpu.memory_space<vmem>>, vector<16xf32>,
      %mul3A_163 = arith.constant 16 : i32
      %mul3A_164 = arith.muli %scan3A_38, %mul3A_163 : i32
      %get3A_165 = arith.index_cast %mul3A_164 : i32 to index
      %get3A_166 = arith.constant 80 : index
      %get3A_167 = tpu.vector_load %arg6[%get3A_165, %get3A_166] {strides = array<i32>} : memref<512x128xf32, #tpu.memory_space<vmem>>, vector<1x16xf32>,
      %get3A_168 = vector.shape_cast %get3A_167 : vector<1x16xf32> to vector<16xf32>
      %scan3A_169 = arith.constant 1 : i32
      %scan3A_170 = arith.constant 15 : i32
      %scan3A_171 = arith.addi %scan3A_169, %scan3A_170 : i32
      %scan3A_172 = arith.constant 1 : i32
      %scan3A_173 = scf.for %scan3A_239 = %scan3A_169 to %scan3A_171 step %scan3A_172 iter_args(%scan3A_240 = %get3A_168) -> (vector<16xf32>)  : i32 {
        %mul3A_241 = arith.constant 16 : i32
        %mul3A_242 = arith.muli %scan3A_38, %mul3A_241 : i32
        %add3A_243 = arith.addi %mul3A_242, %scan3A_239 : i32
        %get3A_244 = arith.index_cast %add3A_243 : i32 to index
        %get3A_245 = arith.constant 80 : index
        %get3A_246 = tpu.vector_load %arg6[%get3A_244, %get3A_245] {strides = array<i32>} : memref<512x128xf32, #tpu.memory_space<vmem>>, vector<1x16xf32>,
        %get3A_247 = vector.shape_cast %get3A_246 : vector<1x16xf32> to vector<16xf32>
        %add3A_248 = arith.addf %scan3A_240, %get3A_247 : vector<16xf32>
        scf.yield %add3A_248 : vector<16xf32>
      }
      %scan3A_174 = arith.constant 15 : i32
      %mul3A_175 = arith.constant 6.250000e-02 : f32
      %mul3A_176 = vector.broadcast %mul3A_175 : f32 to vector<16xf32>
      %mul3A_177 = arith.mulf %scan3A_173, %mul3A_176 : vector<16xf32>
      %add3A_178 = arith.constant 32 : i32
      %add3A_179 = arith.addi %add3A_178, %scan3A_38 : i32
      %mul3A_180 = arith.constant 128 : i32
      %mul3A_181 = arith.muli %add3A_179, %mul3A_180 : i32
      %add3A_182 = arith.constant 80 : i32
      %add3A_183 = arith.addi %mul3A_181, %add3A_182 : i32
      %swap3A_184 = arith.index_cast %add3A_183 : i32 to index
      %swap3A_185 = tpu.vector_load %arg7[%swap3A_184] {strides = array<i32>} : memref<8192xf32, #tpu.memory_space<vmem>>, vector<16xf32>,
      %swap3A_186 = vector.shape_cast %swap3A_185 : vector<16xf32> to vector<16xf32>
      %swap3A_187 = vector.shape_cast %mul3A_177 : vector<16xf32> to vector<16xf32>
      tpu.vector_store %arg7[%swap3A_184], %swap3A_187 {strides = array<i32>} : memref<8192xf32, #tpu.memory_space<vmem>>, vector<16xf32>,
      %mul3A_188 = arith.constant 16 : i32
      %mul3A_189 = arith.muli %scan3A_38, %mul3A_188 : i32
      %get3A_190 = arith.index_cast %mul3A_189 : i32 to index
      %get3A_191 = arith.constant 96 : index
      %get3A_192 = tpu.vector_load %arg6[%get3A_190, %get3A_191] {strides = array<i32>} : memref<512x128xf32, #tpu.memory_space<vmem>>, vector<1x16xf32>,
      %get3A_193 = vector.shape_cast %get3A_192 : vector<1x16xf32> to vector<16xf32>
      %scan3A_194 = arith.constant 1 : i32
      %scan3A_195 = arith.constant 15 : i32
      %scan3A_196 = arith.addi %scan3A_194, %scan3A_195 : i32
      %scan3A_197 = arith.constant 1 : i32
      %scan3A_198 = scf.for %scan3A_239 = %scan3A_194 to %scan3A_196 step %scan3A_197 iter_args(%scan3A_240 = %get3A_193) -> (vector<16xf32>)  : i32 {
        %mul3A_241 = arith.constant 16 : i32
        %mul3A_242 = arith.muli %scan3A_38, %mul3A_241 : i32
        %add3A_243 = arith.addi %mul3A_242, %scan3A_239 : i32
        %get3A_244 = arith.index_cast %add3A_243 : i32 to index
        %get3A_245 = arith.constant 96 : index
        %get3A_246 = tpu.vector_load %arg6[%get3A_244, %get3A_245] {strides = array<i32>} : memref<512x128xf32, #tpu.memory_space<vmem>>, vector<1x16xf32>,
        %get3A_247 = vector.shape_cast %get3A_246 : vector<1x16xf32> to vector<16xf32>
        %add3A_248 = arith.addf %scan3A_240, %get3A_247 : vector<16xf32>
        scf.yield %add3A_248 : vector<16xf32>
      }
      %scan3A_199 = arith.constant 15 : i32
      %mul3A_200 = arith.constant 6.250000e-02 : f32
      %mul3A_201 = vector.broadcast %mul3A_200 : f32 to vector<16xf32>
      %mul3A_202 = arith.mulf %scan3A_198, %mul3A_201 : vector<16xf32>
      %add3A_203 = arith.constant 32 : i32
      %add3A_204 = arith.addi %add3A_203, %scan3A_38 : i32
      %mul3A_205 = arith.constant 128 : i32
      %mul3A_206 = arith.muli %add3A_204, %mul3A_205 : i32
      %add3A_207 = arith.constant 96 : i32
      %add3A_208 = arith.addi %mul3A_206, %add3A_207 : i32
      %swap3A_209 = arith.index_cast %add3A_208 : i32 to index
      %swap3A_210 = tpu.vector_load %arg7[%swap3A_209] {strides = array<i32>} : memref<8192xf32, #tpu.memory_space<vmem>>, vector<16xf32>,
      %swap3A_211 = vector.shape_cast %swap3A_210 : vector<16xf32> to vector<16xf32>
      %swap3A_212 = vector.shape_cast %mul3A_202 : vector<16xf32> to vector<16xf32>
      tpu.vector_store %arg7[%swap3A_209], %swap3A_212 {strides = array<i32>} : memref<8192xf32, #tpu.memory_space<vmem>>, vector<16xf32>,
      %mul3A_213 = arith.constant 16 : i32
      %mul3A_214 = arith.muli %scan3A_38, %mul3A_213 : i32
      %get3A_215 = arith.index_cast %mul3A_214 : i32 to index
      %get3A_216 = arith.constant 112 : index
      %get3A_217 = tpu.vector_load %arg6[%get3A_215, %get3A_216] {strides = array<i32>} : memref<512x128xf32, #tpu.memory_space<vmem>>, vector<1x16xf32>,
      %get3A_218 = vector.shape_cast %get3A_217 : vector<1x16xf32> to vector<16xf32>
      %scan3A_219 = arith.constant 1 : i32
      %scan3A_220 = arith.constant 15 : i32
      %scan3A_221 = arith.addi %scan3A_219, %scan3A_220 : i32
      %scan3A_222 = arith.constant 1 : i32
      %scan3A_223 = scf.for %scan3A_239 = %scan3A_219 to %scan3A_221 step %scan3A_222 iter_args(%scan3A_240 = %get3A_218) -> (vector<16xf32>)  : i32 {
        %mul3A_241 = arith.constant 16 : i32
        %mul3A_242 = arith.muli %scan3A_38, %mul3A_241 : i32
        %add3A_243 = arith.addi %mul3A_242, %scan3A_239 : i32
        %get3A_244 = arith.index_cast %add3A_243 : i32 to index
        %get3A_245 = arith.constant 112 : index
        %get3A_246 = tpu.vector_load %arg6[%get3A_244, %get3A_245] {strides = array<i32>} : memref<512x128xf32, #tpu.memory_space<vmem>>, vector<1x16xf32>,
        %get3A_247 = vector.shape_cast %get3A_246 : vector<1x16xf32> to vector<16xf32>
        %add3A_248 = arith.addf %scan3A_240, %get3A_247 : vector<16xf32>
        scf.yield %add3A_248 : vector<16xf32>
      }
      %scan3A_224 = arith.constant 15 : i32
      %mul3A_225 = arith.constant 6.250000e-02 : f32
      %mul3A_226 = vector.broadcast %mul3A_225 : f32 to vector<16xf32>
      %mul3A_227 = arith.mulf %scan3A_223, %mul3A_226 : vector<16xf32>
      %add3A_228 = arith.constant 32 : i32
      %add3A_229 = arith.addi %add3A_228, %scan3A_38 : i32
      %mul3A_230 = arith.constant 128 : i32
      %mul3A_231 = arith.muli %add3A_229, %mul3A_230 : i32
      %add3A_232 = arith.constant 112 : i32
      %add3A_233 = arith.addi %mul3A_231, %add3A_232 : i32
      %swap3A_234 = arith.index_cast %add3A_233 : i32 to index
      %swap3A_235 = tpu.vector_load %arg7[%swap3A_234] {strides = array<i32>} : memref<8192xf32, #tpu.memory_space<vmem>>, vector<16xf32>,
      %swap3A_236 = vector.shape_cast %swap3A_235 : vector<16xf32> to vector<16xf32>
      %swap3A_237 = vector.shape_cast %mul3A_227 : vector<16xf32> to vector<16xf32>
      tpu.vector_store %arg7[%swap3A_234], %swap3A_237 {strides = array<i32>} : memref<8192xf32, #tpu.memory_space<vmem>>, vector<16xf32>,
      %scan3A_238 = arith.constant 0 : i32
      scf.yield %scan3A_238 : i32
    }
    %scan3A_35 = arith.constant 32 : i32
    %mul3A_36 = arith.constant 128 : i32
    %mul3A_37 = arith.muli %mul3A_2, %mul3A_36 : i32
    "tpu.region"() ({
      %run_scoped3A = tpu.sem_alloc : memref<!tpu.dma_semaphore, #tpu.memory_space<semaphore_mem>>
      %dma_start3A_38 = tpu.memref_slice %arg4[%mul3A_37] : memref<262144xf32, #tpu.memory_space<hbm>> -> memref<8192xf32, #tpu.memory_space<hbm>>
      %dma_start3A_39 = tpu.memref_slice %arg4[%mul3A_37] : memref<262144xf32, #tpu.memory_space<hbm>> -> memref<8192xf32, #tpu.memory_space<hbm>>
      tpu.enqueue_dma source(%arg7 : memref<8192xf32, #tpu.memory_space<vmem>>) target(%dma_start3A_39 : memref<8192xf32, #tpu.memory_space<hbm>>) target_semaphore(%run_scoped3A : memref<!tpu.dma_semaphore, #tpu.memory_space<semaphore_mem>>)
      %dma_wait3A_40 = tpu.memref_slice %arg4[%mul3A_37] : memref<262144xf32, #tpu.memory_space<hbm>> -> memref<8192xf32, #tpu.memory_space<hbm>>
      %dma_wait3A_41 = tpu.memref_slice %arg4[%mul3A_37] : memref<262144xf32, #tpu.memory_space<hbm>> -> memref<8192xf32, #tpu.memory_space<hbm>>
      tpu.wait_dma2 semaphore(%run_scoped3A : memref<!tpu.dma_semaphore, #tpu.memory_space<semaphore_mem>>) src(%arg7 : memref<8192xf32, #tpu.memory_space<vmem>>) dst(%dma_wait3A_41 : memref<8192xf32, #tpu.memory_space<hbm>>)
      tpu.yield
    }) : () -> ()
    return
  }
}

module attributes {stable_mosaic.version = 14 : i64} {
  func.func @_knn_block(%arg0: i32, %arg1: i32, %arg2: memref<256x3xf32, #tpu.memory_space<vmem>>, %arg3: memref<8192x3xf32, #tpu.memory_space<vmem>>, %arg4: memref<1x8192xf32, #tpu.memory_space<vmem>>, %arg5: memref<8192x64xf32, #tpu.memory_space<vmem>>, %arg6: memref<256x16xi32, #tpu.memory_space<vmem>>, %arg7: memref<8192x128xf32, #tpu.memory_space<vmem>>, %arg8: memref<2048x16xf32, #tpu.memory_space<vmem>>, %arg9: memref<2048x16xf32, #tpu.memory_space<vmem>>) attributes {dimension_semantics = [#tpu.dimension_semantics<arbitrary>, #tpu.dimension_semantics<arbitrary>], iteration_bounds = array<i64: 13, 8>, scalar_prefetch = 0 : i64, scratch_operands = 2 : i64, tpu.core_type = #tpu.core_type<tc>, window_params = [{transform_indices = @transform_0, window_bounds = array<i64: 256, 3>}, {transform_indices = @transform_1, window_bounds = array<i64: 8192, 3>}, {transform_indices = @transform_2, window_bounds = array<i64: 1, 8192>}, {transform_indices = @transform_3, window_bounds = array<i64: 8192, 64>}, {transform_indices = @transform_4, window_bounds = array<i64: 256, 16>}, {transform_indices = @transform_5, window_bounds = array<i64: 8192, 128>}]} {
    %mul3A = arith.constant 256 : i32
    %mul3A_0 = arith.muli %arg1, %mul3A : i32
    %eq3A = arith.constant 0 : i32
    %eq3A_1 = arith.cmpi eq, %arg0, %eq3A : i32
    %convert_element_type3A = arith.extui %eq3A_1 : i1 to i32
    %cond3A = arith.constant 0 : i32
    %cond3A_2 = arith.cmpi ne, %convert_element_type3A, %cond3A : i32
    scf.if %cond3A_2 {
      %broadcast_in_dim3A_1579 = arith.constant 1.000000e+30 : f32
      %broadcast_in_dim3A_1580 = vector.broadcast %broadcast_in_dim3A_1579 : f32 to vector<256x16xf32>
      %swap3A_1581 = arith.index_cast %mul3A_0 : i32 to index
      %swap3A_1582 = arith.constant 0 : index
      %swap3A_1583 = vector.load %arg8[%swap3A_1581, %swap3A_1582] : memref<2048x16xf32, #tpu.memory_space<vmem>>, vector<256x16xf32>
      tpu.vector_store %arg8[%swap3A_1581, %swap3A_1582], %broadcast_in_dim3A_1580 {strides = array<i32>} : memref<2048x16xf32, #tpu.memory_space<vmem>>, vector<256x16xf32>,
      %broadcast_in_dim3A_1584 = arith.constant 0.000000e+00 : f32
      %broadcast_in_dim3A_1585 = vector.broadcast %broadcast_in_dim3A_1584 : f32 to vector<256x16xf32>
      %swap3A_1586 = arith.index_cast %mul3A_0 : i32 to index
      %swap3A_1587 = arith.constant 0 : index
      %swap3A_1588 = vector.load %arg9[%swap3A_1586, %swap3A_1587] : memref<2048x16xf32, #tpu.memory_space<vmem>>, vector<256x16xf32>
      tpu.vector_store %arg9[%swap3A_1586, %swap3A_1587], %broadcast_in_dim3A_1585 {strides = array<i32>} : memref<2048x16xf32, #tpu.memory_space<vmem>>, vector<256x16xf32>,
    } else {
    }
    %get3A = arith.constant 0 : index
    %get3A_3 = arith.constant 0 : index
    %get3A_4 = vector.load %arg3[%get3A, %get3A_3] : memref<8192x3xf32, #tpu.memory_space<vmem>>, vector<8192x3xf32>
    %eq3A_5 = arith.constant 0 : i32
    %eq3A_6 = arith.cmpi eq, %arg1, %eq3A_5 : i32
    %convert_element_type3A_7 = arith.extui %eq3A_6 : i1 to i32
    %cond3A_8 = arith.constant 0 : i32
    %cond3A_9 = arith.cmpi ne, %convert_element_type3A_7, %cond3A_8 : i32
    scf.if %cond3A_9 {
      %get3A_1579 = arith.constant 0 : index
      %get3A_1580 = arith.constant 0 : index
      %get3A_1581 = vector.load %arg5[%get3A_1579, %get3A_1580] : memref<8192x64xf32, #tpu.memory_space<vmem>>, vector<8192x64xf32>
      %swap3A_1582 = arith.constant 0 : index
      %swap3A_1583 = arith.constant 0 : index
      %swap3A_1584 = vector.load %arg7[%swap3A_1582, %swap3A_1583] : memref<8192x128xf32, #tpu.memory_space<vmem>>, vector<8192x64xf32>
      tpu.vector_store %arg7[%swap3A_1582, %swap3A_1583], %get3A_1581 {strides = array<i32>} : memref<8192x128xf32, #tpu.memory_space<vmem>>, vector<8192x64xf32>,
      %swap3A_1585 = arith.constant 0 : index
      %swap3A_1586 = arith.constant 64 : index
      %swap3A_1587 = vector.load %arg7[%swap3A_1585, %swap3A_1586] : memref<8192x128xf32, #tpu.memory_space<vmem>>, vector<8192x3xf32>
      tpu.vector_store %arg7[%swap3A_1585, %swap3A_1586], %get3A_4 {strides = array<i32>} : memref<8192x128xf32, #tpu.memory_space<vmem>>, vector<8192x3xf32>,
      %broadcast_in_dim3A_1588 = arith.constant 0.000000e+00 : f32
      %broadcast_in_dim3A_1589 = vector.broadcast %broadcast_in_dim3A_1588 : f32 to vector<8192x61xf32>
      %swap3A_1590 = arith.constant 0 : index
      %swap3A_1591 = arith.constant 67 : index
      %swap3A_1592 = vector.load %arg7[%swap3A_1590, %swap3A_1591] : memref<8192x128xf32, #tpu.memory_space<vmem>>, vector<8192x61xf32>
      tpu.vector_store %arg7[%swap3A_1590, %swap3A_1591], %broadcast_in_dim3A_1589 {strides = array<i32>} : memref<8192x128xf32, #tpu.memory_space<vmem>>, vector<8192x61xf32>,
    } else {
    }
    %get3A_10 = arith.constant 0 : index
    %get3A_11 = arith.constant 0 : index
    %get3A_12 = vector.load %arg2[%get3A_10, %get3A_11] : memref<256x3xf32, #tpu.memory_space<vmem>>, vector<256x3xf32>
    %dot_general3A = arith.constant dense<0.000000e+00> : vector<256x8192xf32>
    %dot_general3A_13 = tpu.matmul %get3A_12, %get3A_4, %dot_general3A {dimension_numbers = #tpu.dot_dimension_numbers<[1], [1], [0], [0], [0, 0, 1, 0], [], []>, transpose_lhs_hint = false} : vector<256x3xf32>, vector<8192x3xf32>, vector<256x8192xf32> -> vector<256x8192xf32>
    %get3A_14 = arith.constant 0 : index
    %get3A_15 = arith.constant 0 : index
    %get3A_16 = vector.load %arg4[%get3A_14, %get3A_15] : memref<1x8192xf32, #tpu.memory_space<vmem>>, vector<1x8192xf32>
    %mul3A_17 = arith.constant 2.000000e+00 : f32
    %mul3A_18 = vector.broadcast %mul3A_17 : f32 to vector<256x8192xf32>
    %mul3A_19 = arith.mulf %mul3A_18, %dot_general3A_13 : vector<256x8192xf32>
    %sub3A = vector.broadcast %get3A_16 : vector<1x8192xf32> to vector<256x8192xf32>
    %sub3A_20 = arith.subf %sub3A, %mul3A_19 : vector<256x8192xf32>
    %iota3A = tpu.iota {dimensions = array<i32: 1>} : vector<256x128xi32>
    %convert_element_type3A_21 = arith.sitofp %iota3A : vector<256x128xi32> to vector<256x128xf32>
    %mul3A_22 = arith.constant 8192 : i32
    %mul3A_23 = arith.muli %arg0, %mul3A_22 : i32
    %convert_element_type3A_24 = arith.sitofp %mul3A_23 : i32 to f32
    %slice3A = vector.extract_strided_slice %sub3A_20 {offsets = [0, 0], sizes = [256, 128], strides = [1, 1]} : vector<256x8192xf32> to vector<256x128xf32>
    %add3A = vector.broadcast %convert_element_type3A_24 : f32 to vector<256x128xf32>
    %add3A_25 = arith.addf %convert_element_type3A_21, %add3A : vector<256x128xf32>
    %broadcast_in_dim3A = arith.constant 1.000000e+30 : f32
    %broadcast_in_dim3A_26 = vector.broadcast %broadcast_in_dim3A : f32 to vector<256x128xf32>
    %broadcast_in_dim3A_27 = arith.constant -1.000000e+00 : f32
    %broadcast_in_dim3A_28 = vector.broadcast %broadcast_in_dim3A_27 : f32 to vector<256x128xf32>
    %broadcast_in_dim3A_29 = arith.constant 1.000000e+30 : f32
    %broadcast_in_dim3A_30 = vector.broadcast %broadcast_in_dim3A_29 : f32 to vector<256x128xf32>
    %broadcast_in_dim3A_31 = arith.constant -1.000000e+00 : f32
    %broadcast_in_dim3A_32 = vector.broadcast %broadcast_in_dim3A_31 : f32 to vector<256x128xf32>
    %slice3A_33 = vector.extract_strided_slice %sub3A_20 {offsets = [0, 128], sizes = [256, 128], strides = [1, 1]} : vector<256x8192xf32> to vector<256x128xf32>
    %add3A_34 = arith.constant 1.280000e+02 : f32
    %add3A_35 = arith.addf %convert_element_type3A_24, %add3A_34 : f32
    %add3A_36 = vector.broadcast %add3A_35 : f32 to vector<256x128xf32>
    %add3A_37 = arith.addf %convert_element_type3A_21, %add3A_36 : vector<256x128xf32>
    %lt3A = arith.cmpf olt, %slice3A_33, %slice3A : vector<256x128xf32>
    %max3A = arith.maximumf %slice3A, %slice3A_33 : vector<256x128xf32>
    %select_n3A = arith.select %lt3A, %add3A_25, %add3A_37 : vector<256x128xi1>, vector<256x128xf32>
    %min3A = arith.minimumf %slice3A, %slice3A_33 : vector<256x128xf32>
    %select_n3A_38 = arith.select %lt3A, %add3A_37, %add3A_25 : vector<256x128xi1>, vector<256x128xf32>
    %lt3A_39 = arith.cmpf olt, %max3A, %broadcast_in_dim3A_26 : vector<256x128xf32>
    %max3A_40 = arith.maximumf %broadcast_in_dim3A_26, %max3A : vector<256x128xf32>
    %select_n3A_41 = arith.select %lt3A_39, %broadcast_in_dim3A_28, %select_n3A : vector<256x128xi1>, vector<256x128xf32>
    %min3A_42 = arith.minimumf %broadcast_in_dim3A_26, %max3A : vector<256x128xf32>
    %select_n3A_43 = arith.select %lt3A_39, %select_n3A, %broadcast_in_dim3A_28 : vector<256x128xi1>, vector<256x128xf32>
    %lt3A_44 = arith.cmpf olt, %max3A_40, %broadcast_in_dim3A_30 : vector<256x128xf32>
    %min3A_45 = arith.minimumf %broadcast_in_dim3A_30, %max3A_40 : vector<256x128xf32>
    %select_n3A_46 = arith.select %lt3A_44, %select_n3A_41, %broadcast_in_dim3A_32 : vector<256x128xi1>, vector<256x128xf32>
    %slice3A_47 = vector.extract_strided_slice %sub3A_20 {offsets = [0, 256], sizes = [256, 128], strides = [1, 1]} : vector<256x8192xf32> to vector<256x128xf32>
    %add3A_48 = arith.constant 2.560000e+02 : f32
    %add3A_49 = arith.addf %convert_element_type3A_24, %add3A_48 : f32
    %add3A_50 = vector.broadcast %add3A_49 : f32 to vector<256x128xf32>
    %add3A_51 = arith.addf %convert_element_type3A_21, %add3A_50 : vector<256x128xf32>
    %lt3A_52 = arith.cmpf olt, %slice3A_47, %min3A : vector<256x128xf32>
    %max3A_53 = arith.maximumf %min3A, %slice3A_47 : vector<256x128xf32>
    %select_n3A_54 = arith.select %lt3A_52, %select_n3A_38, %add3A_51 : vector<256x128xi1>, vector<256x128xf32>
    %min3A_55 = arith.minimumf %min3A, %slice3A_47 : vector<256x128xf32>
    %select_n3A_56 = arith.select %lt3A_52, %add3A_51, %select_n3A_38 : vector<256x128xi1>, vector<256x128xf32>
    %lt3A_57 = arith.cmpf olt, %max3A_53, %min3A_42 : vector<256x128xf32>
    %max3A_58 = arith.maximumf %min3A_42, %max3A_53 : vector<256x128xf32>
    %select_n3A_59 = arith.select %lt3A_57, %select_n3A_43, %select_n3A_54 : vector<256x128xi1>, vector<256x128xf32>
    %min3A_60 = arith.minimumf %min3A_42, %max3A_53 : vector<256x128xf32>
    %select_n3A_61 = arith.select %lt3A_57, %select_n3A_54, %select_n3A_43 : vector<256x128xi1>, vector<256x128xf32>
    %lt3A_62 = arith.cmpf olt, %max3A_58, %min3A_45 : vector<256x128xf32>
    %min3A_63 = arith.minimumf %min3A_45, %max3A_58 : vector<256x128xf32>
    %select_n3A_64 = arith.select %lt3A_62, %select_n3A_59, %select_n3A_46 : vector<256x128xi1>, vector<256x128xf32>
    %slice3A_65 = vector.extract_strided_slice %sub3A_20 {offsets = [0, 384], sizes = [256, 128], strides = [1, 1]} : vector<256x8192xf32> to vector<256x128xf32>
    %add3A_66 = arith.constant 3.840000e+02 : f32
    %add3A_67 = arith.addf %convert_element_type3A_24, %add3A_66 : f32
    %add3A_68 = vector.broadcast %add3A_67 : f32 to vector<256x128xf32>
    %add3A_69 = arith.addf %convert_element_type3A_21, %add3A_68 : vector<256x128xf32>
    %lt3A_70 = arith.cmpf olt, %slice3A_65, %min3A_55 : vector<256x128xf32>
    %max3A_71 = arith.maximumf %min3A_55, %slice3A_65 : vector<256x128xf32>
    %select_n3A_72 = arith.select %lt3A_70, %select_n3A_56, %add3A_69 : vector<256x128xi1>, vector<256x128xf32>
    %min3A_73 = arith.minimumf %min3A_55, %slice3A_65 : vector<256x128xf32>
    %select_n3A_74 = arith.select %lt3A_70, %add3A_69, %select_n3A_56 : vector<256x128xi1>, vector<256x128xf32>
    %lt3A_75 = arith.cmpf olt, %max3A_71, %min3A_60 : vector<256x128xf32>
    %max3A_76 = arith.maximumf %min3A_60, %max3A_71 : vector<256x128xf32>
    %select_n3A_77 = arith.select %lt3A_75, %select_n3A_61, %select_n3A_72 : vector<256x128xi1>, vector<256x128xf32>
    %min3A_78 = arith.minimumf %min3A_60, %max3A_71 : vector<256x128xf32>
    %select_n3A_79 = arith.select %lt3A_75, %select_n3A_72, %select_n3A_61 : vector<256x128xi1>, vector<256x128xf32>
    %lt3A_80 = arith.cmpf olt, %max3A_76, %min3A_63 : vector<256x128xf32>
    %min3A_81 = arith.minimumf %min3A_63, %max3A_76 : vector<256x128xf32>
    %select_n3A_82 = arith.select %lt3A_80, %select_n3A_77, %select_n3A_64 : vector<256x128xi1>, vector<256x128xf32>
    %slice3A_83 = vector.extract_strided_slice %sub3A_20 {offsets = [0, 512], sizes = [256, 128], strides = [1, 1]} : vector<256x8192xf32> to vector<256x128xf32>
    %add3A_84 = arith.constant 5.120000e+02 : f32
    %add3A_85 = arith.addf %convert_element_type3A_24, %add3A_84 : f32
    %add3A_86 = vector.broadcast %add3A_85 : f32 to vector<256x128xf32>
    %add3A_87 = arith.addf %convert_element_type3A_21, %add3A_86 : vector<256x128xf32>
    %lt3A_88 = arith.cmpf olt, %slice3A_83, %min3A_73 : vector<256x128xf32>
    %max3A_89 = arith.maximumf %min3A_73, %slice3A_83 : vector<256x128xf32>
    %select_n3A_90 = arith.select %lt3A_88, %select_n3A_74, %add3A_87 : vector<256x128xi1>, vector<256x128xf32>
    %min3A_91 = arith.minimumf %min3A_73, %slice3A_83 : vector<256x128xf32>
    %select_n3A_92 = arith.select %lt3A_88, %add3A_87, %select_n3A_74 : vector<256x128xi1>, vector<256x128xf32>
    %lt3A_93 = arith.cmpf olt, %max3A_89, %min3A_78 : vector<256x128xf32>
    %max3A_94 = arith.maximumf %min3A_78, %max3A_89 : vector<256x128xf32>
    %select_n3A_95 = arith.select %lt3A_93, %select_n3A_79, %select_n3A_90 : vector<256x128xi1>, vector<256x128xf32>
    %min3A_96 = arith.minimumf %min3A_78, %max3A_89 : vector<256x128xf32>
    %select_n3A_97 = arith.select %lt3A_93, %select_n3A_90, %select_n3A_79 : vector<256x128xi1>, vector<256x128xf32>
    %lt3A_98 = arith.cmpf olt, %max3A_94, %min3A_81 : vector<256x128xf32>
    %min3A_99 = arith.minimumf %min3A_81, %max3A_94 : vector<256x128xf32>
    %select_n3A_100 = arith.select %lt3A_98, %select_n3A_95, %select_n3A_82 : vector<256x128xi1>, vector<256x128xf32>
    %slice3A_101 = vector.extract_strided_slice %sub3A_20 {offsets = [0, 640], sizes = [256, 128], strides = [1, 1]} : vector<256x8192xf32> to vector<256x128xf32>
    %add3A_102 = arith.constant 6.400000e+02 : f32
    %add3A_103 = arith.addf %convert_element_type3A_24, %add3A_102 : f32
    %add3A_104 = vector.broadcast %add3A_103 : f32 to vector<256x128xf32>
    %add3A_105 = arith.addf %convert_element_type3A_21, %add3A_104 : vector<256x128xf32>
    %lt3A_106 = arith.cmpf olt, %slice3A_101, %min3A_91 : vector<256x128xf32>
    %max3A_107 = arith.maximumf %min3A_91, %slice3A_101 : vector<256x128xf32>
    %select_n3A_108 = arith.select %lt3A_106, %select_n3A_92, %add3A_105 : vector<256x128xi1>, vector<256x128xf32>
    %min3A_109 = arith.minimumf %min3A_91, %slice3A_101 : vector<256x128xf32>
    %select_n3A_110 = arith.select %lt3A_106, %add3A_105, %select_n3A_92 : vector<256x128xi1>, vector<256x128xf32>
    %lt3A_111 = arith.cmpf olt, %max3A_107, %min3A_96 : vector<256x128xf32>
    %max3A_112 = arith.maximumf %min3A_96, %max3A_107 : vector<256x128xf32>
    %select_n3A_113 = arith.select %lt3A_111, %select_n3A_97, %select_n3A_108 : vector<256x128xi1>, vector<256x128xf32>
    %min3A_114 = arith.minimumf %min3A_96, %max3A_107 : vector<256x128xf32>
    %select_n3A_115 = arith.select %lt3A_111, %select_n3A_108, %select_n3A_97 : vector<256x128xi1>, vector<256x128xf32>
    %lt3A_116 = arith.cmpf olt, %max3A_112, %min3A_99 : vector<256x128xf32>
    %min3A_117 = arith.minimumf %min3A_99, %max3A_112 : vector<256x128xf32>
    %select_n3A_118 = arith.select %lt3A_116, %select_n3A_113, %select_n3A_100 : vector<256x128xi1>, vector<256x128xf32>
    %slice3A_119 = vector.extract_strided_slice %sub3A_20 {offsets = [0, 768], sizes = [256, 128], strides = [1, 1]} : vector<256x8192xf32> to vector<256x128xf32>
    %add3A_120 = arith.constant 7.680000e+02 : f32
    %add3A_121 = arith.addf %convert_element_type3A_24, %add3A_120 : f32
    %add3A_122 = vector.broadcast %add3A_121 : f32 to vector<256x128xf32>
    %add3A_123 = arith.addf %convert_element_type3A_21, %add3A_122 : vector<256x128xf32>
    %lt3A_124 = arith.cmpf olt, %slice3A_119, %min3A_109 : vector<256x128xf32>
    %max3A_125 = arith.maximumf %min3A_109, %slice3A_119 : vector<256x128xf32>
    %select_n3A_126 = arith.select %lt3A_124, %select_n3A_110, %add3A_123 : vector<256x128xi1>, vector<256x128xf32>
    %min3A_127 = arith.minimumf %min3A_109, %slice3A_119 : vector<256x128xf32>
    %select_n3A_128 = arith.select %lt3A_124, %add3A_123, %select_n3A_110 : vector<256x128xi1>, vector<256x128xf32>
    %lt3A_129 = arith.cmpf olt, %max3A_125, %min3A_114 : vector<256x128xf32>
    %max3A_130 = arith.maximumf %min3A_114, %max3A_125 : vector<256x128xf32>
    %select_n3A_131 = arith.select %lt3A_129, %select_n3A_115, %select_n3A_126 : vector<256x128xi1>, vector<256x128xf32>
    %min3A_132 = arith.minimumf %min3A_114, %max3A_125 : vector<256x128xf32>
    %select_n3A_133 = arith.select %lt3A_129, %select_n3A_126, %select_n3A_115 : vector<256x128xi1>, vector<256x128xf32>
    %lt3A_134 = arith.cmpf olt, %max3A_130, %min3A_117 : vector<256x128xf32>
    %min3A_135 = arith.minimumf %min3A_117, %max3A_130 : vector<256x128xf32>
    %select_n3A_136 = arith.select %lt3A_134, %select_n3A_131, %select_n3A_118 : vector<256x128xi1>, vector<256x128xf32>
    %slice3A_137 = vector.extract_strided_slice %sub3A_20 {offsets = [0, 896], sizes = [256, 128], strides = [1, 1]} : vector<256x8192xf32> to vector<256x128xf32>
    %add3A_138 = arith.constant 8.960000e+02 : f32
    %add3A_139 = arith.addf %convert_element_type3A_24, %add3A_138 : f32
    %add3A_140 = vector.broadcast %add3A_139 : f32 to vector<256x128xf32>
    %add3A_141 = arith.addf %convert_element_type3A_21, %add3A_140 : vector<256x128xf32>
    %lt3A_142 = arith.cmpf olt, %slice3A_137, %min3A_127 : vector<256x128xf32>
    %max3A_143 = arith.maximumf %min3A_127, %slice3A_137 : vector<256x128xf32>
    %select_n3A_144 = arith.select %lt3A_142, %select_n3A_128, %add3A_141 : vector<256x128xi1>, vector<256x128xf32>
    %min3A_145 = arith.minimumf %min3A_127, %slice3A_137 : vector<256x128xf32>
    %select_n3A_146 = arith.select %lt3A_142, %add3A_141, %select_n3A_128 : vector<256x128xi1>, vector<256x128xf32>
    %lt3A_147 = arith.cmpf olt, %max3A_143, %min3A_132 : vector<256x128xf32>
    %max3A_148 = arith.maximumf %min3A_132, %max3A_143 : vector<256x128xf32>
    %select_n3A_149 = arith.select %lt3A_147, %select_n3A_133, %select_n3A_144 : vector<256x128xi1>, vector<256x128xf32>
    %min3A_150 = arith.minimumf %min3A_132, %max3A_143 : vector<256x128xf32>
    %select_n3A_151 = arith.select %lt3A_147, %select_n3A_144, %select_n3A_133 : vector<256x128xi1>, vector<256x128xf32>
    %lt3A_152 = arith.cmpf olt, %max3A_148, %min3A_135 : vector<256x128xf32>
    %min3A_153 = arith.minimumf %min3A_135, %max3A_148 : vector<256x128xf32>
    %select_n3A_154 = arith.select %lt3A_152, %select_n3A_149, %select_n3A_136 : vector<256x128xi1>, vector<256x128xf32>
    %slice3A_155 = vector.extract_strided_slice %sub3A_20 {offsets = [0, 1024], sizes = [256, 128], strides = [1, 1]} : vector<256x8192xf32> to vector<256x128xf32>
    %add3A_156 = arith.constant 1.024000e+03 : f32
    %add3A_157 = arith.addf %convert_element_type3A_24, %add3A_156 : f32
    %add3A_158 = vector.broadcast %add3A_157 : f32 to vector<256x128xf32>
    %add3A_159 = arith.addf %convert_element_type3A_21, %add3A_158 : vector<256x128xf32>
    %lt3A_160 = arith.cmpf olt, %slice3A_155, %min3A_145 : vector<256x128xf32>
    %max3A_161 = arith.maximumf %min3A_145, %slice3A_155 : vector<256x128xf32>
    %select_n3A_162 = arith.select %lt3A_160, %select_n3A_146, %add3A_159 : vector<256x128xi1>, vector<256x128xf32>
    %min3A_163 = arith.minimumf %min3A_145, %slice3A_155 : vector<256x128xf32>
    %select_n3A_164 = arith.select %lt3A_160, %add3A_159, %select_n3A_146 : vector<256x128xi1>, vector<256x128xf32>
    %lt3A_165 = arith.cmpf olt, %max3A_161, %min3A_150 : vector<256x128xf32>
    %max3A_166 = arith.maximumf %min3A_150, %max3A_161 : vector<256x128xf32>
    %select_n3A_167 = arith.select %lt3A_165, %select_n3A_151, %select_n3A_162 : vector<256x128xi1>, vector<256x128xf32>
    %min3A_168 = arith.minimumf %min3A_150, %max3A_161 : vector<256x128xf32>
    %select_n3A_169 = arith.select %lt3A_165, %select_n3A_162, %select_n3A_151 : vector<256x128xi1>, vector<256x128xf32>
    %lt3A_170 = arith.cmpf olt, %max3A_166, %min3A_153 : vector<256x128xf32>
    %min3A_171 = arith.minimumf %min3A_153, %max3A_166 : vector<256x128xf32>
    %select_n3A_172 = arith.select %lt3A_170, %select_n3A_167, %select_n3A_154 : vector<256x128xi1>, vector<256x128xf32>
    %slice3A_173 = vector.extract_strided_slice %sub3A_20 {offsets = [0, 1152], sizes = [256, 128], strides = [1, 1]} : vector<256x8192xf32> to vector<256x128xf32>
    %add3A_174 = arith.constant 1.152000e+03 : f32
    %add3A_175 = arith.addf %convert_element_type3A_24, %add3A_174 : f32
    %add3A_176 = vector.broadcast %add3A_175 : f32 to vector<256x128xf32>
    %add3A_177 = arith.addf %convert_element_type3A_21, %add3A_176 : vector<256x128xf32>
    %lt3A_178 = arith.cmpf olt, %slice3A_173, %min3A_163 : vector<256x128xf32>
    %max3A_179 = arith.maximumf %min3A_163, %slice3A_173 : vector<256x128xf32>
    %select_n3A_180 = arith.select %lt3A_178, %select_n3A_164, %add3A_177 : vector<256x128xi1>, vector<256x128xf32>
    %min3A_181 = arith.minimumf %min3A_163, %slice3A_173 : vector<256x128xf32>
    %select_n3A_182 = arith.select %lt3A_178, %add3A_177, %select_n3A_164 : vector<256x128xi1>, vector<256x128xf32>
    %lt3A_183 = arith.cmpf olt, %max3A_179, %min3A_168 : vector<256x128xf32>
    %max3A_184 = arith.maximumf %min3A_168, %max3A_179 : vector<256x128xf32>
    %select_n3A_185 = arith.select %lt3A_183, %select_n3A_169, %select_n3A_180 : vector<256x128xi1>, vector<256x128xf32>
    %min3A_186 = arith.minimumf %min3A_168, %max3A_179 : vector<256x128xf32>
    %select_n3A_187 = arith.select %lt3A_183, %select_n3A_180, %select_n3A_169 : vector<256x128xi1>, vector<256x128xf32>
    %lt3A_188 = arith.cmpf olt, %max3A_184, %min3A_171 : vector<256x128xf32>
    %min3A_189 = arith.minimumf %min3A_171, %max3A_184 : vector<256x128xf32>
    %select_n3A_190 = arith.select %lt3A_188, %select_n3A_185, %select_n3A_172 : vector<256x128xi1>, vector<256x128xf32>
    %slice3A_191 = vector.extract_strided_slice %sub3A_20 {offsets = [0, 1280], sizes = [256, 128], strides = [1, 1]} : vector<256x8192xf32> to vector<256x128xf32>
    %add3A_192 = arith.constant 1.280000e+03 : f32
    %add3A_193 = arith.addf %convert_element_type3A_24, %add3A_192 : f32
    %add3A_194 = vector.broadcast %add3A_193 : f32 to vector<256x128xf32>
    %add3A_195 = arith.addf %convert_element_type3A_21, %add3A_194 : vector<256x128xf32>
    %lt3A_196 = arith.cmpf olt, %slice3A_191, %min3A_181 : vector<256x128xf32>
    %max3A_197 = arith.maximumf %min3A_181, %slice3A_191 : vector<256x128xf32>
    %select_n3A_198 = arith.select %lt3A_196, %select_n3A_182, %add3A_195 : vector<256x128xi1>, vector<256x128xf32>
    %min3A_199 = arith.minimumf %min3A_181, %slice3A_191 : vector<256x128xf32>
    %select_n3A_200 = arith.select %lt3A_196, %add3A_195, %select_n3A_182 : vector<256x128xi1>, vector<256x128xf32>
    %lt3A_201 = arith.cmpf olt, %max3A_197, %min3A_186 : vector<256x128xf32>
    %max3A_202 = arith.maximumf %min3A_186, %max3A_197 : vector<256x128xf32>
    %select_n3A_203 = arith.select %lt3A_201, %select_n3A_187, %select_n3A_198 : vector<256x128xi1>, vector<256x128xf32>
    %min3A_204 = arith.minimumf %min3A_186, %max3A_197 : vector<256x128xf32>
    %select_n3A_205 = arith.select %lt3A_201, %select_n3A_198, %select_n3A_187 : vector<256x128xi1>, vector<256x128xf32>
    %lt3A_206 = arith.cmpf olt, %max3A_202, %min3A_189 : vector<256x128xf32>
    %min3A_207 = arith.minimumf %min3A_189, %max3A_202 : vector<256x128xf32>
    %select_n3A_208 = arith.select %lt3A_206, %select_n3A_203, %select_n3A_190 : vector<256x128xi1>, vector<256x128xf32>
    %slice3A_209 = vector.extract_strided_slice %sub3A_20 {offsets = [0, 1408], sizes = [256, 128], strides = [1, 1]} : vector<256x8192xf32> to vector<256x128xf32>
    %add3A_210 = arith.constant 1.408000e+03 : f32
    %add3A_211 = arith.addf %convert_element_type3A_24, %add3A_210 : f32
    %add3A_212 = vector.broadcast %add3A_211 : f32 to vector<256x128xf32>
    %add3A_213 = arith.addf %convert_element_type3A_21, %add3A_212 : vector<256x128xf32>
    %lt3A_214 = arith.cmpf olt, %slice3A_209, %min3A_199 : vector<256x128xf32>
    %max3A_215 = arith.maximumf %min3A_199, %slice3A_209 : vector<256x128xf32>
    %select_n3A_216 = arith.select %lt3A_214, %select_n3A_200, %add3A_213 : vector<256x128xi1>, vector<256x128xf32>
    %min3A_217 = arith.minimumf %min3A_199, %slice3A_209 : vector<256x128xf32>
    %select_n3A_218 = arith.select %lt3A_214, %add3A_213, %select_n3A_200 : vector<256x128xi1>, vector<256x128xf32>
    %lt3A_219 = arith.cmpf olt, %max3A_215, %min3A_204 : vector<256x128xf32>
    %max3A_220 = arith.maximumf %min3A_204, %max3A_215 : vector<256x128xf32>
    %select_n3A_221 = arith.select %lt3A_219, %select_n3A_205, %select_n3A_216 : vector<256x128xi1>, vector<256x128xf32>
    %min3A_222 = arith.minimumf %min3A_204, %max3A_215 : vector<256x128xf32>
    %select_n3A_223 = arith.select %lt3A_219, %select_n3A_216, %select_n3A_205 : vector<256x128xi1>, vector<256x128xf32>
    %lt3A_224 = arith.cmpf olt, %max3A_220, %min3A_207 : vector<256x128xf32>
    %min3A_225 = arith.minimumf %min3A_207, %max3A_220 : vector<256x128xf32>
    %select_n3A_226 = arith.select %lt3A_224, %select_n3A_221, %select_n3A_208 : vector<256x128xi1>, vector<256x128xf32>
    %slice3A_227 = vector.extract_strided_slice %sub3A_20 {offsets = [0, 1536], sizes = [256, 128], strides = [1, 1]} : vector<256x8192xf32> to vector<256x128xf32>
    %add3A_228 = arith.constant 1.536000e+03 : f32
    %add3A_229 = arith.addf %convert_element_type3A_24, %add3A_228 : f32
    %add3A_230 = vector.broadcast %add3A_229 : f32 to vector<256x128xf32>
    %add3A_231 = arith.addf %convert_element_type3A_21, %add3A_230 : vector<256x128xf32>
    %lt3A_232 = arith.cmpf olt, %slice3A_227, %min3A_217 : vector<256x128xf32>
    %max3A_233 = arith.maximumf %min3A_217, %slice3A_227 : vector<256x128xf32>
    %select_n3A_234 = arith.select %lt3A_232, %select_n3A_218, %add3A_231 : vector<256x128xi1>, vector<256x128xf32>
    %min3A_235 = arith.minimumf %min3A_217, %slice3A_227 : vector<256x128xf32>
    %select_n3A_236 = arith.select %lt3A_232, %add3A_231, %select_n3A_218 : vector<256x128xi1>, vector<256x128xf32>
    %lt3A_237 = arith.cmpf olt, %max3A_233, %min3A_222 : vector<256x128xf32>
    %max3A_238 = arith.maximumf %min3A_222, %max3A_233 : vector<256x128xf32>
    %select_n3A_239 = arith.select %lt3A_237, %select_n3A_223, %select_n3A_234 : vector<256x128xi1>, vector<256x128xf32>
    %min3A_240 = arith.minimumf %min3A_222, %max3A_233 : vector<256x128xf32>
    %select_n3A_241 = arith.select %lt3A_237, %select_n3A_234, %select_n3A_223 : vector<256x128xi1>, vector<256x128xf32>
    %lt3A_242 = arith.cmpf olt, %max3A_238, %min3A_225 : vector<256x128xf32>
    %min3A_243 = arith.minimumf %min3A_225, %max3A_238 : vector<256x128xf32>
    %select_n3A_244 = arith.select %lt3A_242, %select_n3A_239, %select_n3A_226 : vector<256x128xi1>, vector<256x128xf32>
    %slice3A_245 = vector.extract_strided_slice %sub3A_20 {offsets = [0, 1664], sizes = [256, 128], strides = [1, 1]} : vector<256x8192xf32> to vector<256x128xf32>
    %add3A_246 = arith.constant 1.664000e+03 : f32
    %add3A_247 = arith.addf %convert_element_type3A_24, %add3A_246 : f32
    %add3A_248 = vector.broadcast %add3A_247 : f32 to vector<256x128xf32>
    %add3A_249 = arith.addf %convert_element_type3A_21, %add3A_248 : vector<256x128xf32>
    %lt3A_250 = arith.cmpf olt, %slice3A_245, %min3A_235 : vector<256x128xf32>
    %max3A_251 = arith.maximumf %min3A_235, %slice3A_245 : vector<256x128xf32>
    %select_n3A_252 = arith.select %lt3A_250, %select_n3A_236, %add3A_249 : vector<256x128xi1>, vector<256x128xf32>
    %min3A_253 = arith.minimumf %min3A_235, %slice3A_245 : vector<256x128xf32>
    %select_n3A_254 = arith.select %lt3A_250, %add3A_249, %select_n3A_236 : vector<256x128xi1>, vector<256x128xf32>
    %lt3A_255 = arith.cmpf olt, %max3A_251, %min3A_240 : vector<256x128xf32>
    %max3A_256 = arith.maximumf %min3A_240, %max3A_251 : vector<256x128xf32>
    %select_n3A_257 = arith.select %lt3A_255, %select_n3A_241, %select_n3A_252 : vector<256x128xi1>, vector<256x128xf32>
    %min3A_258 = arith.minimumf %min3A_240, %max3A_251 : vector<256x128xf32>
    %select_n3A_259 = arith.select %lt3A_255, %select_n3A_252, %select_n3A_241 : vector<256x128xi1>, vector<256x128xf32>
    %lt3A_260 = arith.cmpf olt, %max3A_256, %min3A_243 : vector<256x128xf32>
    %min3A_261 = arith.minimumf %min3A_243, %max3A_256 : vector<256x128xf32>
    %select_n3A_262 = arith.select %lt3A_260, %select_n3A_257, %select_n3A_244 : vector<256x128xi1>, vector<256x128xf32>
    %slice3A_263 = vector.extract_strided_slice %sub3A_20 {offsets = [0, 1792], sizes = [256, 128], strides = [1, 1]} : vector<256x8192xf32> to vector<256x128xf32>
    %add3A_264 = arith.constant 1.792000e+03 : f32
    %add3A_265 = arith.addf %convert_element_type3A_24, %add3A_264 : f32
    %add3A_266 = vector.broadcast %add3A_265 : f32 to vector<256x128xf32>
    %add3A_267 = arith.addf %convert_element_type3A_21, %add3A_266 : vector<256x128xf32>
    %lt3A_268 = arith.cmpf olt, %slice3A_263, %min3A_253 : vector<256x128xf32>
    %max3A_269 = arith.maximumf %min3A_253, %slice3A_263 : vector<256x128xf32>
    %select_n3A_270 = arith.select %lt3A_268, %select_n3A_254, %add3A_267 : vector<256x128xi1>, vector<256x128xf32>
    %min3A_271 = arith.minimumf %min3A_253, %slice3A_263 : vector<256x128xf32>
    %select_n3A_272 = arith.select %lt3A_268, %add3A_267, %select_n3A_254 : vector<256x128xi1>, vector<256x128xf32>
    %lt3A_273 = arith.cmpf olt, %max3A_269, %min3A_258 : vector<256x128xf32>
    %max3A_274 = arith.maximumf %min3A_258, %max3A_269 : vector<256x128xf32>
    %select_n3A_275 = arith.select %lt3A_273, %select_n3A_259, %select_n3A_270 : vector<256x128xi1>, vector<256x128xf32>
    %min3A_276 = arith.minimumf %min3A_258, %max3A_269 : vector<256x128xf32>
    %select_n3A_277 = arith.select %lt3A_273, %select_n3A_270, %select_n3A_259 : vector<256x128xi1>, vector<256x128xf32>
    %lt3A_278 = arith.cmpf olt, %max3A_274, %min3A_261 : vector<256x128xf32>
    %min3A_279 = arith.minimumf %min3A_261, %max3A_274 : vector<256x128xf32>
    %select_n3A_280 = arith.select %lt3A_278, %select_n3A_275, %select_n3A_262 : vector<256x128xi1>, vector<256x128xf32>
    %slice3A_281 = vector.extract_strided_slice %sub3A_20 {offsets = [0, 1920], sizes = [256, 128], strides = [1, 1]} : vector<256x8192xf32> to vector<256x128xf32>
    %add3A_282 = arith.constant 1.920000e+03 : f32
    %add3A_283 = arith.addf %convert_element_type3A_24, %add3A_282 : f32
    %add3A_284 = vector.broadcast %add3A_283 : f32 to vector<256x128xf32>
    %add3A_285 = arith.addf %convert_element_type3A_21, %add3A_284 : vector<256x128xf32>
    %lt3A_286 = arith.cmpf olt, %slice3A_281, %min3A_271 : vector<256x128xf32>
    %max3A_287 = arith.maximumf %min3A_271, %slice3A_281 : vector<256x128xf32>
    %select_n3A_288 = arith.select %lt3A_286, %select_n3A_272, %add3A_285 : vector<256x128xi1>, vector<256x128xf32>
    %min3A_289 = arith.minimumf %min3A_271, %slice3A_281 : vector<256x128xf32>
    %select_n3A_290 = arith.select %lt3A_286, %add3A_285, %select_n3A_272 : vector<256x128xi1>, vector<256x128xf32>
    %lt3A_291 = arith.cmpf olt, %max3A_287, %min3A_276 : vector<256x128xf32>
    %max3A_292 = arith.maximumf %min3A_276, %max3A_287 : vector<256x128xf32>
    %select_n3A_293 = arith.select %lt3A_291, %select_n3A_277, %select_n3A_288 : vector<256x128xi1>, vector<256x128xf32>
    %min3A_294 = arith.minimumf %min3A_276, %max3A_287 : vector<256x128xf32>
    %select_n3A_295 = arith.select %lt3A_291, %select_n3A_288, %select_n3A_277 : vector<256x128xi1>, vector<256x128xf32>
    %lt3A_296 = arith.cmpf olt, %max3A_292, %min3A_279 : vector<256x128xf32>
    %min3A_297 = arith.minimumf %min3A_279, %max3A_292 : vector<256x128xf32>
    %select_n3A_298 = arith.select %lt3A_296, %select_n3A_293, %select_n3A_280 : vector<256x128xi1>, vector<256x128xf32>
    %slice3A_299 = vector.extract_strided_slice %sub3A_20 {offsets = [0, 2048], sizes = [256, 128], strides = [1, 1]} : vector<256x8192xf32> to vector<256x128xf32>
    %add3A_300 = arith.constant 2.048000e+03 : f32
    %add3A_301 = arith.addf %convert_element_type3A_24, %add3A_300 : f32
    %add3A_302 = vector.broadcast %add3A_301 : f32 to vector<256x128xf32>
    %add3A_303 = arith.addf %convert_element_type3A_21, %add3A_302 : vector<256x128xf32>
    %lt3A_304 = arith.cmpf olt, %slice3A_299, %min3A_289 : vector<256x128xf32>
    %max3A_305 = arith.maximumf %min3A_289, %slice3A_299 : vector<256x128xf32>
    %select_n3A_306 = arith.select %lt3A_304, %select_n3A_290, %add3A_303 : vector<256x128xi1>, vector<256x128xf32>
    %min3A_307 = arith.minimumf %min3A_289, %slice3A_299 : vector<256x128xf32>
    %select_n3A_308 = arith.select %lt3A_304, %add3A_303, %select_n3A_290 : vector<256x128xi1>, vector<256x128xf32>
    %lt3A_309 = arith.cmpf olt, %max3A_305, %min3A_294 : vector<256x128xf32>
    %max3A_310 = arith.maximumf %min3A_294, %max3A_305 : vector<256x128xf32>
    %select_n3A_311 = arith.select %lt3A_309, %select_n3A_295, %select_n3A_306 : vector<256x128xi1>, vector<256x128xf32>
    %min3A_312 = arith.minimumf %min3A_294, %max3A_305 : vector<256x128xf32>
    %select_n3A_313 = arith.select %lt3A_309, %select_n3A_306, %select_n3A_295 : vector<256x128xi1>, vector<256x128xf32>
    %lt3A_314 = arith.cmpf olt, %max3A_310, %min3A_297 : vector<256x128xf32>
    %min3A_315 = arith.minimumf %min3A_297, %max3A_310 : vector<256x128xf32>
    %select_n3A_316 = arith.select %lt3A_314, %select_n3A_311, %select_n3A_298 : vector<256x128xi1>, vector<256x128xf32>
    %slice3A_317 = vector.extract_strided_slice %sub3A_20 {offsets = [0, 2176], sizes = [256, 128], strides = [1, 1]} : vector<256x8192xf32> to vector<256x128xf32>
    %add3A_318 = arith.constant 2.176000e+03 : f32
    %add3A_319 = arith.addf %convert_element_type3A_24, %add3A_318 : f32
    %add3A_320 = vector.broadcast %add3A_319 : f32 to vector<256x128xf32>
    %add3A_321 = arith.addf %convert_element_type3A_21, %add3A_320 : vector<256x128xf32>
    %lt3A_322 = arith.cmpf olt, %slice3A_317, %min3A_307 : vector<256x128xf32>
    %max3A_323 = arith.maximumf %min3A_307, %slice3A_317 : vector<256x128xf32>
    %select_n3A_324 = arith.select %lt3A_322, %select_n3A_308, %add3A_321 : vector<256x128xi1>, vector<256x128xf32>
    %min3A_325 = arith.minimumf %min3A_307, %slice3A_317 : vector<256x128xf32>
    %select_n3A_326 = arith.select %lt3A_322, %add3A_321, %select_n3A_308 : vector<256x128xi1>, vector<256x128xf32>
    %lt3A_327 = arith.cmpf olt, %max3A_323, %min3A_312 : vector<256x128xf32>
    %max3A_328 = arith.maximumf %min3A_312, %max3A_323 : vector<256x128xf32>
    %select_n3A_329 = arith.select %lt3A_327, %select_n3A_313, %select_n3A_324 : vector<256x128xi1>, vector<256x128xf32>
    %min3A_330 = arith.minimumf %min3A_312, %max3A_323 : vector<256x128xf32>
    %select_n3A_331 = arith.select %lt3A_327, %select_n3A_324, %select_n3A_313 : vector<256x128xi1>, vector<256x128xf32>
    %lt3A_332 = arith.cmpf olt, %max3A_328, %min3A_315 : vector<256x128xf32>
    %min3A_333 = arith.minimumf %min3A_315, %max3A_328 : vector<256x128xf32>
    %select_n3A_334 = arith.select %lt3A_332, %select_n3A_329, %select_n3A_316 : vector<256x128xi1>, vector<256x128xf32>
    %slice3A_335 = vector.extract_strided_slice %sub3A_20 {offsets = [0, 2304], sizes = [256, 128], strides = [1, 1]} : vector<256x8192xf32> to vector<256x128xf32>
    %add3A_336 = arith.constant 2.304000e+03 : f32
    %add3A_337 = arith.addf %convert_element_type3A_24, %add3A_336 : f32
    %add3A_338 = vector.broadcast %add3A_337 : f32 to vector<256x128xf32>
    %add3A_339 = arith.addf %convert_element_type3A_21, %add3A_338 : vector<256x128xf32>
    %lt3A_340 = arith.cmpf olt, %slice3A_335, %min3A_325 : vector<256x128xf32>
    %max3A_341 = arith.maximumf %min3A_325, %slice3A_335 : vector<256x128xf32>
    %select_n3A_342 = arith.select %lt3A_340, %select_n3A_326, %add3A_339 : vector<256x128xi1>, vector<256x128xf32>
    %min3A_343 = arith.minimumf %min3A_325, %slice3A_335 : vector<256x128xf32>
    %select_n3A_344 = arith.select %lt3A_340, %add3A_339, %select_n3A_326 : vector<256x128xi1>, vector<256x128xf32>
    %lt3A_345 = arith.cmpf olt, %max3A_341, %min3A_330 : vector<256x128xf32>
    %max3A_346 = arith.maximumf %min3A_330, %max3A_341 : vector<256x128xf32>
    %select_n3A_347 = arith.select %lt3A_345, %select_n3A_331, %select_n3A_342 : vector<256x128xi1>, vector<256x128xf32>
    %min3A_348 = arith.minimumf %min3A_330, %max3A_341 : vector<256x128xf32>
    %select_n3A_349 = arith.select %lt3A_345, %select_n3A_342, %select_n3A_331 : vector<256x128xi1>, vector<256x128xf32>
    %lt3A_350 = arith.cmpf olt, %max3A_346, %min3A_333 : vector<256x128xf32>
    %min3A_351 = arith.minimumf %min3A_333, %max3A_346 : vector<256x128xf32>
    %select_n3A_352 = arith.select %lt3A_350, %select_n3A_347, %select_n3A_334 : vector<256x128xi1>, vector<256x128xf32>
    %slice3A_353 = vector.extract_strided_slice %sub3A_20 {offsets = [0, 2432], sizes = [256, 128], strides = [1, 1]} : vector<256x8192xf32> to vector<256x128xf32>
    %add3A_354 = arith.constant 2.432000e+03 : f32
    %add3A_355 = arith.addf %convert_element_type3A_24, %add3A_354 : f32
    %add3A_356 = vector.broadcast %add3A_355 : f32 to vector<256x128xf32>
    %add3A_357 = arith.addf %convert_element_type3A_21, %add3A_356 : vector<256x128xf32>
    %lt3A_358 = arith.cmpf olt, %slice3A_353, %min3A_343 : vector<256x128xf32>
    %max3A_359 = arith.maximumf %min3A_343, %slice3A_353 : vector<256x128xf32>
    %select_n3A_360 = arith.select %lt3A_358, %select_n3A_344, %add3A_357 : vector<256x128xi1>, vector<256x128xf32>
    %min3A_361 = arith.minimumf %min3A_343, %slice3A_353 : vector<256x128xf32>
    %select_n3A_362 = arith.select %lt3A_358, %add3A_357, %select_n3A_344 : vector<256x128xi1>, vector<256x128xf32>
    %lt3A_363 = arith.cmpf olt, %max3A_359, %min3A_348 : vector<256x128xf32>
    %max3A_364 = arith.maximumf %min3A_348, %max3A_359 : vector<256x128xf32>
    %select_n3A_365 = arith.select %lt3A_363, %select_n3A_349, %select_n3A_360 : vector<256x128xi1>, vector<256x128xf32>
    %min3A_366 = arith.minimumf %min3A_348, %max3A_359 : vector<256x128xf32>
    %select_n3A_367 = arith.select %lt3A_363, %select_n3A_360, %select_n3A_349 : vector<256x128xi1>, vector<256x128xf32>
    %lt3A_368 = arith.cmpf olt, %max3A_364, %min3A_351 : vector<256x128xf32>
    %min3A_369 = arith.minimumf %min3A_351, %max3A_364 : vector<256x128xf32>
    %select_n3A_370 = arith.select %lt3A_368, %select_n3A_365, %select_n3A_352 : vector<256x128xi1>, vector<256x128xf32>
    %slice3A_371 = vector.extract_strided_slice %sub3A_20 {offsets = [0, 2560], sizes = [256, 128], strides = [1, 1]} : vector<256x8192xf32> to vector<256x128xf32>
    %add3A_372 = arith.constant 2.560000e+03 : f32
    %add3A_373 = arith.addf %convert_element_type3A_24, %add3A_372 : f32
    %add3A_374 = vector.broadcast %add3A_373 : f32 to vector<256x128xf32>
    %add3A_375 = arith.addf %convert_element_type3A_21, %add3A_374 : vector<256x128xf32>
    %lt3A_376 = arith.cmpf olt, %slice3A_371, %min3A_361 : vector<256x128xf32>
    %max3A_377 = arith.maximumf %min3A_361, %slice3A_371 : vector<256x128xf32>
    %select_n3A_378 = arith.select %lt3A_376, %select_n3A_362, %add3A_375 : vector<256x128xi1>, vector<256x128xf32>
    %min3A_379 = arith.minimumf %min3A_361, %slice3A_371 : vector<256x128xf32>
    %select_n3A_380 = arith.select %lt3A_376, %add3A_375, %select_n3A_362 : vector<256x128xi1>, vector<256x128xf32>
    %lt3A_381 = arith.cmpf olt, %max3A_377, %min3A_366 : vector<256x128xf32>
    %max3A_382 = arith.maximumf %min3A_366, %max3A_377 : vector<256x128xf32>
    %select_n3A_383 = arith.select %lt3A_381, %select_n3A_367, %select_n3A_378 : vector<256x128xi1>, vector<256x128xf32>
    %min3A_384 = arith.minimumf %min3A_366, %max3A_377 : vector<256x128xf32>
    %select_n3A_385 = arith.select %lt3A_381, %select_n3A_378, %select_n3A_367 : vector<256x128xi1>, vector<256x128xf32>
    %lt3A_386 = arith.cmpf olt, %max3A_382, %min3A_369 : vector<256x128xf32>
    %min3A_387 = arith.minimumf %min3A_369, %max3A_382 : vector<256x128xf32>
    %select_n3A_388 = arith.select %lt3A_386, %select_n3A_383, %select_n3A_370 : vector<256x128xi1>, vector<256x128xf32>
    %slice3A_389 = vector.extract_strided_slice %sub3A_20 {offsets = [0, 2688], sizes = [256, 128], strides = [1, 1]} : vector<256x8192xf32> to vector<256x128xf32>
    %add3A_390 = arith.constant 2.688000e+03 : f32
    %add3A_391 = arith.addf %convert_element_type3A_24, %add3A_390 : f32
    %add3A_392 = vector.broadcast %add3A_391 : f32 to vector<256x128xf32>
    %add3A_393 = arith.addf %convert_element_type3A_21, %add3A_392 : vector<256x128xf32>
    %lt3A_394 = arith.cmpf olt, %slice3A_389, %min3A_379 : vector<256x128xf32>
    %max3A_395 = arith.maximumf %min3A_379, %slice3A_389 : vector<256x128xf32>
    %select_n3A_396 = arith.select %lt3A_394, %select_n3A_380, %add3A_393 : vector<256x128xi1>, vector<256x128xf32>
    %min3A_397 = arith.minimumf %min3A_379, %slice3A_389 : vector<256x128xf32>
    %select_n3A_398 = arith.select %lt3A_394, %add3A_393, %select_n3A_380 : vector<256x128xi1>, vector<256x128xf32>
    %lt3A_399 = arith.cmpf olt, %max3A_395, %min3A_384 : vector<256x128xf32>
    %max3A_400 = arith.maximumf %min3A_384, %max3A_395 : vector<256x128xf32>
    %select_n3A_401 = arith.select %lt3A_399, %select_n3A_385, %select_n3A_396 : vector<256x128xi1>, vector<256x128xf32>
    %min3A_402 = arith.minimumf %min3A_384, %max3A_395 : vector<256x128xf32>
    %select_n3A_403 = arith.select %lt3A_399, %select_n3A_396, %select_n3A_385 : vector<256x128xi1>, vector<256x128xf32>
    %lt3A_404 = arith.cmpf olt, %max3A_400, %min3A_387 : vector<256x128xf32>
    %min3A_405 = arith.minimumf %min3A_387, %max3A_400 : vector<256x128xf32>
    %select_n3A_406 = arith.select %lt3A_404, %select_n3A_401, %select_n3A_388 : vector<256x128xi1>, vector<256x128xf32>
    %slice3A_407 = vector.extract_strided_slice %sub3A_20 {offsets = [0, 2816], sizes = [256, 128], strides = [1, 1]} : vector<256x8192xf32> to vector<256x128xf32>
    %add3A_408 = arith.constant 2.816000e+03 : f32
    %add3A_409 = arith.addf %convert_element_type3A_24, %add3A_408 : f32
    %add3A_410 = vector.broadcast %add3A_409 : f32 to vector<256x128xf32>
    %add3A_411 = arith.addf %convert_element_type3A_21, %add3A_410 : vector<256x128xf32>
    %lt3A_412 = arith.cmpf olt, %slice3A_407, %min3A_397 : vector<256x128xf32>
    %max3A_413 = arith.maximumf %min3A_397, %slice3A_407 : vector<256x128xf32>
    %select_n3A_414 = arith.select %lt3A_412, %select_n3A_398, %add3A_411 : vector<256x128xi1>, vector<256x128xf32>
    %min3A_415 = arith.minimumf %min3A_397, %slice3A_407 : vector<256x128xf32>
    %select_n3A_416 = arith.select %lt3A_412, %add3A_411, %select_n3A_398 : vector<256x128xi1>, vector<256x128xf32>
    %lt3A_417 = arith.cmpf olt, %max3A_413, %min3A_402 : vector<256x128xf32>
    %max3A_418 = arith.maximumf %min3A_402, %max3A_413 : vector<256x128xf32>
    %select_n3A_419 = arith.select %lt3A_417, %select_n3A_403, %select_n3A_414 : vector<256x128xi1>, vector<256x128xf32>
    %min3A_420 = arith.minimumf %min3A_402, %max3A_413 : vector<256x128xf32>
    %select_n3A_421 = arith.select %lt3A_417, %select_n3A_414, %select_n3A_403 : vector<256x128xi1>, vector<256x128xf32>
    %lt3A_422 = arith.cmpf olt, %max3A_418, %min3A_405 : vector<256x128xf32>
    %min3A_423 = arith.minimumf %min3A_405, %max3A_418 : vector<256x128xf32>
    %select_n3A_424 = arith.select %lt3A_422, %select_n3A_419, %select_n3A_406 : vector<256x128xi1>, vector<256x128xf32>
    %slice3A_425 = vector.extract_strided_slice %sub3A_20 {offsets = [0, 2944], sizes = [256, 128], strides = [1, 1]} : vector<256x8192xf32> to vector<256x128xf32>
    %add3A_426 = arith.constant 2.944000e+03 : f32
    %add3A_427 = arith.addf %convert_element_type3A_24, %add3A_426 : f32
    %add3A_428 = vector.broadcast %add3A_427 : f32 to vector<256x128xf32>
    %add3A_429 = arith.addf %convert_element_type3A_21, %add3A_428 : vector<256x128xf32>
    %lt3A_430 = arith.cmpf olt, %slice3A_425, %min3A_415 : vector<256x128xf32>
    %max3A_431 = arith.maximumf %min3A_415, %slice3A_425 : vector<256x128xf32>
    %select_n3A_432 = arith.select %lt3A_430, %select_n3A_416, %add3A_429 : vector<256x128xi1>, vector<256x128xf32>
    %min3A_433 = arith.minimumf %min3A_415, %slice3A_425 : vector<256x128xf32>
    %select_n3A_434 = arith.select %lt3A_430, %add3A_429, %select_n3A_416 : vector<256x128xi1>, vector<256x128xf32>
    %lt3A_435 = arith.cmpf olt, %max3A_431, %min3A_420 : vector<256x128xf32>
    %max3A_436 = arith.maximumf %min3A_420, %max3A_431 : vector<256x128xf32>
    %select_n3A_437 = arith.select %lt3A_435, %select_n3A_421, %select_n3A_432 : vector<256x128xi1>, vector<256x128xf32>
    %min3A_438 = arith.minimumf %min3A_420, %max3A_431 : vector<256x128xf32>
    %select_n3A_439 = arith.select %lt3A_435, %select_n3A_432, %select_n3A_421 : vector<256x128xi1>, vector<256x128xf32>
    %lt3A_440 = arith.cmpf olt, %max3A_436, %min3A_423 : vector<256x128xf32>
    %min3A_441 = arith.minimumf %min3A_423, %max3A_436 : vector<256x128xf32>
    %select_n3A_442 = arith.select %lt3A_440, %select_n3A_437, %select_n3A_424 : vector<256x128xi1>, vector<256x128xf32>
    %slice3A_443 = vector.extract_strided_slice %sub3A_20 {offsets = [0, 3072], sizes = [256, 128], strides = [1, 1]} : vector<256x8192xf32> to vector<256x128xf32>
    %add3A_444 = arith.constant 3.072000e+03 : f32
    %add3A_445 = arith.addf %convert_element_type3A_24, %add3A_444 : f32
    %add3A_446 = vector.broadcast %add3A_445 : f32 to vector<256x128xf32>
    %add3A_447 = arith.addf %convert_element_type3A_21, %add3A_446 : vector<256x128xf32>
    %lt3A_448 = arith.cmpf olt, %slice3A_443, %min3A_433 : vector<256x128xf32>
    %max3A_449 = arith.maximumf %min3A_433, %slice3A_443 : vector<256x128xf32>
    %select_n3A_450 = arith.select %lt3A_448, %select_n3A_434, %add3A_447 : vector<256x128xi1>, vector<256x128xf32>
    %min3A_451 = arith.minimumf %min3A_433, %slice3A_443 : vector<256x128xf32>
    %select_n3A_452 = arith.select %lt3A_448, %add3A_447, %select_n3A_434 : vector<256x128xi1>, vector<256x128xf32>
    %lt3A_453 = arith.cmpf olt, %max3A_449, %min3A_438 : vector<256x128xf32>
    %max3A_454 = arith.maximumf %min3A_438, %max3A_449 : vector<256x128xf32>
    %select_n3A_455 = arith.select %lt3A_453, %select_n3A_439, %select_n3A_450 : vector<256x128xi1>, vector<256x128xf32>
    %min3A_456 = arith.minimumf %min3A_438, %max3A_449 : vector<256x128xf32>
    %select_n3A_457 = arith.select %lt3A_453, %select_n3A_450, %select_n3A_439 : vector<256x128xi1>, vector<256x128xf32>
    %lt3A_458 = arith.cmpf olt, %max3A_454, %min3A_441 : vector<256x128xf32>
    %min3A_459 = arith.minimumf %min3A_441, %max3A_454 : vector<256x128xf32>
    %select_n3A_460 = arith.select %lt3A_458, %select_n3A_455, %select_n3A_442 : vector<256x128xi1>, vector<256x128xf32>
    %slice3A_461 = vector.extract_strided_slice %sub3A_20 {offsets = [0, 3200], sizes = [256, 128], strides = [1, 1]} : vector<256x8192xf32> to vector<256x128xf32>
    %add3A_462 = arith.constant 3.200000e+03 : f32
    %add3A_463 = arith.addf %convert_element_type3A_24, %add3A_462 : f32
    %add3A_464 = vector.broadcast %add3A_463 : f32 to vector<256x128xf32>
    %add3A_465 = arith.addf %convert_element_type3A_21, %add3A_464 : vector<256x128xf32>
    %lt3A_466 = arith.cmpf olt, %slice3A_461, %min3A_451 : vector<256x128xf32>
    %max3A_467 = arith.maximumf %min3A_451, %slice3A_461 : vector<256x128xf32>
    %select_n3A_468 = arith.select %lt3A_466, %select_n3A_452, %add3A_465 : vector<256x128xi1>, vector<256x128xf32>
    %min3A_469 = arith.minimumf %min3A_451, %slice3A_461 : vector<256x128xf32>
    %select_n3A_470 = arith.select %lt3A_466, %add3A_465, %select_n3A_452 : vector<256x128xi1>, vector<256x128xf32>
    %lt3A_471 = arith.cmpf olt, %max3A_467, %min3A_456 : vector<256x128xf32>
    %max3A_472 = arith.maximumf %min3A_456, %max3A_467 : vector<256x128xf32>
    %select_n3A_473 = arith.select %lt3A_471, %select_n3A_457, %select_n3A_468 : vector<256x128xi1>, vector<256x128xf32>
    %min3A_474 = arith.minimumf %min3A_456, %max3A_467 : vector<256x128xf32>
    %select_n3A_475 = arith.select %lt3A_471, %select_n3A_468, %select_n3A_457 : vector<256x128xi1>, vector<256x128xf32>
    %lt3A_476 = arith.cmpf olt, %max3A_472, %min3A_459 : vector<256x128xf32>
    %min3A_477 = arith.minimumf %min3A_459, %max3A_472 : vector<256x128xf32>
    %select_n3A_478 = arith.select %lt3A_476, %select_n3A_473, %select_n3A_460 : vector<256x128xi1>, vector<256x128xf32>
    %slice3A_479 = vector.extract_strided_slice %sub3A_20 {offsets = [0, 3328], sizes = [256, 128], strides = [1, 1]} : vector<256x8192xf32> to vector<256x128xf32>
    %add3A_480 = arith.constant 3.328000e+03 : f32
    %add3A_481 = arith.addf %convert_element_type3A_24, %add3A_480 : f32
    %add3A_482 = vector.broadcast %add3A_481 : f32 to vector<256x128xf32>
    %add3A_483 = arith.addf %convert_element_type3A_21, %add3A_482 : vector<256x128xf32>
    %lt3A_484 = arith.cmpf olt, %slice3A_479, %min3A_469 : vector<256x128xf32>
    %max3A_485 = arith.maximumf %min3A_469, %slice3A_479 : vector<256x128xf32>
    %select_n3A_486 = arith.select %lt3A_484, %select_n3A_470, %add3A_483 : vector<256x128xi1>, vector<256x128xf32>
    %min3A_487 = arith.minimumf %min3A_469, %slice3A_479 : vector<256x128xf32>
    %select_n3A_488 = arith.select %lt3A_484, %add3A_483, %select_n3A_470 : vector<256x128xi1>, vector<256x128xf32>
    %lt3A_489 = arith.cmpf olt, %max3A_485, %min3A_474 : vector<256x128xf32>
    %max3A_490 = arith.maximumf %min3A_474, %max3A_485 : vector<256x128xf32>
    %select_n3A_491 = arith.select %lt3A_489, %select_n3A_475, %select_n3A_486 : vector<256x128xi1>, vector<256x128xf32>
    %min3A_492 = arith.minimumf %min3A_474, %max3A_485 : vector<256x128xf32>
    %select_n3A_493 = arith.select %lt3A_489, %select_n3A_486, %select_n3A_475 : vector<256x128xi1>, vector<256x128xf32>
    %lt3A_494 = arith.cmpf olt, %max3A_490, %min3A_477 : vector<256x128xf32>
    %min3A_495 = arith.minimumf %min3A_477, %max3A_490 : vector<256x128xf32>
    %select_n3A_496 = arith.select %lt3A_494, %select_n3A_491, %select_n3A_478 : vector<256x128xi1>, vector<256x128xf32>
    %slice3A_497 = vector.extract_strided_slice %sub3A_20 {offsets = [0, 3456], sizes = [256, 128], strides = [1, 1]} : vector<256x8192xf32> to vector<256x128xf32>
    %add3A_498 = arith.constant 3.456000e+03 : f32
    %add3A_499 = arith.addf %convert_element_type3A_24, %add3A_498 : f32
    %add3A_500 = vector.broadcast %add3A_499 : f32 to vector<256x128xf32>
    %add3A_501 = arith.addf %convert_element_type3A_21, %add3A_500 : vector<256x128xf32>
    %lt3A_502 = arith.cmpf olt, %slice3A_497, %min3A_487 : vector<256x128xf32>
    %max3A_503 = arith.maximumf %min3A_487, %slice3A_497 : vector<256x128xf32>
    %select_n3A_504 = arith.select %lt3A_502, %select_n3A_488, %add3A_501 : vector<256x128xi1>, vector<256x128xf32>
    %min3A_505 = arith.minimumf %min3A_487, %slice3A_497 : vector<256x128xf32>
    %select_n3A_506 = arith.select %lt3A_502, %add3A_501, %select_n3A_488 : vector<256x128xi1>, vector<256x128xf32>
    %lt3A_507 = arith.cmpf olt, %max3A_503, %min3A_492 : vector<256x128xf32>
    %max3A_508 = arith.maximumf %min3A_492, %max3A_503 : vector<256x128xf32>
    %select_n3A_509 = arith.select %lt3A_507, %select_n3A_493, %select_n3A_504 : vector<256x128xi1>, vector<256x128xf32>
    %min3A_510 = arith.minimumf %min3A_492, %max3A_503 : vector<256x128xf32>
    %select_n3A_511 = arith.select %lt3A_507, %select_n3A_504, %select_n3A_493 : vector<256x128xi1>, vector<256x128xf32>
    %lt3A_512 = arith.cmpf olt, %max3A_508, %min3A_495 : vector<256x128xf32>
    %min3A_513 = arith.minimumf %min3A_495, %max3A_508 : vector<256x128xf32>
    %select_n3A_514 = arith.select %lt3A_512, %select_n3A_509, %select_n3A_496 : vector<256x128xi1>, vector<256x128xf32>
    %slice3A_515 = vector.extract_strided_slice %sub3A_20 {offsets = [0, 3584], sizes = [256, 128], strides = [1, 1]} : vector<256x8192xf32> to vector<256x128xf32>
    %add3A_516 = arith.constant 3.584000e+03 : f32
    %add3A_517 = arith.addf %convert_element_type3A_24, %add3A_516 : f32
    %add3A_518 = vector.broadcast %add3A_517 : f32 to vector<256x128xf32>
    %add3A_519 = arith.addf %convert_element_type3A_21, %add3A_518 : vector<256x128xf32>
    %lt3A_520 = arith.cmpf olt, %slice3A_515, %min3A_505 : vector<256x128xf32>
    %max3A_521 = arith.maximumf %min3A_505, %slice3A_515 : vector<256x128xf32>
    %select_n3A_522 = arith.select %lt3A_520, %select_n3A_506, %add3A_519 : vector<256x128xi1>, vector<256x128xf32>
    %min3A_523 = arith.minimumf %min3A_505, %slice3A_515 : vector<256x128xf32>
    %select_n3A_524 = arith.select %lt3A_520, %add3A_519, %select_n3A_506 : vector<256x128xi1>, vector<256x128xf32>
    %lt3A_525 = arith.cmpf olt, %max3A_521, %min3A_510 : vector<256x128xf32>
    %max3A_526 = arith.maximumf %min3A_510, %max3A_521 : vector<256x128xf32>
    %select_n3A_527 = arith.select %lt3A_525, %select_n3A_511, %select_n3A_522 : vector<256x128xi1>, vector<256x128xf32>
    %min3A_528 = arith.minimumf %min3A_510, %max3A_521 : vector<256x128xf32>
    %select_n3A_529 = arith.select %lt3A_525, %select_n3A_522, %select_n3A_511 : vector<256x128xi1>, vector<256x128xf32>
    %lt3A_530 = arith.cmpf olt, %max3A_526, %min3A_513 : vector<256x128xf32>
    %min3A_531 = arith.minimumf %min3A_513, %max3A_526 : vector<256x128xf32>
    %select_n3A_532 = arith.select %lt3A_530, %select_n3A_527, %select_n3A_514 : vector<256x128xi1>, vector<256x128xf32>
    %slice3A_533 = vector.extract_strided_slice %sub3A_20 {offsets = [0, 3712], sizes = [256, 128], strides = [1, 1]} : vector<256x8192xf32> to vector<256x128xf32>
    %add3A_534 = arith.constant 3.712000e+03 : f32
    %add3A_535 = arith.addf %convert_element_type3A_24, %add3A_534 : f32
    %add3A_536 = vector.broadcast %add3A_535 : f32 to vector<256x128xf32>
    %add3A_537 = arith.addf %convert_element_type3A_21, %add3A_536 : vector<256x128xf32>
    %lt3A_538 = arith.cmpf olt, %slice3A_533, %min3A_523 : vector<256x128xf32>
    %max3A_539 = arith.maximumf %min3A_523, %slice3A_533 : vector<256x128xf32>
    %select_n3A_540 = arith.select %lt3A_538, %select_n3A_524, %add3A_537 : vector<256x128xi1>, vector<256x128xf32>
    %min3A_541 = arith.minimumf %min3A_523, %slice3A_533 : vector<256x128xf32>
    %select_n3A_542 = arith.select %lt3A_538, %add3A_537, %select_n3A_524 : vector<256x128xi1>, vector<256x128xf32>
    %lt3A_543 = arith.cmpf olt, %max3A_539, %min3A_528 : vector<256x128xf32>
    %max3A_544 = arith.maximumf %min3A_528, %max3A_539 : vector<256x128xf32>
    %select_n3A_545 = arith.select %lt3A_543, %select_n3A_529, %select_n3A_540 : vector<256x128xi1>, vector<256x128xf32>
    %min3A_546 = arith.minimumf %min3A_528, %max3A_539 : vector<256x128xf32>
    %select_n3A_547 = arith.select %lt3A_543, %select_n3A_540, %select_n3A_529 : vector<256x128xi1>, vector<256x128xf32>
    %lt3A_548 = arith.cmpf olt, %max3A_544, %min3A_531 : vector<256x128xf32>
    %min3A_549 = arith.minimumf %min3A_531, %max3A_544 : vector<256x128xf32>
    %select_n3A_550 = arith.select %lt3A_548, %select_n3A_545, %select_n3A_532 : vector<256x128xi1>, vector<256x128xf32>
    %slice3A_551 = vector.extract_strided_slice %sub3A_20 {offsets = [0, 3840], sizes = [256, 128], strides = [1, 1]} : vector<256x8192xf32> to vector<256x128xf32>
    %add3A_552 = arith.constant 3.840000e+03 : f32
    %add3A_553 = arith.addf %convert_element_type3A_24, %add3A_552 : f32
    %add3A_554 = vector.broadcast %add3A_553 : f32 to vector<256x128xf32>
    %add3A_555 = arith.addf %convert_element_type3A_21, %add3A_554 : vector<256x128xf32>
    %lt3A_556 = arith.cmpf olt, %slice3A_551, %min3A_541 : vector<256x128xf32>
    %max3A_557 = arith.maximumf %min3A_541, %slice3A_551 : vector<256x128xf32>
    %select_n3A_558 = arith.select %lt3A_556, %select_n3A_542, %add3A_555 : vector<256x128xi1>, vector<256x128xf32>
    %min3A_559 = arith.minimumf %min3A_541, %slice3A_551 : vector<256x128xf32>
    %select_n3A_560 = arith.select %lt3A_556, %add3A_555, %select_n3A_542 : vector<256x128xi1>, vector<256x128xf32>
    %lt3A_561 = arith.cmpf olt, %max3A_557, %min3A_546 : vector<256x128xf32>
    %max3A_562 = arith.maximumf %min3A_546, %max3A_557 : vector<256x128xf32>
    %select_n3A_563 = arith.select %lt3A_561, %select_n3A_547, %select_n3A_558 : vector<256x128xi1>, vector<256x128xf32>
    %min3A_564 = arith.minimumf %min3A_546, %max3A_557 : vector<256x128xf32>
    %select_n3A_565 = arith.select %lt3A_561, %select_n3A_558, %select_n3A_547 : vector<256x128xi1>, vector<256x128xf32>
    %lt3A_566 = arith.cmpf olt, %max3A_562, %min3A_549 : vector<256x128xf32>
    %min3A_567 = arith.minimumf %min3A_549, %max3A_562 : vector<256x128xf32>
    %select_n3A_568 = arith.select %lt3A_566, %select_n3A_563, %select_n3A_550 : vector<256x128xi1>, vector<256x128xf32>
    %slice3A_569 = vector.extract_strided_slice %sub3A_20 {offsets = [0, 3968], sizes = [256, 128], strides = [1, 1]} : vector<256x8192xf32> to vector<256x128xf32>
    %add3A_570 = arith.constant 3.968000e+03 : f32
    %add3A_571 = arith.addf %convert_element_type3A_24, %add3A_570 : f32
    %add3A_572 = vector.broadcast %add3A_571 : f32 to vector<256x128xf32>
    %add3A_573 = arith.addf %convert_element_type3A_21, %add3A_572 : vector<256x128xf32>
    %lt3A_574 = arith.cmpf olt, %slice3A_569, %min3A_559 : vector<256x128xf32>
    %max3A_575 = arith.maximumf %min3A_559, %slice3A_569 : vector<256x128xf32>
    %select_n3A_576 = arith.select %lt3A_574, %select_n3A_560, %add3A_573 : vector<256x128xi1>, vector<256x128xf32>
    %min3A_577 = arith.minimumf %min3A_559, %slice3A_569 : vector<256x128xf32>
    %select_n3A_578 = arith.select %lt3A_574, %add3A_573, %select_n3A_560 : vector<256x128xi1>, vector<256x128xf32>
    %lt3A_579 = arith.cmpf olt, %max3A_575, %min3A_564 : vector<256x128xf32>
    %max3A_580 = arith.maximumf %min3A_564, %max3A_575 : vector<256x128xf32>
    %select_n3A_581 = arith.select %lt3A_579, %select_n3A_565, %select_n3A_576 : vector<256x128xi1>, vector<256x128xf32>
    %min3A_582 = arith.minimumf %min3A_564, %max3A_575 : vector<256x128xf32>
    %select_n3A_583 = arith.select %lt3A_579, %select_n3A_576, %select_n3A_565 : vector<256x128xi1>, vector<256x128xf32>
    %lt3A_584 = arith.cmpf olt, %max3A_580, %min3A_567 : vector<256x128xf32>
    %min3A_585 = arith.minimumf %min3A_567, %max3A_580 : vector<256x128xf32>
    %select_n3A_586 = arith.select %lt3A_584, %select_n3A_581, %select_n3A_568 : vector<256x128xi1>, vector<256x128xf32>
    %slice3A_587 = vector.extract_strided_slice %sub3A_20 {offsets = [0, 4096], sizes = [256, 128], strides = [1, 1]} : vector<256x8192xf32> to vector<256x128xf32>
    %add3A_588 = arith.constant 4.096000e+03 : f32
    %add3A_589 = arith.addf %convert_element_type3A_24, %add3A_588 : f32
    %add3A_590 = vector.broadcast %add3A_589 : f32 to vector<256x128xf32>
    %add3A_591 = arith.addf %convert_element_type3A_21, %add3A_590 : vector<256x128xf32>
    %lt3A_592 = arith.cmpf olt, %slice3A_587, %min3A_577 : vector<256x128xf32>
    %max3A_593 = arith.maximumf %min3A_577, %slice3A_587 : vector<256x128xf32>
    %select_n3A_594 = arith.select %lt3A_592, %select_n3A_578, %add3A_591 : vector<256x128xi1>, vector<256x128xf32>
    %min3A_595 = arith.minimumf %min3A_577, %slice3A_587 : vector<256x128xf32>
    %select_n3A_596 = arith.select %lt3A_592, %add3A_591, %select_n3A_578 : vector<256x128xi1>, vector<256x128xf32>
    %lt3A_597 = arith.cmpf olt, %max3A_593, %min3A_582 : vector<256x128xf32>
    %max3A_598 = arith.maximumf %min3A_582, %max3A_593 : vector<256x128xf32>
    %select_n3A_599 = arith.select %lt3A_597, %select_n3A_583, %select_n3A_594 : vector<256x128xi1>, vector<256x128xf32>
    %min3A_600 = arith.minimumf %min3A_582, %max3A_593 : vector<256x128xf32>
    %select_n3A_601 = arith.select %lt3A_597, %select_n3A_594, %select_n3A_583 : vector<256x128xi1>, vector<256x128xf32>
    %lt3A_602 = arith.cmpf olt, %max3A_598, %min3A_585 : vector<256x128xf32>
    %min3A_603 = arith.minimumf %min3A_585, %max3A_598 : vector<256x128xf32>
    %select_n3A_604 = arith.select %lt3A_602, %select_n3A_599, %select_n3A_586 : vector<256x128xi1>, vector<256x128xf32>
    %slice3A_605 = vector.extract_strided_slice %sub3A_20 {offsets = [0, 4224], sizes = [256, 128], strides = [1, 1]} : vector<256x8192xf32> to vector<256x128xf32>
    %add3A_606 = arith.constant 4.224000e+03 : f32
    %add3A_607 = arith.addf %convert_element_type3A_24, %add3A_606 : f32
    %add3A_608 = vector.broadcast %add3A_607 : f32 to vector<256x128xf32>
    %add3A_609 = arith.addf %convert_element_type3A_21, %add3A_608 : vector<256x128xf32>
    %lt3A_610 = arith.cmpf olt, %slice3A_605, %min3A_595 : vector<256x128xf32>
    %max3A_611 = arith.maximumf %min3A_595, %slice3A_605 : vector<256x128xf32>
    %select_n3A_612 = arith.select %lt3A_610, %select_n3A_596, %add3A_609 : vector<256x128xi1>, vector<256x128xf32>
    %min3A_613 = arith.minimumf %min3A_595, %slice3A_605 : vector<256x128xf32>
    %select_n3A_614 = arith.select %lt3A_610, %add3A_609, %select_n3A_596 : vector<256x128xi1>, vector<256x128xf32>
    %lt3A_615 = arith.cmpf olt, %max3A_611, %min3A_600 : vector<256x128xf32>
    %max3A_616 = arith.maximumf %min3A_600, %max3A_611 : vector<256x128xf32>
    %select_n3A_617 = arith.select %lt3A_615, %select_n3A_601, %select_n3A_612 : vector<256x128xi1>, vector<256x128xf32>
    %min3A_618 = arith.minimumf %min3A_600, %max3A_611 : vector<256x128xf32>
    %select_n3A_619 = arith.select %lt3A_615, %select_n3A_612, %select_n3A_601 : vector<256x128xi1>, vector<256x128xf32>
    %lt3A_620 = arith.cmpf olt, %max3A_616, %min3A_603 : vector<256x128xf32>
    %min3A_621 = arith.minimumf %min3A_603, %max3A_616 : vector<256x128xf32>
    %select_n3A_622 = arith.select %lt3A_620, %select_n3A_617, %select_n3A_604 : vector<256x128xi1>, vector<256x128xf32>
    %slice3A_623 = vector.extract_strided_slice %sub3A_20 {offsets = [0, 4352], sizes = [256, 128], strides = [1, 1]} : vector<256x8192xf32> to vector<256x128xf32>
    %add3A_624 = arith.constant 4.352000e+03 : f32
    %add3A_625 = arith.addf %convert_element_type3A_24, %add3A_624 : f32
    %add3A_626 = vector.broadcast %add3A_625 : f32 to vector<256x128xf32>
    %add3A_627 = arith.addf %convert_element_type3A_21, %add3A_626 : vector<256x128xf32>
    %lt3A_628 = arith.cmpf olt, %slice3A_623, %min3A_613 : vector<256x128xf32>
    %max3A_629 = arith.maximumf %min3A_613, %slice3A_623 : vector<256x128xf32>
    %select_n3A_630 = arith.select %lt3A_628, %select_n3A_614, %add3A_627 : vector<256x128xi1>, vector<256x128xf32>
    %min3A_631 = arith.minimumf %min3A_613, %slice3A_623 : vector<256x128xf32>
    %select_n3A_632 = arith.select %lt3A_628, %add3A_627, %select_n3A_614 : vector<256x128xi1>, vector<256x128xf32>
    %lt3A_633 = arith.cmpf olt, %max3A_629, %min3A_618 : vector<256x128xf32>
    %max3A_634 = arith.maximumf %min3A_618, %max3A_629 : vector<256x128xf32>
    %select_n3A_635 = arith.select %lt3A_633, %select_n3A_619, %select_n3A_630 : vector<256x128xi1>, vector<256x128xf32>
    %min3A_636 = arith.minimumf %min3A_618, %max3A_629 : vector<256x128xf32>
    %select_n3A_637 = arith.select %lt3A_633, %select_n3A_630, %select_n3A_619 : vector<256x128xi1>, vector<256x128xf32>
    %lt3A_638 = arith.cmpf olt, %max3A_634, %min3A_621 : vector<256x128xf32>
    %min3A_639 = arith.minimumf %min3A_621, %max3A_634 : vector<256x128xf32>
    %select_n3A_640 = arith.select %lt3A_638, %select_n3A_635, %select_n3A_622 : vector<256x128xi1>, vector<256x128xf32>
    %slice3A_641 = vector.extract_strided_slice %sub3A_20 {offsets = [0, 4480], sizes = [256, 128], strides = [1, 1]} : vector<256x8192xf32> to vector<256x128xf32>
    %add3A_642 = arith.constant 4.480000e+03 : f32
    %add3A_643 = arith.addf %convert_element_type3A_24, %add3A_642 : f32
    %add3A_644 = vector.broadcast %add3A_643 : f32 to vector<256x128xf32>
    %add3A_645 = arith.addf %convert_element_type3A_21, %add3A_644 : vector<256x128xf32>
    %lt3A_646 = arith.cmpf olt, %slice3A_641, %min3A_631 : vector<256x128xf32>
    %max3A_647 = arith.maximumf %min3A_631, %slice3A_641 : vector<256x128xf32>
    %select_n3A_648 = arith.select %lt3A_646, %select_n3A_632, %add3A_645 : vector<256x128xi1>, vector<256x128xf32>
    %min3A_649 = arith.minimumf %min3A_631, %slice3A_641 : vector<256x128xf32>
    %select_n3A_650 = arith.select %lt3A_646, %add3A_645, %select_n3A_632 : vector<256x128xi1>, vector<256x128xf32>
    %lt3A_651 = arith.cmpf olt, %max3A_647, %min3A_636 : vector<256x128xf32>
    %max3A_652 = arith.maximumf %min3A_636, %max3A_647 : vector<256x128xf32>
    %select_n3A_653 = arith.select %lt3A_651, %select_n3A_637, %select_n3A_648 : vector<256x128xi1>, vector<256x128xf32>
    %min3A_654 = arith.minimumf %min3A_636, %max3A_647 : vector<256x128xf32>
    %select_n3A_655 = arith.select %lt3A_651, %select_n3A_648, %select_n3A_637 : vector<256x128xi1>, vector<256x128xf32>
    %lt3A_656 = arith.cmpf olt, %max3A_652, %min3A_639 : vector<256x128xf32>
    %min3A_657 = arith.minimumf %min3A_639, %max3A_652 : vector<256x128xf32>
    %select_n3A_658 = arith.select %lt3A_656, %select_n3A_653, %select_n3A_640 : vector<256x128xi1>, vector<256x128xf32>
    %slice3A_659 = vector.extract_strided_slice %sub3A_20 {offsets = [0, 4608], sizes = [256, 128], strides = [1, 1]} : vector<256x8192xf32> to vector<256x128xf32>
    %add3A_660 = arith.constant 4.608000e+03 : f32
    %add3A_661 = arith.addf %convert_element_type3A_24, %add3A_660 : f32
    %add3A_662 = vector.broadcast %add3A_661 : f32 to vector<256x128xf32>
    %add3A_663 = arith.addf %convert_element_type3A_21, %add3A_662 : vector<256x128xf32>
    %lt3A_664 = arith.cmpf olt, %slice3A_659, %min3A_649 : vector<256x128xf32>
    %max3A_665 = arith.maximumf %min3A_649, %slice3A_659 : vector<256x128xf32>
    %select_n3A_666 = arith.select %lt3A_664, %select_n3A_650, %add3A_663 : vector<256x128xi1>, vector<256x128xf32>
    %min3A_667 = arith.minimumf %min3A_649, %slice3A_659 : vector<256x128xf32>
    %select_n3A_668 = arith.select %lt3A_664, %add3A_663, %select_n3A_650 : vector<256x128xi1>, vector<256x128xf32>
    %lt3A_669 = arith.cmpf olt, %max3A_665, %min3A_654 : vector<256x128xf32>
    %max3A_670 = arith.maximumf %min3A_654, %max3A_665 : vector<256x128xf32>
    %select_n3A_671 = arith.select %lt3A_669, %select_n3A_655, %select_n3A_666 : vector<256x128xi1>, vector<256x128xf32>
    %min3A_672 = arith.minimumf %min3A_654, %max3A_665 : vector<256x128xf32>
    %select_n3A_673 = arith.select %lt3A_669, %select_n3A_666, %select_n3A_655 : vector<256x128xi1>, vector<256x128xf32>
    %lt3A_674 = arith.cmpf olt, %max3A_670, %min3A_657 : vector<256x128xf32>
    %min3A_675 = arith.minimumf %min3A_657, %max3A_670 : vector<256x128xf32>
    %select_n3A_676 = arith.select %lt3A_674, %select_n3A_671, %select_n3A_658 : vector<256x128xi1>, vector<256x128xf32>
    %slice3A_677 = vector.extract_strided_slice %sub3A_20 {offsets = [0, 4736], sizes = [256, 128], strides = [1, 1]} : vector<256x8192xf32> to vector<256x128xf32>
    %add3A_678 = arith.constant 4.736000e+03 : f32
    %add3A_679 = arith.addf %convert_element_type3A_24, %add3A_678 : f32
    %add3A_680 = vector.broadcast %add3A_679 : f32 to vector<256x128xf32>
    %add3A_681 = arith.addf %convert_element_type3A_21, %add3A_680 : vector<256x128xf32>
    %lt3A_682 = arith.cmpf olt, %slice3A_677, %min3A_667 : vector<256x128xf32>
    %max3A_683 = arith.maximumf %min3A_667, %slice3A_677 : vector<256x128xf32>
    %select_n3A_684 = arith.select %lt3A_682, %select_n3A_668, %add3A_681 : vector<256x128xi1>, vector<256x128xf32>
    %min3A_685 = arith.minimumf %min3A_667, %slice3A_677 : vector<256x128xf32>
    %select_n3A_686 = arith.select %lt3A_682, %add3A_681, %select_n3A_668 : vector<256x128xi1>, vector<256x128xf32>
    %lt3A_687 = arith.cmpf olt, %max3A_683, %min3A_672 : vector<256x128xf32>
    %max3A_688 = arith.maximumf %min3A_672, %max3A_683 : vector<256x128xf32>
    %select_n3A_689 = arith.select %lt3A_687, %select_n3A_673, %select_n3A_684 : vector<256x128xi1>, vector<256x128xf32>
    %min3A_690 = arith.minimumf %min3A_672, %max3A_683 : vector<256x128xf32>
    %select_n3A_691 = arith.select %lt3A_687, %select_n3A_684, %select_n3A_673 : vector<256x128xi1>, vector<256x128xf32>
    %lt3A_692 = arith.cmpf olt, %max3A_688, %min3A_675 : vector<256x128xf32>
    %min3A_693 = arith.minimumf %min3A_675, %max3A_688 : vector<256x128xf32>
    %select_n3A_694 = arith.select %lt3A_692, %select_n3A_689, %select_n3A_676 : vector<256x128xi1>, vector<256x128xf32>
    %slice3A_695 = vector.extract_strided_slice %sub3A_20 {offsets = [0, 4864], sizes = [256, 128], strides = [1, 1]} : vector<256x8192xf32> to vector<256x128xf32>
    %add3A_696 = arith.constant 4.864000e+03 : f32
    %add3A_697 = arith.addf %convert_element_type3A_24, %add3A_696 : f32
    %add3A_698 = vector.broadcast %add3A_697 : f32 to vector<256x128xf32>
    %add3A_699 = arith.addf %convert_element_type3A_21, %add3A_698 : vector<256x128xf32>
    %lt3A_700 = arith.cmpf olt, %slice3A_695, %min3A_685 : vector<256x128xf32>
    %max3A_701 = arith.maximumf %min3A_685, %slice3A_695 : vector<256x128xf32>
    %select_n3A_702 = arith.select %lt3A_700, %select_n3A_686, %add3A_699 : vector<256x128xi1>, vector<256x128xf32>
    %min3A_703 = arith.minimumf %min3A_685, %slice3A_695 : vector<256x128xf32>
    %select_n3A_704 = arith.select %lt3A_700, %add3A_699, %select_n3A_686 : vector<256x128xi1>, vector<256x128xf32>
    %lt3A_705 = arith.cmpf olt, %max3A_701, %min3A_690 : vector<256x128xf32>
    %max3A_706 = arith.maximumf %min3A_690, %max3A_701 : vector<256x128xf32>
    %select_n3A_707 = arith.select %lt3A_705, %select_n3A_691, %select_n3A_702 : vector<256x128xi1>, vector<256x128xf32>
    %min3A_708 = arith.minimumf %min3A_690, %max3A_701 : vector<256x128xf32>
    %select_n3A_709 = arith.select %lt3A_705, %select_n3A_702, %select_n3A_691 : vector<256x128xi1>, vector<256x128xf32>
    %lt3A_710 = arith.cmpf olt, %max3A_706, %min3A_693 : vector<256x128xf32>
    %min3A_711 = arith.minimumf %min3A_693, %max3A_706 : vector<256x128xf32>
    %select_n3A_712 = arith.select %lt3A_710, %select_n3A_707, %select_n3A_694 : vector<256x128xi1>, vector<256x128xf32>
    %slice3A_713 = vector.extract_strided_slice %sub3A_20 {offsets = [0, 4992], sizes = [256, 128], strides = [1, 1]} : vector<256x8192xf32> to vector<256x128xf32>
    %add3A_714 = arith.constant 4.992000e+03 : f32
    %add3A_715 = arith.addf %convert_element_type3A_24, %add3A_714 : f32
    %add3A_716 = vector.broadcast %add3A_715 : f32 to vector<256x128xf32>
    %add3A_717 = arith.addf %convert_element_type3A_21, %add3A_716 : vector<256x128xf32>
    %lt3A_718 = arith.cmpf olt, %slice3A_713, %min3A_703 : vector<256x128xf32>
    %max3A_719 = arith.maximumf %min3A_703, %slice3A_713 : vector<256x128xf32>
    %select_n3A_720 = arith.select %lt3A_718, %select_n3A_704, %add3A_717 : vector<256x128xi1>, vector<256x128xf32>
    %min3A_721 = arith.minimumf %min3A_703, %slice3A_713 : vector<256x128xf32>
    %select_n3A_722 = arith.select %lt3A_718, %add3A_717, %select_n3A_704 : vector<256x128xi1>, vector<256x128xf32>
    %lt3A_723 = arith.cmpf olt, %max3A_719, %min3A_708 : vector<256x128xf32>
    %max3A_724 = arith.maximumf %min3A_708, %max3A_719 : vector<256x128xf32>
    %select_n3A_725 = arith.select %lt3A_723, %select_n3A_709, %select_n3A_720 : vector<256x128xi1>, vector<256x128xf32>
    %min3A_726 = arith.minimumf %min3A_708, %max3A_719 : vector<256x128xf32>
    %select_n3A_727 = arith.select %lt3A_723, %select_n3A_720, %select_n3A_709 : vector<256x128xi1>, vector<256x128xf32>
    %lt3A_728 = arith.cmpf olt, %max3A_724, %min3A_711 : vector<256x128xf32>
    %min3A_729 = arith.minimumf %min3A_711, %max3A_724 : vector<256x128xf32>
    %select_n3A_730 = arith.select %lt3A_728, %select_n3A_725, %select_n3A_712 : vector<256x128xi1>, vector<256x128xf32>
    %slice3A_731 = vector.extract_strided_slice %sub3A_20 {offsets = [0, 5120], sizes = [256, 128], strides = [1, 1]} : vector<256x8192xf32> to vector<256x128xf32>
    %add3A_732 = arith.constant 5.120000e+03 : f32
    %add3A_733 = arith.addf %convert_element_type3A_24, %add3A_732 : f32
    %add3A_734 = vector.broadcast %add3A_733 : f32 to vector<256x128xf32>
    %add3A_735 = arith.addf %convert_element_type3A_21, %add3A_734 : vector<256x128xf32>
    %lt3A_736 = arith.cmpf olt, %slice3A_731, %min3A_721 : vector<256x128xf32>
    %max3A_737 = arith.maximumf %min3A_721, %slice3A_731 : vector<256x128xf32>
    %select_n3A_738 = arith.select %lt3A_736, %select_n3A_722, %add3A_735 : vector<256x128xi1>, vector<256x128xf32>
    %min3A_739 = arith.minimumf %min3A_721, %slice3A_731 : vector<256x128xf32>
    %select_n3A_740 = arith.select %lt3A_736, %add3A_735, %select_n3A_722 : vector<256x128xi1>, vector<256x128xf32>
    %lt3A_741 = arith.cmpf olt, %max3A_737, %min3A_726 : vector<256x128xf32>
    %max3A_742 = arith.maximumf %min3A_726, %max3A_737 : vector<256x128xf32>
    %select_n3A_743 = arith.select %lt3A_741, %select_n3A_727, %select_n3A_738 : vector<256x128xi1>, vector<256x128xf32>
    %min3A_744 = arith.minimumf %min3A_726, %max3A_737 : vector<256x128xf32>
    %select_n3A_745 = arith.select %lt3A_741, %select_n3A_738, %select_n3A_727 : vector<256x128xi1>, vector<256x128xf32>
    %lt3A_746 = arith.cmpf olt, %max3A_742, %min3A_729 : vector<256x128xf32>
    %min3A_747 = arith.minimumf %min3A_729, %max3A_742 : vector<256x128xf32>
    %select_n3A_748 = arith.select %lt3A_746, %select_n3A_743, %select_n3A_730 : vector<256x128xi1>, vector<256x128xf32>
    %slice3A_749 = vector.extract_strided_slice %sub3A_20 {offsets = [0, 5248], sizes = [256, 128], strides = [1, 1]} : vector<256x8192xf32> to vector<256x128xf32>
    %add3A_750 = arith.constant 5.248000e+03 : f32
    %add3A_751 = arith.addf %convert_element_type3A_24, %add3A_750 : f32
    %add3A_752 = vector.broadcast %add3A_751 : f32 to vector<256x128xf32>
    %add3A_753 = arith.addf %convert_element_type3A_21, %add3A_752 : vector<256x128xf32>
    %lt3A_754 = arith.cmpf olt, %slice3A_749, %min3A_739 : vector<256x128xf32>
    %max3A_755 = arith.maximumf %min3A_739, %slice3A_749 : vector<256x128xf32>
    %select_n3A_756 = arith.select %lt3A_754, %select_n3A_740, %add3A_753 : vector<256x128xi1>, vector<256x128xf32>
    %min3A_757 = arith.minimumf %min3A_739, %slice3A_749 : vector<256x128xf32>
    %select_n3A_758 = arith.select %lt3A_754, %add3A_753, %select_n3A_740 : vector<256x128xi1>, vector<256x128xf32>
    %lt3A_759 = arith.cmpf olt, %max3A_755, %min3A_744 : vector<256x128xf32>
    %max3A_760 = arith.maximumf %min3A_744, %max3A_755 : vector<256x128xf32>
    %select_n3A_761 = arith.select %lt3A_759, %select_n3A_745, %select_n3A_756 : vector<256x128xi1>, vector<256x128xf32>
    %min3A_762 = arith.minimumf %min3A_744, %max3A_755 : vector<256x128xf32>
    %select_n3A_763 = arith.select %lt3A_759, %select_n3A_756, %select_n3A_745 : vector<256x128xi1>, vector<256x128xf32>
    %lt3A_764 = arith.cmpf olt, %max3A_760, %min3A_747 : vector<256x128xf32>
    %min3A_765 = arith.minimumf %min3A_747, %max3A_760 : vector<256x128xf32>
    %select_n3A_766 = arith.select %lt3A_764, %select_n3A_761, %select_n3A_748 : vector<256x128xi1>, vector<256x128xf32>
    %slice3A_767 = vector.extract_strided_slice %sub3A_20 {offsets = [0, 5376], sizes = [256, 128], strides = [1, 1]} : vector<256x8192xf32> to vector<256x128xf32>
    %add3A_768 = arith.constant 5.376000e+03 : f32
    %add3A_769 = arith.addf %convert_element_type3A_24, %add3A_768 : f32
    %add3A_770 = vector.broadcast %add3A_769 : f32 to vector<256x128xf32>
    %add3A_771 = arith.addf %convert_element_type3A_21, %add3A_770 : vector<256x128xf32>
    %lt3A_772 = arith.cmpf olt, %slice3A_767, %min3A_757 : vector<256x128xf32>
    %max3A_773 = arith.maximumf %min3A_757, %slice3A_767 : vector<256x128xf32>
    %select_n3A_774 = arith.select %lt3A_772, %select_n3A_758, %add3A_771 : vector<256x128xi1>, vector<256x128xf32>
    %min3A_775 = arith.minimumf %min3A_757, %slice3A_767 : vector<256x128xf32>
    %select_n3A_776 = arith.select %lt3A_772, %add3A_771, %select_n3A_758 : vector<256x128xi1>, vector<256x128xf32>
    %lt3A_777 = arith.cmpf olt, %max3A_773, %min3A_762 : vector<256x128xf32>
    %max3A_778 = arith.maximumf %min3A_762, %max3A_773 : vector<256x128xf32>
    %select_n3A_779 = arith.select %lt3A_777, %select_n3A_763, %select_n3A_774 : vector<256x128xi1>, vector<256x128xf32>
    %min3A_780 = arith.minimumf %min3A_762, %max3A_773 : vector<256x128xf32>
    %select_n3A_781 = arith.select %lt3A_777, %select_n3A_774, %select_n3A_763 : vector<256x128xi1>, vector<256x128xf32>
    %lt3A_782 = arith.cmpf olt, %max3A_778, %min3A_765 : vector<256x128xf32>
    %min3A_783 = arith.minimumf %min3A_765, %max3A_778 : vector<256x128xf32>
    %select_n3A_784 = arith.select %lt3A_782, %select_n3A_779, %select_n3A_766 : vector<256x128xi1>, vector<256x128xf32>
    %slice3A_785 = vector.extract_strided_slice %sub3A_20 {offsets = [0, 5504], sizes = [256, 128], strides = [1, 1]} : vector<256x8192xf32> to vector<256x128xf32>
    %add3A_786 = arith.constant 5.504000e+03 : f32
    %add3A_787 = arith.addf %convert_element_type3A_24, %add3A_786 : f32
    %add3A_788 = vector.broadcast %add3A_787 : f32 to vector<256x128xf32>
    %add3A_789 = arith.addf %convert_element_type3A_21, %add3A_788 : vector<256x128xf32>
    %lt3A_790 = arith.cmpf olt, %slice3A_785, %min3A_775 : vector<256x128xf32>
    %max3A_791 = arith.maximumf %min3A_775, %slice3A_785 : vector<256x128xf32>
    %select_n3A_792 = arith.select %lt3A_790, %select_n3A_776, %add3A_789 : vector<256x128xi1>, vector<256x128xf32>
    %min3A_793 = arith.minimumf %min3A_775, %slice3A_785 : vector<256x128xf32>
    %select_n3A_794 = arith.select %lt3A_790, %add3A_789, %select_n3A_776 : vector<256x128xi1>, vector<256x128xf32>
    %lt3A_795 = arith.cmpf olt, %max3A_791, %min3A_780 : vector<256x128xf32>
    %max3A_796 = arith.maximumf %min3A_780, %max3A_791 : vector<256x128xf32>
    %select_n3A_797 = arith.select %lt3A_795, %select_n3A_781, %select_n3A_792 : vector<256x128xi1>, vector<256x128xf32>
    %min3A_798 = arith.minimumf %min3A_780, %max3A_791 : vector<256x128xf32>
    %select_n3A_799 = arith.select %lt3A_795, %select_n3A_792, %select_n3A_781 : vector<256x128xi1>, vector<256x128xf32>
    %lt3A_800 = arith.cmpf olt, %max3A_796, %min3A_783 : vector<256x128xf32>
    %min3A_801 = arith.minimumf %min3A_783, %max3A_796 : vector<256x128xf32>
    %select_n3A_802 = arith.select %lt3A_800, %select_n3A_797, %select_n3A_784 : vector<256x128xi1>, vector<256x128xf32>
    %slice3A_803 = vector.extract_strided_slice %sub3A_20 {offsets = [0, 5632], sizes = [256, 128], strides = [1, 1]} : vector<256x8192xf32> to vector<256x128xf32>
    %add3A_804 = arith.constant 5.632000e+03 : f32
    %add3A_805 = arith.addf %convert_element_type3A_24, %add3A_804 : f32
    %add3A_806 = vector.broadcast %add3A_805 : f32 to vector<256x128xf32>
    %add3A_807 = arith.addf %convert_element_type3A_21, %add3A_806 : vector<256x128xf32>
    %lt3A_808 = arith.cmpf olt, %slice3A_803, %min3A_793 : vector<256x128xf32>
    %max3A_809 = arith.maximumf %min3A_793, %slice3A_803 : vector<256x128xf32>
    %select_n3A_810 = arith.select %lt3A_808, %select_n3A_794, %add3A_807 : vector<256x128xi1>, vector<256x128xf32>
    %min3A_811 = arith.minimumf %min3A_793, %slice3A_803 : vector<256x128xf32>
    %select_n3A_812 = arith.select %lt3A_808, %add3A_807, %select_n3A_794 : vector<256x128xi1>, vector<256x128xf32>
    %lt3A_813 = arith.cmpf olt, %max3A_809, %min3A_798 : vector<256x128xf32>
    %max3A_814 = arith.maximumf %min3A_798, %max3A_809 : vector<256x128xf32>
    %select_n3A_815 = arith.select %lt3A_813, %select_n3A_799, %select_n3A_810 : vector<256x128xi1>, vector<256x128xf32>
    %min3A_816 = arith.minimumf %min3A_798, %max3A_809 : vector<256x128xf32>
    %select_n3A_817 = arith.select %lt3A_813, %select_n3A_810, %select_n3A_799 : vector<256x128xi1>, vector<256x128xf32>
    %lt3A_818 = arith.cmpf olt, %max3A_814, %min3A_801 : vector<256x128xf32>
    %min3A_819 = arith.minimumf %min3A_801, %max3A_814 : vector<256x128xf32>
    %select_n3A_820 = arith.select %lt3A_818, %select_n3A_815, %select_n3A_802 : vector<256x128xi1>, vector<256x128xf32>
    %slice3A_821 = vector.extract_strided_slice %sub3A_20 {offsets = [0, 5760], sizes = [256, 128], strides = [1, 1]} : vector<256x8192xf32> to vector<256x128xf32>
    %add3A_822 = arith.constant 5.760000e+03 : f32
    %add3A_823 = arith.addf %convert_element_type3A_24, %add3A_822 : f32
    %add3A_824 = vector.broadcast %add3A_823 : f32 to vector<256x128xf32>
    %add3A_825 = arith.addf %convert_element_type3A_21, %add3A_824 : vector<256x128xf32>
    %lt3A_826 = arith.cmpf olt, %slice3A_821, %min3A_811 : vector<256x128xf32>
    %max3A_827 = arith.maximumf %min3A_811, %slice3A_821 : vector<256x128xf32>
    %select_n3A_828 = arith.select %lt3A_826, %select_n3A_812, %add3A_825 : vector<256x128xi1>, vector<256x128xf32>
    %min3A_829 = arith.minimumf %min3A_811, %slice3A_821 : vector<256x128xf32>
    %select_n3A_830 = arith.select %lt3A_826, %add3A_825, %select_n3A_812 : vector<256x128xi1>, vector<256x128xf32>
    %lt3A_831 = arith.cmpf olt, %max3A_827, %min3A_816 : vector<256x128xf32>
    %max3A_832 = arith.maximumf %min3A_816, %max3A_827 : vector<256x128xf32>
    %select_n3A_833 = arith.select %lt3A_831, %select_n3A_817, %select_n3A_828 : vector<256x128xi1>, vector<256x128xf32>
    %min3A_834 = arith.minimumf %min3A_816, %max3A_827 : vector<256x128xf32>
    %select_n3A_835 = arith.select %lt3A_831, %select_n3A_828, %select_n3A_817 : vector<256x128xi1>, vector<256x128xf32>
    %lt3A_836 = arith.cmpf olt, %max3A_832, %min3A_819 : vector<256x128xf32>
    %min3A_837 = arith.minimumf %min3A_819, %max3A_832 : vector<256x128xf32>
    %select_n3A_838 = arith.select %lt3A_836, %select_n3A_833, %select_n3A_820 : vector<256x128xi1>, vector<256x128xf32>
    %slice3A_839 = vector.extract_strided_slice %sub3A_20 {offsets = [0, 5888], sizes = [256, 128], strides = [1, 1]} : vector<256x8192xf32> to vector<256x128xf32>
    %add3A_840 = arith.constant 5.888000e+03 : f32
    %add3A_841 = arith.addf %convert_element_type3A_24, %add3A_840 : f32
    %add3A_842 = vector.broadcast %add3A_841 : f32 to vector<256x128xf32>
    %add3A_843 = arith.addf %convert_element_type3A_21, %add3A_842 : vector<256x128xf32>
    %lt3A_844 = arith.cmpf olt, %slice3A_839, %min3A_829 : vector<256x128xf32>
    %max3A_845 = arith.maximumf %min3A_829, %slice3A_839 : vector<256x128xf32>
    %select_n3A_846 = arith.select %lt3A_844, %select_n3A_830, %add3A_843 : vector<256x128xi1>, vector<256x128xf32>
    %min3A_847 = arith.minimumf %min3A_829, %slice3A_839 : vector<256x128xf32>
    %select_n3A_848 = arith.select %lt3A_844, %add3A_843, %select_n3A_830 : vector<256x128xi1>, vector<256x128xf32>
    %lt3A_849 = arith.cmpf olt, %max3A_845, %min3A_834 : vector<256x128xf32>
    %max3A_850 = arith.maximumf %min3A_834, %max3A_845 : vector<256x128xf32>
    %select_n3A_851 = arith.select %lt3A_849, %select_n3A_835, %select_n3A_846 : vector<256x128xi1>, vector<256x128xf32>
    %min3A_852 = arith.minimumf %min3A_834, %max3A_845 : vector<256x128xf32>
    %select_n3A_853 = arith.select %lt3A_849, %select_n3A_846, %select_n3A_835 : vector<256x128xi1>, vector<256x128xf32>
    %lt3A_854 = arith.cmpf olt, %max3A_850, %min3A_837 : vector<256x128xf32>
    %min3A_855 = arith.minimumf %min3A_837, %max3A_850 : vector<256x128xf32>
    %select_n3A_856 = arith.select %lt3A_854, %select_n3A_851, %select_n3A_838 : vector<256x128xi1>, vector<256x128xf32>
    %slice3A_857 = vector.extract_strided_slice %sub3A_20 {offsets = [0, 6016], sizes = [256, 128], strides = [1, 1]} : vector<256x8192xf32> to vector<256x128xf32>
    %add3A_858 = arith.constant 6.016000e+03 : f32
    %add3A_859 = arith.addf %convert_element_type3A_24, %add3A_858 : f32
    %add3A_860 = vector.broadcast %add3A_859 : f32 to vector<256x128xf32>
    %add3A_861 = arith.addf %convert_element_type3A_21, %add3A_860 : vector<256x128xf32>
    %lt3A_862 = arith.cmpf olt, %slice3A_857, %min3A_847 : vector<256x128xf32>
    %max3A_863 = arith.maximumf %min3A_847, %slice3A_857 : vector<256x128xf32>
    %select_n3A_864 = arith.select %lt3A_862, %select_n3A_848, %add3A_861 : vector<256x128xi1>, vector<256x128xf32>
    %min3A_865 = arith.minimumf %min3A_847, %slice3A_857 : vector<256x128xf32>
    %select_n3A_866 = arith.select %lt3A_862, %add3A_861, %select_n3A_848 : vector<256x128xi1>, vector<256x128xf32>
    %lt3A_867 = arith.cmpf olt, %max3A_863, %min3A_852 : vector<256x128xf32>
    %max3A_868 = arith.maximumf %min3A_852, %max3A_863 : vector<256x128xf32>
    %select_n3A_869 = arith.select %lt3A_867, %select_n3A_853, %select_n3A_864 : vector<256x128xi1>, vector<256x128xf32>
    %min3A_870 = arith.minimumf %min3A_852, %max3A_863 : vector<256x128xf32>
    %select_n3A_871 = arith.select %lt3A_867, %select_n3A_864, %select_n3A_853 : vector<256x128xi1>, vector<256x128xf32>
    %lt3A_872 = arith.cmpf olt, %max3A_868, %min3A_855 : vector<256x128xf32>
    %min3A_873 = arith.minimumf %min3A_855, %max3A_868 : vector<256x128xf32>
    %select_n3A_874 = arith.select %lt3A_872, %select_n3A_869, %select_n3A_856 : vector<256x128xi1>, vector<256x128xf32>
    %slice3A_875 = vector.extract_strided_slice %sub3A_20 {offsets = [0, 6144], sizes = [256, 128], strides = [1, 1]} : vector<256x8192xf32> to vector<256x128xf32>
    %add3A_876 = arith.constant 6.144000e+03 : f32
    %add3A_877 = arith.addf %convert_element_type3A_24, %add3A_876 : f32
    %add3A_878 = vector.broadcast %add3A_877 : f32 to vector<256x128xf32>
    %add3A_879 = arith.addf %convert_element_type3A_21, %add3A_878 : vector<256x128xf32>
    %lt3A_880 = arith.cmpf olt, %slice3A_875, %min3A_865 : vector<256x128xf32>
    %max3A_881 = arith.maximumf %min3A_865, %slice3A_875 : vector<256x128xf32>
    %select_n3A_882 = arith.select %lt3A_880, %select_n3A_866, %add3A_879 : vector<256x128xi1>, vector<256x128xf32>
    %min3A_883 = arith.minimumf %min3A_865, %slice3A_875 : vector<256x128xf32>
    %select_n3A_884 = arith.select %lt3A_880, %add3A_879, %select_n3A_866 : vector<256x128xi1>, vector<256x128xf32>
    %lt3A_885 = arith.cmpf olt, %max3A_881, %min3A_870 : vector<256x128xf32>
    %max3A_886 = arith.maximumf %min3A_870, %max3A_881 : vector<256x128xf32>
    %select_n3A_887 = arith.select %lt3A_885, %select_n3A_871, %select_n3A_882 : vector<256x128xi1>, vector<256x128xf32>
    %min3A_888 = arith.minimumf %min3A_870, %max3A_881 : vector<256x128xf32>
    %select_n3A_889 = arith.select %lt3A_885, %select_n3A_882, %select_n3A_871 : vector<256x128xi1>, vector<256x128xf32>
    %lt3A_890 = arith.cmpf olt, %max3A_886, %min3A_873 : vector<256x128xf32>
    %min3A_891 = arith.minimumf %min3A_873, %max3A_886 : vector<256x128xf32>
    %select_n3A_892 = arith.select %lt3A_890, %select_n3A_887, %select_n3A_874 : vector<256x128xi1>, vector<256x128xf32>
    %slice3A_893 = vector.extract_strided_slice %sub3A_20 {offsets = [0, 6272], sizes = [256, 128], strides = [1, 1]} : vector<256x8192xf32> to vector<256x128xf32>
    %add3A_894 = arith.constant 6.272000e+03 : f32
    %add3A_895 = arith.addf %convert_element_type3A_24, %add3A_894 : f32
    %add3A_896 = vector.broadcast %add3A_895 : f32 to vector<256x128xf32>
    %add3A_897 = arith.addf %convert_element_type3A_21, %add3A_896 : vector<256x128xf32>
    %lt3A_898 = arith.cmpf olt, %slice3A_893, %min3A_883 : vector<256x128xf32>
    %max3A_899 = arith.maximumf %min3A_883, %slice3A_893 : vector<256x128xf32>
    %select_n3A_900 = arith.select %lt3A_898, %select_n3A_884, %add3A_897 : vector<256x128xi1>, vector<256x128xf32>
    %min3A_901 = arith.minimumf %min3A_883, %slice3A_893 : vector<256x128xf32>
    %select_n3A_902 = arith.select %lt3A_898, %add3A_897, %select_n3A_884 : vector<256x128xi1>, vector<256x128xf32>
    %lt3A_903 = arith.cmpf olt, %max3A_899, %min3A_888 : vector<256x128xf32>
    %max3A_904 = arith.maximumf %min3A_888, %max3A_899 : vector<256x128xf32>
    %select_n3A_905 = arith.select %lt3A_903, %select_n3A_889, %select_n3A_900 : vector<256x128xi1>, vector<256x128xf32>
    %min3A_906 = arith.minimumf %min3A_888, %max3A_899 : vector<256x128xf32>
    %select_n3A_907 = arith.select %lt3A_903, %select_n3A_900, %select_n3A_889 : vector<256x128xi1>, vector<256x128xf32>
    %lt3A_908 = arith.cmpf olt, %max3A_904, %min3A_891 : vector<256x128xf32>
    %min3A_909 = arith.minimumf %min3A_891, %max3A_904 : vector<256x128xf32>
    %select_n3A_910 = arith.select %lt3A_908, %select_n3A_905, %select_n3A_892 : vector<256x128xi1>, vector<256x128xf32>
    %slice3A_911 = vector.extract_strided_slice %sub3A_20 {offsets = [0, 6400], sizes = [256, 128], strides = [1, 1]} : vector<256x8192xf32> to vector<256x128xf32>
    %add3A_912 = arith.constant 6.400000e+03 : f32
    %add3A_913 = arith.addf %convert_element_type3A_24, %add3A_912 : f32
    %add3A_914 = vector.broadcast %add3A_913 : f32 to vector<256x128xf32>
    %add3A_915 = arith.addf %convert_element_type3A_21, %add3A_914 : vector<256x128xf32>
    %lt3A_916 = arith.cmpf olt, %slice3A_911, %min3A_901 : vector<256x128xf32>
    %max3A_917 = arith.maximumf %min3A_901, %slice3A_911 : vector<256x128xf32>
    %select_n3A_918 = arith.select %lt3A_916, %select_n3A_902, %add3A_915 : vector<256x128xi1>, vector<256x128xf32>
    %min3A_919 = arith.minimumf %min3A_901, %slice3A_911 : vector<256x128xf32>
    %select_n3A_920 = arith.select %lt3A_916, %add3A_915, %select_n3A_902 : vector<256x128xi1>, vector<256x128xf32>
    %lt3A_921 = arith.cmpf olt, %max3A_917, %min3A_906 : vector<256x128xf32>
    %max3A_922 = arith.maximumf %min3A_906, %max3A_917 : vector<256x128xf32>
    %select_n3A_923 = arith.select %lt3A_921, %select_n3A_907, %select_n3A_918 : vector<256x128xi1>, vector<256x128xf32>
    %min3A_924 = arith.minimumf %min3A_906, %max3A_917 : vector<256x128xf32>
    %select_n3A_925 = arith.select %lt3A_921, %select_n3A_918, %select_n3A_907 : vector<256x128xi1>, vector<256x128xf32>
    %lt3A_926 = arith.cmpf olt, %max3A_922, %min3A_909 : vector<256x128xf32>
    %min3A_927 = arith.minimumf %min3A_909, %max3A_922 : vector<256x128xf32>
    %select_n3A_928 = arith.select %lt3A_926, %select_n3A_923, %select_n3A_910 : vector<256x128xi1>, vector<256x128xf32>
    %slice3A_929 = vector.extract_strided_slice %sub3A_20 {offsets = [0, 6528], sizes = [256, 128], strides = [1, 1]} : vector<256x8192xf32> to vector<256x128xf32>
    %add3A_930 = arith.constant 6.528000e+03 : f32
    %add3A_931 = arith.addf %convert_element_type3A_24, %add3A_930 : f32
    %add3A_932 = vector.broadcast %add3A_931 : f32 to vector<256x128xf32>
    %add3A_933 = arith.addf %convert_element_type3A_21, %add3A_932 : vector<256x128xf32>
    %lt3A_934 = arith.cmpf olt, %slice3A_929, %min3A_919 : vector<256x128xf32>
    %max3A_935 = arith.maximumf %min3A_919, %slice3A_929 : vector<256x128xf32>
    %select_n3A_936 = arith.select %lt3A_934, %select_n3A_920, %add3A_933 : vector<256x128xi1>, vector<256x128xf32>
    %min3A_937 = arith.minimumf %min3A_919, %slice3A_929 : vector<256x128xf32>
    %select_n3A_938 = arith.select %lt3A_934, %add3A_933, %select_n3A_920 : vector<256x128xi1>, vector<256x128xf32>
    %lt3A_939 = arith.cmpf olt, %max3A_935, %min3A_924 : vector<256x128xf32>
    %max3A_940 = arith.maximumf %min3A_924, %max3A_935 : vector<256x128xf32>
    %select_n3A_941 = arith.select %lt3A_939, %select_n3A_925, %select_n3A_936 : vector<256x128xi1>, vector<256x128xf32>
    %min3A_942 = arith.minimumf %min3A_924, %max3A_935 : vector<256x128xf32>
    %select_n3A_943 = arith.select %lt3A_939, %select_n3A_936, %select_n3A_925 : vector<256x128xi1>, vector<256x128xf32>
    %lt3A_944 = arith.cmpf olt, %max3A_940, %min3A_927 : vector<256x128xf32>
    %min3A_945 = arith.minimumf %min3A_927, %max3A_940 : vector<256x128xf32>
    %select_n3A_946 = arith.select %lt3A_944, %select_n3A_941, %select_n3A_928 : vector<256x128xi1>, vector<256x128xf32>
    %slice3A_947 = vector.extract_strided_slice %sub3A_20 {offsets = [0, 6656], sizes = [256, 128], strides = [1, 1]} : vector<256x8192xf32> to vector<256x128xf32>
    %add3A_948 = arith.constant 6.656000e+03 : f32
    %add3A_949 = arith.addf %convert_element_type3A_24, %add3A_948 : f32
    %add3A_950 = vector.broadcast %add3A_949 : f32 to vector<256x128xf32>
    %add3A_951 = arith.addf %convert_element_type3A_21, %add3A_950 : vector<256x128xf32>
    %lt3A_952 = arith.cmpf olt, %slice3A_947, %min3A_937 : vector<256x128xf32>
    %max3A_953 = arith.maximumf %min3A_937, %slice3A_947 : vector<256x128xf32>
    %select_n3A_954 = arith.select %lt3A_952, %select_n3A_938, %add3A_951 : vector<256x128xi1>, vector<256x128xf32>
    %min3A_955 = arith.minimumf %min3A_937, %slice3A_947 : vector<256x128xf32>
    %select_n3A_956 = arith.select %lt3A_952, %add3A_951, %select_n3A_938 : vector<256x128xi1>, vector<256x128xf32>
    %lt3A_957 = arith.cmpf olt, %max3A_953, %min3A_942 : vector<256x128xf32>
    %max3A_958 = arith.maximumf %min3A_942, %max3A_953 : vector<256x128xf32>
    %select_n3A_959 = arith.select %lt3A_957, %select_n3A_943, %select_n3A_954 : vector<256x128xi1>, vector<256x128xf32>
    %min3A_960 = arith.minimumf %min3A_942, %max3A_953 : vector<256x128xf32>
    %select_n3A_961 = arith.select %lt3A_957, %select_n3A_954, %select_n3A_943 : vector<256x128xi1>, vector<256x128xf32>
    %lt3A_962 = arith.cmpf olt, %max3A_958, %min3A_945 : vector<256x128xf32>
    %min3A_963 = arith.minimumf %min3A_945, %max3A_958 : vector<256x128xf32>
    %select_n3A_964 = arith.select %lt3A_962, %select_n3A_959, %select_n3A_946 : vector<256x128xi1>, vector<256x128xf32>
    %slice3A_965 = vector.extract_strided_slice %sub3A_20 {offsets = [0, 6784], sizes = [256, 128], strides = [1, 1]} : vector<256x8192xf32> to vector<256x128xf32>
    %add3A_966 = arith.constant 6.784000e+03 : f32
    %add3A_967 = arith.addf %convert_element_type3A_24, %add3A_966 : f32
    %add3A_968 = vector.broadcast %add3A_967 : f32 to vector<256x128xf32>
    %add3A_969 = arith.addf %convert_element_type3A_21, %add3A_968 : vector<256x128xf32>
    %lt3A_970 = arith.cmpf olt, %slice3A_965, %min3A_955 : vector<256x128xf32>
    %max3A_971 = arith.maximumf %min3A_955, %slice3A_965 : vector<256x128xf32>
    %select_n3A_972 = arith.select %lt3A_970, %select_n3A_956, %add3A_969 : vector<256x128xi1>, vector<256x128xf32>
    %min3A_973 = arith.minimumf %min3A_955, %slice3A_965 : vector<256x128xf32>
    %select_n3A_974 = arith.select %lt3A_970, %add3A_969, %select_n3A_956 : vector<256x128xi1>, vector<256x128xf32>
    %lt3A_975 = arith.cmpf olt, %max3A_971, %min3A_960 : vector<256x128xf32>
    %max3A_976 = arith.maximumf %min3A_960, %max3A_971 : vector<256x128xf32>
    %select_n3A_977 = arith.select %lt3A_975, %select_n3A_961, %select_n3A_972 : vector<256x128xi1>, vector<256x128xf32>
    %min3A_978 = arith.minimumf %min3A_960, %max3A_971 : vector<256x128xf32>
    %select_n3A_979 = arith.select %lt3A_975, %select_n3A_972, %select_n3A_961 : vector<256x128xi1>, vector<256x128xf32>
    %lt3A_980 = arith.cmpf olt, %max3A_976, %min3A_963 : vector<256x128xf32>
    %min3A_981 = arith.minimumf %min3A_963, %max3A_976 : vector<256x128xf32>
    %select_n3A_982 = arith.select %lt3A_980, %select_n3A_977, %select_n3A_964 : vector<256x128xi1>, vector<256x128xf32>
    %slice3A_983 = vector.extract_strided_slice %sub3A_20 {offsets = [0, 6912], sizes = [256, 128], strides = [1, 1]} : vector<256x8192xf32> to vector<256x128xf32>
    %add3A_984 = arith.constant 6.912000e+03 : f32
    %add3A_985 = arith.addf %convert_element_type3A_24, %add3A_984 : f32
    %add3A_986 = vector.broadcast %add3A_985 : f32 to vector<256x128xf32>
    %add3A_987 = arith.addf %convert_element_type3A_21, %add3A_986 : vector<256x128xf32>
    %lt3A_988 = arith.cmpf olt, %slice3A_983, %min3A_973 : vector<256x128xf32>
    %max3A_989 = arith.maximumf %min3A_973, %slice3A_983 : vector<256x128xf32>
    %select_n3A_990 = arith.select %lt3A_988, %select_n3A_974, %add3A_987 : vector<256x128xi1>, vector<256x128xf32>
    %min3A_991 = arith.minimumf %min3A_973, %slice3A_983 : vector<256x128xf32>
    %select_n3A_992 = arith.select %lt3A_988, %add3A_987, %select_n3A_974 : vector<256x128xi1>, vector<256x128xf32>
    %lt3A_993 = arith.cmpf olt, %max3A_989, %min3A_978 : vector<256x128xf32>
    %max3A_994 = arith.maximumf %min3A_978, %max3A_989 : vector<256x128xf32>
    %select_n3A_995 = arith.select %lt3A_993, %select_n3A_979, %select_n3A_990 : vector<256x128xi1>, vector<256x128xf32>
    %min3A_996 = arith.minimumf %min3A_978, %max3A_989 : vector<256x128xf32>
    %select_n3A_997 = arith.select %lt3A_993, %select_n3A_990, %select_n3A_979 : vector<256x128xi1>, vector<256x128xf32>
    %lt3A_998 = arith.cmpf olt, %max3A_994, %min3A_981 : vector<256x128xf32>
    %min3A_999 = arith.minimumf %min3A_981, %max3A_994 : vector<256x128xf32>
    %select_n3A_1000 = arith.select %lt3A_998, %select_n3A_995, %select_n3A_982 : vector<256x128xi1>, vector<256x128xf32>
    %slice3A_1001 = vector.extract_strided_slice %sub3A_20 {offsets = [0, 7040], sizes = [256, 128], strides = [1, 1]} : vector<256x8192xf32> to vector<256x128xf32>
    %add3A_1002 = arith.constant 7.040000e+03 : f32
    %add3A_1003 = arith.addf %convert_element_type3A_24, %add3A_1002 : f32
    %add3A_1004 = vector.broadcast %add3A_1003 : f32 to vector<256x128xf32>
    %add3A_1005 = arith.addf %convert_element_type3A_21, %add3A_1004 : vector<256x128xf32>
    %lt3A_1006 = arith.cmpf olt, %slice3A_1001, %min3A_991 : vector<256x128xf32>
    %max3A_1007 = arith.maximumf %min3A_991, %slice3A_1001 : vector<256x128xf32>
    %select_n3A_1008 = arith.select %lt3A_1006, %select_n3A_992, %add3A_1005 : vector<256x128xi1>, vector<256x128xf32>
    %min3A_1009 = arith.minimumf %min3A_991, %slice3A_1001 : vector<256x128xf32>
    %select_n3A_1010 = arith.select %lt3A_1006, %add3A_1005, %select_n3A_992 : vector<256x128xi1>, vector<256x128xf32>
    %lt3A_1011 = arith.cmpf olt, %max3A_1007, %min3A_996 : vector<256x128xf32>
    %max3A_1012 = arith.maximumf %min3A_996, %max3A_1007 : vector<256x128xf32>
    %select_n3A_1013 = arith.select %lt3A_1011, %select_n3A_997, %select_n3A_1008 : vector<256x128xi1>, vector<256x128xf32>
    %min3A_1014 = arith.minimumf %min3A_996, %max3A_1007 : vector<256x128xf32>
    %select_n3A_1015 = arith.select %lt3A_1011, %select_n3A_1008, %select_n3A_997 : vector<256x128xi1>, vector<256x128xf32>
    %lt3A_1016 = arith.cmpf olt, %max3A_1012, %min3A_999 : vector<256x128xf32>
    %min3A_1017 = arith.minimumf %min3A_999, %max3A_1012 : vector<256x128xf32>
    %select_n3A_1018 = arith.select %lt3A_1016, %select_n3A_1013, %select_n3A_1000 : vector<256x128xi1>, vector<256x128xf32>
    %slice3A_1019 = vector.extract_strided_slice %sub3A_20 {offsets = [0, 7168], sizes = [256, 128], strides = [1, 1]} : vector<256x8192xf32> to vector<256x128xf32>
    %add3A_1020 = arith.constant 7.168000e+03 : f32
    %add3A_1021 = arith.addf %convert_element_type3A_24, %add3A_1020 : f32
    %add3A_1022 = vector.broadcast %add3A_1021 : f32 to vector<256x128xf32>
    %add3A_1023 = arith.addf %convert_element_type3A_21, %add3A_1022 : vector<256x128xf32>
    %lt3A_1024 = arith.cmpf olt, %slice3A_1019, %min3A_1009 : vector<256x128xf32>
    %max3A_1025 = arith.maximumf %min3A_1009, %slice3A_1019 : vector<256x128xf32>
    %select_n3A_1026 = arith.select %lt3A_1024, %select_n3A_1010, %add3A_1023 : vector<256x128xi1>, vector<256x128xf32>
    %min3A_1027 = arith.minimumf %min3A_1009, %slice3A_1019 : vector<256x128xf32>
    %select_n3A_1028 = arith.select %lt3A_1024, %add3A_1023, %select_n3A_1010 : vector<256x128xi1>, vector<256x128xf32>
    %lt3A_1029 = arith.cmpf olt, %max3A_1025, %min3A_1014 : vector<256x128xf32>
    %max3A_1030 = arith.maximumf %min3A_1014, %max3A_1025 : vector<256x128xf32>
    %select_n3A_1031 = arith.select %lt3A_1029, %select_n3A_1015, %select_n3A_1026 : vector<256x128xi1>, vector<256x128xf32>
    %min3A_1032 = arith.minimumf %min3A_1014, %max3A_1025 : vector<256x128xf32>
    %select_n3A_1033 = arith.select %lt3A_1029, %select_n3A_1026, %select_n3A_1015 : vector<256x128xi1>, vector<256x128xf32>
    %lt3A_1034 = arith.cmpf olt, %max3A_1030, %min3A_1017 : vector<256x128xf32>
    %min3A_1035 = arith.minimumf %min3A_1017, %max3A_1030 : vector<256x128xf32>
    %select_n3A_1036 = arith.select %lt3A_1034, %select_n3A_1031, %select_n3A_1018 : vector<256x128xi1>, vector<256x128xf32>
    %slice3A_1037 = vector.extract_strided_slice %sub3A_20 {offsets = [0, 7296], sizes = [256, 128], strides = [1, 1]} : vector<256x8192xf32> to vector<256x128xf32>
    %add3A_1038 = arith.constant 7.296000e+03 : f32
    %add3A_1039 = arith.addf %convert_element_type3A_24, %add3A_1038 : f32
    %add3A_1040 = vector.broadcast %add3A_1039 : f32 to vector<256x128xf32>
    %add3A_1041 = arith.addf %convert_element_type3A_21, %add3A_1040 : vector<256x128xf32>
    %lt3A_1042 = arith.cmpf olt, %slice3A_1037, %min3A_1027 : vector<256x128xf32>
    %max3A_1043 = arith.maximumf %min3A_1027, %slice3A_1037 : vector<256x128xf32>
    %select_n3A_1044 = arith.select %lt3A_1042, %select_n3A_1028, %add3A_1041 : vector<256x128xi1>, vector<256x128xf32>
    %min3A_1045 = arith.minimumf %min3A_1027, %slice3A_1037 : vector<256x128xf32>
    %select_n3A_1046 = arith.select %lt3A_1042, %add3A_1041, %select_n3A_1028 : vector<256x128xi1>, vector<256x128xf32>
    %lt3A_1047 = arith.cmpf olt, %max3A_1043, %min3A_1032 : vector<256x128xf32>
    %max3A_1048 = arith.maximumf %min3A_1032, %max3A_1043 : vector<256x128xf32>
    %select_n3A_1049 = arith.select %lt3A_1047, %select_n3A_1033, %select_n3A_1044 : vector<256x128xi1>, vector<256x128xf32>
    %min3A_1050 = arith.minimumf %min3A_1032, %max3A_1043 : vector<256x128xf32>
    %select_n3A_1051 = arith.select %lt3A_1047, %select_n3A_1044, %select_n3A_1033 : vector<256x128xi1>, vector<256x128xf32>
    %lt3A_1052 = arith.cmpf olt, %max3A_1048, %min3A_1035 : vector<256x128xf32>
    %min3A_1053 = arith.minimumf %min3A_1035, %max3A_1048 : vector<256x128xf32>
    %select_n3A_1054 = arith.select %lt3A_1052, %select_n3A_1049, %select_n3A_1036 : vector<256x128xi1>, vector<256x128xf32>
    %slice3A_1055 = vector.extract_strided_slice %sub3A_20 {offsets = [0, 7424], sizes = [256, 128], strides = [1, 1]} : vector<256x8192xf32> to vector<256x128xf32>
    %add3A_1056 = arith.constant 7.424000e+03 : f32
    %add3A_1057 = arith.addf %convert_element_type3A_24, %add3A_1056 : f32
    %add3A_1058 = vector.broadcast %add3A_1057 : f32 to vector<256x128xf32>
    %add3A_1059 = arith.addf %convert_element_type3A_21, %add3A_1058 : vector<256x128xf32>
    %lt3A_1060 = arith.cmpf olt, %slice3A_1055, %min3A_1045 : vector<256x128xf32>
    %max3A_1061 = arith.maximumf %min3A_1045, %slice3A_1055 : vector<256x128xf32>
    %select_n3A_1062 = arith.select %lt3A_1060, %select_n3A_1046, %add3A_1059 : vector<256x128xi1>, vector<256x128xf32>
    %min3A_1063 = arith.minimumf %min3A_1045, %slice3A_1055 : vector<256x128xf32>
    %select_n3A_1064 = arith.select %lt3A_1060, %add3A_1059, %select_n3A_1046 : vector<256x128xi1>, vector<256x128xf32>
    %lt3A_1065 = arith.cmpf olt, %max3A_1061, %min3A_1050 : vector<256x128xf32>
    %max3A_1066 = arith.maximumf %min3A_1050, %max3A_1061 : vector<256x128xf32>
    %select_n3A_1067 = arith.select %lt3A_1065, %select_n3A_1051, %select_n3A_1062 : vector<256x128xi1>, vector<256x128xf32>
    %min3A_1068 = arith.minimumf %min3A_1050, %max3A_1061 : vector<256x128xf32>
    %select_n3A_1069 = arith.select %lt3A_1065, %select_n3A_1062, %select_n3A_1051 : vector<256x128xi1>, vector<256x128xf32>
    %lt3A_1070 = arith.cmpf olt, %max3A_1066, %min3A_1053 : vector<256x128xf32>
    %min3A_1071 = arith.minimumf %min3A_1053, %max3A_1066 : vector<256x128xf32>
    %select_n3A_1072 = arith.select %lt3A_1070, %select_n3A_1067, %select_n3A_1054 : vector<256x128xi1>, vector<256x128xf32>
    %slice3A_1073 = vector.extract_strided_slice %sub3A_20 {offsets = [0, 7552], sizes = [256, 128], strides = [1, 1]} : vector<256x8192xf32> to vector<256x128xf32>
    %add3A_1074 = arith.constant 7.552000e+03 : f32
    %add3A_1075 = arith.addf %convert_element_type3A_24, %add3A_1074 : f32
    %add3A_1076 = vector.broadcast %add3A_1075 : f32 to vector<256x128xf32>
    %add3A_1077 = arith.addf %convert_element_type3A_21, %add3A_1076 : vector<256x128xf32>
    %lt3A_1078 = arith.cmpf olt, %slice3A_1073, %min3A_1063 : vector<256x128xf32>
    %max3A_1079 = arith.maximumf %min3A_1063, %slice3A_1073 : vector<256x128xf32>
    %select_n3A_1080 = arith.select %lt3A_1078, %select_n3A_1064, %add3A_1077 : vector<256x128xi1>, vector<256x128xf32>
    %min3A_1081 = arith.minimumf %min3A_1063, %slice3A_1073 : vector<256x128xf32>
    %select_n3A_1082 = arith.select %lt3A_1078, %add3A_1077, %select_n3A_1064 : vector<256x128xi1>, vector<256x128xf32>
    %lt3A_1083 = arith.cmpf olt, %max3A_1079, %min3A_1068 : vector<256x128xf32>
    %max3A_1084 = arith.maximumf %min3A_1068, %max3A_1079 : vector<256x128xf32>
    %select_n3A_1085 = arith.select %lt3A_1083, %select_n3A_1069, %select_n3A_1080 : vector<256x128xi1>, vector<256x128xf32>
    %min3A_1086 = arith.minimumf %min3A_1068, %max3A_1079 : vector<256x128xf32>
    %select_n3A_1087 = arith.select %lt3A_1083, %select_n3A_1080, %select_n3A_1069 : vector<256x128xi1>, vector<256x128xf32>
    %lt3A_1088 = arith.cmpf olt, %max3A_1084, %min3A_1071 : vector<256x128xf32>
    %min3A_1089 = arith.minimumf %min3A_1071, %max3A_1084 : vector<256x128xf32>
    %select_n3A_1090 = arith.select %lt3A_1088, %select_n3A_1085, %select_n3A_1072 : vector<256x128xi1>, vector<256x128xf32>
    %slice3A_1091 = vector.extract_strided_slice %sub3A_20 {offsets = [0, 7680], sizes = [256, 128], strides = [1, 1]} : vector<256x8192xf32> to vector<256x128xf32>
    %add3A_1092 = arith.constant 7.680000e+03 : f32
    %add3A_1093 = arith.addf %convert_element_type3A_24, %add3A_1092 : f32
    %add3A_1094 = vector.broadcast %add3A_1093 : f32 to vector<256x128xf32>
    %add3A_1095 = arith.addf %convert_element_type3A_21, %add3A_1094 : vector<256x128xf32>
    %lt3A_1096 = arith.cmpf olt, %slice3A_1091, %min3A_1081 : vector<256x128xf32>
    %max3A_1097 = arith.maximumf %min3A_1081, %slice3A_1091 : vector<256x128xf32>
    %select_n3A_1098 = arith.select %lt3A_1096, %select_n3A_1082, %add3A_1095 : vector<256x128xi1>, vector<256x128xf32>
    %min3A_1099 = arith.minimumf %min3A_1081, %slice3A_1091 : vector<256x128xf32>
    %select_n3A_1100 = arith.select %lt3A_1096, %add3A_1095, %select_n3A_1082 : vector<256x128xi1>, vector<256x128xf32>
    %lt3A_1101 = arith.cmpf olt, %max3A_1097, %min3A_1086 : vector<256x128xf32>
    %max3A_1102 = arith.maximumf %min3A_1086, %max3A_1097 : vector<256x128xf32>
    %select_n3A_1103 = arith.select %lt3A_1101, %select_n3A_1087, %select_n3A_1098 : vector<256x128xi1>, vector<256x128xf32>
    %min3A_1104 = arith.minimumf %min3A_1086, %max3A_1097 : vector<256x128xf32>
    %select_n3A_1105 = arith.select %lt3A_1101, %select_n3A_1098, %select_n3A_1087 : vector<256x128xi1>, vector<256x128xf32>
    %lt3A_1106 = arith.cmpf olt, %max3A_1102, %min3A_1089 : vector<256x128xf32>
    %min3A_1107 = arith.minimumf %min3A_1089, %max3A_1102 : vector<256x128xf32>
    %select_n3A_1108 = arith.select %lt3A_1106, %select_n3A_1103, %select_n3A_1090 : vector<256x128xi1>, vector<256x128xf32>
    %slice3A_1109 = vector.extract_strided_slice %sub3A_20 {offsets = [0, 7808], sizes = [256, 128], strides = [1, 1]} : vector<256x8192xf32> to vector<256x128xf32>
    %add3A_1110 = arith.constant 7.808000e+03 : f32
    %add3A_1111 = arith.addf %convert_element_type3A_24, %add3A_1110 : f32
    %add3A_1112 = vector.broadcast %add3A_1111 : f32 to vector<256x128xf32>
    %add3A_1113 = arith.addf %convert_element_type3A_21, %add3A_1112 : vector<256x128xf32>
    %lt3A_1114 = arith.cmpf olt, %slice3A_1109, %min3A_1099 : vector<256x128xf32>
    %max3A_1115 = arith.maximumf %min3A_1099, %slice3A_1109 : vector<256x128xf32>
    %select_n3A_1116 = arith.select %lt3A_1114, %select_n3A_1100, %add3A_1113 : vector<256x128xi1>, vector<256x128xf32>
    %min3A_1117 = arith.minimumf %min3A_1099, %slice3A_1109 : vector<256x128xf32>
    %select_n3A_1118 = arith.select %lt3A_1114, %add3A_1113, %select_n3A_1100 : vector<256x128xi1>, vector<256x128xf32>
    %lt3A_1119 = arith.cmpf olt, %max3A_1115, %min3A_1104 : vector<256x128xf32>
    %max3A_1120 = arith.maximumf %min3A_1104, %max3A_1115 : vector<256x128xf32>
    %select_n3A_1121 = arith.select %lt3A_1119, %select_n3A_1105, %select_n3A_1116 : vector<256x128xi1>, vector<256x128xf32>
    %min3A_1122 = arith.minimumf %min3A_1104, %max3A_1115 : vector<256x128xf32>
    %select_n3A_1123 = arith.select %lt3A_1119, %select_n3A_1116, %select_n3A_1105 : vector<256x128xi1>, vector<256x128xf32>
    %lt3A_1124 = arith.cmpf olt, %max3A_1120, %min3A_1107 : vector<256x128xf32>
    %min3A_1125 = arith.minimumf %min3A_1107, %max3A_1120 : vector<256x128xf32>
    %select_n3A_1126 = arith.select %lt3A_1124, %select_n3A_1121, %select_n3A_1108 : vector<256x128xi1>, vector<256x128xf32>
    %slice3A_1127 = vector.extract_strided_slice %sub3A_20 {offsets = [0, 7936], sizes = [256, 128], strides = [1, 1]} : vector<256x8192xf32> to vector<256x128xf32>
    %add3A_1128 = arith.constant 7.936000e+03 : f32
    %add3A_1129 = arith.addf %convert_element_type3A_24, %add3A_1128 : f32
    %add3A_1130 = vector.broadcast %add3A_1129 : f32 to vector<256x128xf32>
    %add3A_1131 = arith.addf %convert_element_type3A_21, %add3A_1130 : vector<256x128xf32>
    %lt3A_1132 = arith.cmpf olt, %slice3A_1127, %min3A_1117 : vector<256x128xf32>
    %max3A_1133 = arith.maximumf %min3A_1117, %slice3A_1127 : vector<256x128xf32>
    %select_n3A_1134 = arith.select %lt3A_1132, %select_n3A_1118, %add3A_1131 : vector<256x128xi1>, vector<256x128xf32>
    %min3A_1135 = arith.minimumf %min3A_1117, %slice3A_1127 : vector<256x128xf32>
    %select_n3A_1136 = arith.select %lt3A_1132, %add3A_1131, %select_n3A_1118 : vector<256x128xi1>, vector<256x128xf32>
    %lt3A_1137 = arith.cmpf olt, %max3A_1133, %min3A_1122 : vector<256x128xf32>
    %max3A_1138 = arith.maximumf %min3A_1122, %max3A_1133 : vector<256x128xf32>
    %select_n3A_1139 = arith.select %lt3A_1137, %select_n3A_1123, %select_n3A_1134 : vector<256x128xi1>, vector<256x128xf32>
    %min3A_1140 = arith.minimumf %min3A_1122, %max3A_1133 : vector<256x128xf32>
    %select_n3A_1141 = arith.select %lt3A_1137, %select_n3A_1134, %select_n3A_1123 : vector<256x128xi1>, vector<256x128xf32>
    %lt3A_1142 = arith.cmpf olt, %max3A_1138, %min3A_1125 : vector<256x128xf32>
    %min3A_1143 = arith.minimumf %min3A_1125, %max3A_1138 : vector<256x128xf32>
    %select_n3A_1144 = arith.select %lt3A_1142, %select_n3A_1139, %select_n3A_1126 : vector<256x128xi1>, vector<256x128xf32>
    %slice3A_1145 = vector.extract_strided_slice %sub3A_20 {offsets = [0, 8064], sizes = [256, 128], strides = [1, 1]} : vector<256x8192xf32> to vector<256x128xf32>
    %add3A_1146 = arith.constant 8.064000e+03 : f32
    %add3A_1147 = arith.addf %convert_element_type3A_24, %add3A_1146 : f32
    %add3A_1148 = vector.broadcast %add3A_1147 : f32 to vector<256x128xf32>
    %add3A_1149 = arith.addf %convert_element_type3A_21, %add3A_1148 : vector<256x128xf32>
    %lt3A_1150 = arith.cmpf olt, %slice3A_1145, %min3A_1135 : vector<256x128xf32>
    %max3A_1151 = arith.maximumf %min3A_1135, %slice3A_1145 : vector<256x128xf32>
    %select_n3A_1152 = arith.select %lt3A_1150, %select_n3A_1136, %add3A_1149 : vector<256x128xi1>, vector<256x128xf32>
    %min3A_1153 = arith.minimumf %min3A_1135, %slice3A_1145 : vector<256x128xf32>
    %select_n3A_1154 = arith.select %lt3A_1150, %add3A_1149, %select_n3A_1136 : vector<256x128xi1>, vector<256x128xf32>
    %lt3A_1155 = arith.cmpf olt, %max3A_1151, %min3A_1140 : vector<256x128xf32>
    %max3A_1156 = arith.maximumf %min3A_1140, %max3A_1151 : vector<256x128xf32>
    %select_n3A_1157 = arith.select %lt3A_1155, %select_n3A_1141, %select_n3A_1152 : vector<256x128xi1>, vector<256x128xf32>
    %min3A_1158 = arith.minimumf %min3A_1140, %max3A_1151 : vector<256x128xf32>
    %select_n3A_1159 = arith.select %lt3A_1155, %select_n3A_1152, %select_n3A_1141 : vector<256x128xi1>, vector<256x128xf32>
    %lt3A_1160 = arith.cmpf olt, %max3A_1156, %min3A_1143 : vector<256x128xf32>
    %min3A_1161 = arith.minimumf %min3A_1143, %max3A_1156 : vector<256x128xf32>
    %select_n3A_1162 = arith.select %lt3A_1160, %select_n3A_1157, %select_n3A_1144 : vector<256x128xi1>, vector<256x128xf32>
    %broadcast_in_dim3A_1163 = arith.constant 1.000000e+30 : f32
    %broadcast_in_dim3A_1164 = vector.broadcast %broadcast_in_dim3A_1163 : f32 to vector<256x16xf32>
    %broadcast_in_dim3A_1165 = arith.constant -1.000000e+00 : f32
    %broadcast_in_dim3A_1166 = vector.broadcast %broadcast_in_dim3A_1165 : f32 to vector<256x16xf32>
    %get3A_1167 = arith.index_cast %mul3A_0 : i32 to index
    %get3A_1168 = arith.constant 0 : index
    %get3A_1169 = vector.load %arg8[%get3A_1167, %get3A_1168] : memref<2048x16xf32, #tpu.memory_space<vmem>>, vector<256x16xf32>
    %concatenate3A = tpu.concatenate %get3A_1169, %min3A_1153 in 1 : vector<256x16xf32>, vector<256x128xf32> -> vector<256x144xf32>
    %get3A_1170 = arith.index_cast %mul3A_0 : i32 to index
    %get3A_1171 = arith.constant 0 : index
    %get3A_1172 = vector.load %arg9[%get3A_1170, %get3A_1171] : memref<2048x16xf32, #tpu.memory_space<vmem>>, vector<256x16xf32>
    %concatenate3A_1173 = tpu.concatenate %get3A_1172, %select_n3A_1154 in 1 : vector<256x16xf32>, vector<256x128xf32> -> vector<256x144xf32>
    %concatenate3A_1174 = tpu.concatenate %broadcast_in_dim3A_1164, %min3A_1158 in 1 : vector<256x16xf32>, vector<256x128xf32> -> vector<256x144xf32>
    %concatenate3A_1175 = tpu.concatenate %broadcast_in_dim3A_1166, %select_n3A_1159 in 1 : vector<256x16xf32>, vector<256x128xf32> -> vector<256x144xf32>
    %concatenate3A_1176 = tpu.concatenate %broadcast_in_dim3A_1164, %min3A_1161 in 1 : vector<256x16xf32>, vector<256x128xf32> -> vector<256x144xf32>
    %concatenate3A_1177 = tpu.concatenate %broadcast_in_dim3A_1166, %select_n3A_1162 in 1 : vector<256x16xf32>, vector<256x128xf32> -> vector<256x144xf32>
    %reduce_min3A = arith.constant dense<0x7F800000> : vector<256xf32>
    %reduce_min3A_1178 = vector.multi_reduction <minimumf>, %concatenate3A, %reduce_min3A [1] : vector<256x144xf32> to vector<256xf32>
    %broadcast_in_dim3A_1179 = vector.shape_cast %reduce_min3A_1178 : vector<256xf32> to vector<256x1xf32>
    %eq3A_1180 = vector.broadcast %broadcast_in_dim3A_1179 : vector<256x1xf32> to vector<256x144xf32>
    %eq3A_1181 = arith.cmpf oeq, %concatenate3A, %eq3A_1180 : vector<256x144xf32>
    %jit3A = arith.constant 3.000000e+08 : f32
    %broadcast_in_dim3A_1182 = vector.broadcast %jit3A : f32 to vector<256x144xf32>
    %select_n3A_1183 = arith.select %eq3A_1181, %concatenate3A_1173, %broadcast_in_dim3A_1182 : vector<256x144xi1>, vector<256x144xf32>
    %reduce_min3A_1184 = arith.constant dense<0x7F800000> : vector<256xf32>
    %reduce_min3A_1185 = vector.multi_reduction <minimumf>, %select_n3A_1183, %reduce_min3A_1184 [1] : vector<256x144xf32> to vector<256xf32>
    %broadcast_in_dim3A_1186 = vector.shape_cast %reduce_min3A_1185 : vector<256xf32> to vector<256x1xf32>
    %swap3A = arith.index_cast %mul3A_0 : i32 to index
    %swap3A_1187 = arith.constant 0 : index
    %swap3A_1188 = vector.load %arg8[%swap3A, %swap3A_1187] : memref<2048x16xf32, #tpu.memory_space<vmem>>, vector<256x1xf32>
    tpu.vector_store %arg8[%swap3A, %swap3A_1187], %broadcast_in_dim3A_1179 {strides = array<i32>} : memref<2048x16xf32, #tpu.memory_space<vmem>>, vector<256x1xf32>,
    %swap3A_1189 = arith.index_cast %mul3A_0 : i32 to index
    %swap3A_1190 = arith.constant 0 : index
    %swap3A_1191 = vector.load %arg9[%swap3A_1189, %swap3A_1190] : memref<2048x16xf32, #tpu.memory_space<vmem>>, vector<256x1xf32>
    tpu.vector_store %arg9[%swap3A_1189, %swap3A_1190], %broadcast_in_dim3A_1186 {strides = array<i32>} : memref<2048x16xf32, #tpu.memory_space<vmem>>, vector<256x1xf32>,
    %eq3A_1192 = vector.broadcast %broadcast_in_dim3A_1186 : vector<256x1xf32> to vector<256x144xf32>
    %eq3A_1193 = arith.cmpf oeq, %concatenate3A_1173, %eq3A_1192 : vector<256x144xf32>
    %select_n3A_1194 = arith.select %eq3A_1193, %concatenate3A_1174, %concatenate3A : vector<256x144xi1>, vector<256x144xf32>
    %select_n3A_1195 = arith.select %eq3A_1193, %concatenate3A_1175, %concatenate3A_1173 : vector<256x144xi1>, vector<256x144xf32>
    %select_n3A_1196 = arith.select %eq3A_1193, %concatenate3A_1176, %concatenate3A_1174 : vector<256x144xi1>, vector<256x144xf32>
    %select_n3A_1197 = arith.select %eq3A_1193, %concatenate3A_1177, %concatenate3A_1175 : vector<256x144xi1>, vector<256x144xf32>
    %jit3A_1198 = arith.constant 1.000000e+30 : f32
    %broadcast_in_dim3A_1199 = vector.broadcast %jit3A_1198 : f32 to vector<256x144xf32>
    %select_n3A_1200 = arith.select %eq3A_1193, %broadcast_in_dim3A_1199, %concatenate3A_1176 : vector<256x144xi1>, vector<256x144xf32>
    %reduce_min3A_1201 = arith.constant dense<0x7F800000> : vector<256xf32>
    %reduce_min3A_1202 = vector.multi_reduction <minimumf>, %select_n3A_1194, %reduce_min3A_1201 [1] : vector<256x144xf32> to vector<256xf32>
    %broadcast_in_dim3A_1203 = vector.shape_cast %reduce_min3A_1202 : vector<256xf32> to vector<256x1xf32>
    %eq3A_1204 = vector.broadcast %broadcast_in_dim3A_1203 : vector<256x1xf32> to vector<256x144xf32>
    %eq3A_1205 = arith.cmpf oeq, %select_n3A_1194, %eq3A_1204 : vector<256x144xf32>
    %jit3A_1206 = arith.constant 3.000000e+08 : f32
    %broadcast_in_dim3A_1207 = vector.broadcast %jit3A_1206 : f32 to vector<256x144xf32>
    %select_n3A_1208 = arith.select %eq3A_1205, %select_n3A_1195, %broadcast_in_dim3A_1207 : vector<256x144xi1>, vector<256x144xf32>
    %reduce_min3A_1209 = arith.constant dense<0x7F800000> : vector<256xf32>
    %reduce_min3A_1210 = vector.multi_reduction <minimumf>, %select_n3A_1208, %reduce_min3A_1209 [1] : vector<256x144xf32> to vector<256xf32>
    %broadcast_in_dim3A_1211 = vector.shape_cast %reduce_min3A_1210 : vector<256xf32> to vector<256x1xf32>
    %swap3A_1212 = arith.index_cast %mul3A_0 : i32 to index
    %swap3A_1213 = arith.constant 1 : index
    %swap3A_1214 = vector.load %arg8[%swap3A_1212, %swap3A_1213] : memref<2048x16xf32, #tpu.memory_space<vmem>>, vector<256x1xf32>
    tpu.vector_store %arg8[%swap3A_1212, %swap3A_1213], %broadcast_in_dim3A_1203 {strides = array<i32>} : memref<2048x16xf32, #tpu.memory_space<vmem>>, vector<256x1xf32>,
    %swap3A_1215 = arith.index_cast %mul3A_0 : i32 to index
    %swap3A_1216 = arith.constant 1 : index
    %swap3A_1217 = vector.load %arg9[%swap3A_1215, %swap3A_1216] : memref<2048x16xf32, #tpu.memory_space<vmem>>, vector<256x1xf32>
    tpu.vector_store %arg9[%swap3A_1215, %swap3A_1216], %broadcast_in_dim3A_1211 {strides = array<i32>} : memref<2048x16xf32, #tpu.memory_space<vmem>>, vector<256x1xf32>,
    %eq3A_1218 = vector.broadcast %broadcast_in_dim3A_1211 : vector<256x1xf32> to vector<256x144xf32>
    %eq3A_1219 = arith.cmpf oeq, %select_n3A_1195, %eq3A_1218 : vector<256x144xf32>
    %select_n3A_1220 = arith.select %eq3A_1219, %select_n3A_1196, %select_n3A_1194 : vector<256x144xi1>, vector<256x144xf32>
    %select_n3A_1221 = arith.select %eq3A_1219, %select_n3A_1197, %select_n3A_1195 : vector<256x144xi1>, vector<256x144xf32>
    %select_n3A_1222 = arith.select %eq3A_1219, %select_n3A_1200, %select_n3A_1196 : vector<256x144xi1>, vector<256x144xf32>
    %select_n3A_1223 = arith.select %eq3A_1219, %concatenate3A_1177, %select_n3A_1197 : vector<256x144xi1>, vector<256x144xf32>
    %jit3A_1224 = arith.constant 1.000000e+30 : f32
    %broadcast_in_dim3A_1225 = vector.broadcast %jit3A_1224 : f32 to vector<256x144xf32>
    %select_n3A_1226 = arith.select %eq3A_1219, %broadcast_in_dim3A_1225, %select_n3A_1200 : vector<256x144xi1>, vector<256x144xf32>
    %reduce_min3A_1227 = arith.constant dense<0x7F800000> : vector<256xf32>
    %reduce_min3A_1228 = vector.multi_reduction <minimumf>, %select_n3A_1220, %reduce_min3A_1227 [1] : vector<256x144xf32> to vector<256xf32>
    %broadcast_in_dim3A_1229 = vector.shape_cast %reduce_min3A_1228 : vector<256xf32> to vector<256x1xf32>
    %eq3A_1230 = vector.broadcast %broadcast_in_dim3A_1229 : vector<256x1xf32> to vector<256x144xf32>
    %eq3A_1231 = arith.cmpf oeq, %select_n3A_1220, %eq3A_1230 : vector<256x144xf32>
    %jit3A_1232 = arith.constant 3.000000e+08 : f32
    %broadcast_in_dim3A_1233 = vector.broadcast %jit3A_1232 : f32 to vector<256x144xf32>
    %select_n3A_1234 = arith.select %eq3A_1231, %select_n3A_1221, %broadcast_in_dim3A_1233 : vector<256x144xi1>, vector<256x144xf32>
    %reduce_min3A_1235 = arith.constant dense<0x7F800000> : vector<256xf32>
    %reduce_min3A_1236 = vector.multi_reduction <minimumf>, %select_n3A_1234, %reduce_min3A_1235 [1] : vector<256x144xf32> to vector<256xf32>
    %broadcast_in_dim3A_1237 = vector.shape_cast %reduce_min3A_1236 : vector<256xf32> to vector<256x1xf32>
    %swap3A_1238 = arith.index_cast %mul3A_0 : i32 to index
    %swap3A_1239 = arith.constant 2 : index
    %swap3A_1240 = vector.load %arg8[%swap3A_1238, %swap3A_1239] : memref<2048x16xf32, #tpu.memory_space<vmem>>, vector<256x1xf32>
    tpu.vector_store %arg8[%swap3A_1238, %swap3A_1239], %broadcast_in_dim3A_1229 {strides = array<i32>} : memref<2048x16xf32, #tpu.memory_space<vmem>>, vector<256x1xf32>,
    %swap3A_1241 = arith.index_cast %mul3A_0 : i32 to index
    %swap3A_1242 = arith.constant 2 : index
    %swap3A_1243 = vector.load %arg9[%swap3A_1241, %swap3A_1242] : memref<2048x16xf32, #tpu.memory_space<vmem>>, vector<256x1xf32>
    tpu.vector_store %arg9[%swap3A_1241, %swap3A_1242], %broadcast_in_dim3A_1237 {strides = array<i32>} : memref<2048x16xf32, #tpu.memory_space<vmem>>, vector<256x1xf32>,
    %eq3A_1244 = vector.broadcast %broadcast_in_dim3A_1237 : vector<256x1xf32> to vector<256x144xf32>
    %eq3A_1245 = arith.cmpf oeq, %select_n3A_1221, %eq3A_1244 : vector<256x144xf32>
    %select_n3A_1246 = arith.select %eq3A_1245, %select_n3A_1222, %select_n3A_1220 : vector<256x144xi1>, vector<256x144xf32>
    %select_n3A_1247 = arith.select %eq3A_1245, %select_n3A_1223, %select_n3A_1221 : vector<256x144xi1>, vector<256x144xf32>
    %select_n3A_1248 = arith.select %eq3A_1245, %select_n3A_1226, %select_n3A_1222 : vector<256x144xi1>, vector<256x144xf32>
    %select_n3A_1249 = arith.select %eq3A_1245, %concatenate3A_1177, %select_n3A_1223 : vector<256x144xi1>, vector<256x144xf32>
    %jit3A_1250 = arith.constant 1.000000e+30 : f32
    %broadcast_in_dim3A_1251 = vector.broadcast %jit3A_1250 : f32 to vector<256x144xf32>
    %select_n3A_1252 = arith.select %eq3A_1245, %broadcast_in_dim3A_1251, %select_n3A_1226 : vector<256x144xi1>, vector<256x144xf32>
    %reduce_min3A_1253 = arith.constant dense<0x7F800000> : vector<256xf32>
    %reduce_min3A_1254 = vector.multi_reduction <minimumf>, %select_n3A_1246, %reduce_min3A_1253 [1] : vector<256x144xf32> to vector<256xf32>
    %broadcast_in_dim3A_1255 = vector.shape_cast %reduce_min3A_1254 : vector<256xf32> to vector<256x1xf32>
    %eq3A_1256 = vector.broadcast %broadcast_in_dim3A_1255 : vector<256x1xf32> to vector<256x144xf32>
    %eq3A_1257 = arith.cmpf oeq, %select_n3A_1246, %eq3A_1256 : vector<256x144xf32>
    %jit3A_1258 = arith.constant 3.000000e+08 : f32
    %broadcast_in_dim3A_1259 = vector.broadcast %jit3A_1258 : f32 to vector<256x144xf32>
    %select_n3A_1260 = arith.select %eq3A_1257, %select_n3A_1247, %broadcast_in_dim3A_1259 : vector<256x144xi1>, vector<256x144xf32>
    %reduce_min3A_1261 = arith.constant dense<0x7F800000> : vector<256xf32>
    %reduce_min3A_1262 = vector.multi_reduction <minimumf>, %select_n3A_1260, %reduce_min3A_1261 [1] : vector<256x144xf32> to vector<256xf32>
    %broadcast_in_dim3A_1263 = vector.shape_cast %reduce_min3A_1262 : vector<256xf32> to vector<256x1xf32>
    %swap3A_1264 = arith.index_cast %mul3A_0 : i32 to index
    %swap3A_1265 = arith.constant 3 : index
    %swap3A_1266 = vector.load %arg8[%swap3A_1264, %swap3A_1265] : memref<2048x16xf32, #tpu.memory_space<vmem>>, vector<256x1xf32>
    tpu.vector_store %arg8[%swap3A_1264, %swap3A_1265], %broadcast_in_dim3A_1255 {strides = array<i32>} : memref<2048x16xf32, #tpu.memory_space<vmem>>, vector<256x1xf32>,
    %swap3A_1267 = arith.index_cast %mul3A_0 : i32 to index
    %swap3A_1268 = arith.constant 3 : index
    %swap3A_1269 = vector.load %arg9[%swap3A_1267, %swap3A_1268] : memref<2048x16xf32, #tpu.memory_space<vmem>>, vector<256x1xf32>
    tpu.vector_store %arg9[%swap3A_1267, %swap3A_1268], %broadcast_in_dim3A_1263 {strides = array<i32>} : memref<2048x16xf32, #tpu.memory_space<vmem>>, vector<256x1xf32>,
    %eq3A_1270 = vector.broadcast %broadcast_in_dim3A_1263 : vector<256x1xf32> to vector<256x144xf32>
    %eq3A_1271 = arith.cmpf oeq, %select_n3A_1247, %eq3A_1270 : vector<256x144xf32>
    %select_n3A_1272 = arith.select %eq3A_1271, %select_n3A_1248, %select_n3A_1246 : vector<256x144xi1>, vector<256x144xf32>
    %select_n3A_1273 = arith.select %eq3A_1271, %select_n3A_1249, %select_n3A_1247 : vector<256x144xi1>, vector<256x144xf32>
    %select_n3A_1274 = arith.select %eq3A_1271, %select_n3A_1252, %select_n3A_1248 : vector<256x144xi1>, vector<256x144xf32>
    %select_n3A_1275 = arith.select %eq3A_1271, %concatenate3A_1177, %select_n3A_1249 : vector<256x144xi1>, vector<256x144xf32>
    %jit3A_1276 = arith.constant 1.000000e+30 : f32
    %broadcast_in_dim3A_1277 = vector.broadcast %jit3A_1276 : f32 to vector<256x144xf32>
    %select_n3A_1278 = arith.select %eq3A_1271, %broadcast_in_dim3A_1277, %select_n3A_1252 : vector<256x144xi1>, vector<256x144xf32>
    %reduce_min3A_1279 = arith.constant dense<0x7F800000> : vector<256xf32>
    %reduce_min3A_1280 = vector.multi_reduction <minimumf>, %select_n3A_1272, %reduce_min3A_1279 [1] : vector<256x144xf32> to vector<256xf32>
    %broadcast_in_dim3A_1281 = vector.shape_cast %reduce_min3A_1280 : vector<256xf32> to vector<256x1xf32>
    %eq3A_1282 = vector.broadcast %broadcast_in_dim3A_1281 : vector<256x1xf32> to vector<256x144xf32>
    %eq3A_1283 = arith.cmpf oeq, %select_n3A_1272, %eq3A_1282 : vector<256x144xf32>
    %jit3A_1284 = arith.constant 3.000000e+08 : f32
    %broadcast_in_dim3A_1285 = vector.broadcast %jit3A_1284 : f32 to vector<256x144xf32>
    %select_n3A_1286 = arith.select %eq3A_1283, %select_n3A_1273, %broadcast_in_dim3A_1285 : vector<256x144xi1>, vector<256x144xf32>
    %reduce_min3A_1287 = arith.constant dense<0x7F800000> : vector<256xf32>
    %reduce_min3A_1288 = vector.multi_reduction <minimumf>, %select_n3A_1286, %reduce_min3A_1287 [1] : vector<256x144xf32> to vector<256xf32>
    %broadcast_in_dim3A_1289 = vector.shape_cast %reduce_min3A_1288 : vector<256xf32> to vector<256x1xf32>
    %swap3A_1290 = arith.index_cast %mul3A_0 : i32 to index
    %swap3A_1291 = arith.constant 4 : index
    %swap3A_1292 = vector.load %arg8[%swap3A_1290, %swap3A_1291] : memref<2048x16xf32, #tpu.memory_space<vmem>>, vector<256x1xf32>
    tpu.vector_store %arg8[%swap3A_1290, %swap3A_1291], %broadcast_in_dim3A_1281 {strides = array<i32>} : memref<2048x16xf32, #tpu.memory_space<vmem>>, vector<256x1xf32>,
    %swap3A_1293 = arith.index_cast %mul3A_0 : i32 to index
    %swap3A_1294 = arith.constant 4 : index
    %swap3A_1295 = vector.load %arg9[%swap3A_1293, %swap3A_1294] : memref<2048x16xf32, #tpu.memory_space<vmem>>, vector<256x1xf32>
    tpu.vector_store %arg9[%swap3A_1293, %swap3A_1294], %broadcast_in_dim3A_1289 {strides = array<i32>} : memref<2048x16xf32, #tpu.memory_space<vmem>>, vector<256x1xf32>,
    %eq3A_1296 = vector.broadcast %broadcast_in_dim3A_1289 : vector<256x1xf32> to vector<256x144xf32>
    %eq3A_1297 = arith.cmpf oeq, %select_n3A_1273, %eq3A_1296 : vector<256x144xf32>
    %select_n3A_1298 = arith.select %eq3A_1297, %select_n3A_1274, %select_n3A_1272 : vector<256x144xi1>, vector<256x144xf32>
    %select_n3A_1299 = arith.select %eq3A_1297, %select_n3A_1275, %select_n3A_1273 : vector<256x144xi1>, vector<256x144xf32>
    %select_n3A_1300 = arith.select %eq3A_1297, %select_n3A_1278, %select_n3A_1274 : vector<256x144xi1>, vector<256x144xf32>
    %select_n3A_1301 = arith.select %eq3A_1297, %concatenate3A_1177, %select_n3A_1275 : vector<256x144xi1>, vector<256x144xf32>
    %jit3A_1302 = arith.constant 1.000000e+30 : f32
    %broadcast_in_dim3A_1303 = vector.broadcast %jit3A_1302 : f32 to vector<256x144xf32>
    %select_n3A_1304 = arith.select %eq3A_1297, %broadcast_in_dim3A_1303, %select_n3A_1278 : vector<256x144xi1>, vector<256x144xf32>
    %reduce_min3A_1305 = arith.constant dense<0x7F800000> : vector<256xf32>
    %reduce_min3A_1306 = vector.multi_reduction <minimumf>, %select_n3A_1298, %reduce_min3A_1305 [1] : vector<256x144xf32> to vector<256xf32>
    %broadcast_in_dim3A_1307 = vector.shape_cast %reduce_min3A_1306 : vector<256xf32> to vector<256x1xf32>
    %eq3A_1308 = vector.broadcast %broadcast_in_dim3A_1307 : vector<256x1xf32> to vector<256x144xf32>
    %eq3A_1309 = arith.cmpf oeq, %select_n3A_1298, %eq3A_1308 : vector<256x144xf32>
    %jit3A_1310 = arith.constant 3.000000e+08 : f32
    %broadcast_in_dim3A_1311 = vector.broadcast %jit3A_1310 : f32 to vector<256x144xf32>
    %select_n3A_1312 = arith.select %eq3A_1309, %select_n3A_1299, %broadcast_in_dim3A_1311 : vector<256x144xi1>, vector<256x144xf32>
    %reduce_min3A_1313 = arith.constant dense<0x7F800000> : vector<256xf32>
    %reduce_min3A_1314 = vector.multi_reduction <minimumf>, %select_n3A_1312, %reduce_min3A_1313 [1] : vector<256x144xf32> to vector<256xf32>
    %broadcast_in_dim3A_1315 = vector.shape_cast %reduce_min3A_1314 : vector<256xf32> to vector<256x1xf32>
    %swap3A_1316 = arith.index_cast %mul3A_0 : i32 to index
    %swap3A_1317 = arith.constant 5 : index
    %swap3A_1318 = vector.load %arg8[%swap3A_1316, %swap3A_1317] : memref<2048x16xf32, #tpu.memory_space<vmem>>, vector<256x1xf32>
    tpu.vector_store %arg8[%swap3A_1316, %swap3A_1317], %broadcast_in_dim3A_1307 {strides = array<i32>} : memref<2048x16xf32, #tpu.memory_space<vmem>>, vector<256x1xf32>,
    %swap3A_1319 = arith.index_cast %mul3A_0 : i32 to index
    %swap3A_1320 = arith.constant 5 : index
    %swap3A_1321 = vector.load %arg9[%swap3A_1319, %swap3A_1320] : memref<2048x16xf32, #tpu.memory_space<vmem>>, vector<256x1xf32>
    tpu.vector_store %arg9[%swap3A_1319, %swap3A_1320], %broadcast_in_dim3A_1315 {strides = array<i32>} : memref<2048x16xf32, #tpu.memory_space<vmem>>, vector<256x1xf32>,
    %eq3A_1322 = vector.broadcast %broadcast_in_dim3A_1315 : vector<256x1xf32> to vector<256x144xf32>
    %eq3A_1323 = arith.cmpf oeq, %select_n3A_1299, %eq3A_1322 : vector<256x144xf32>
    %select_n3A_1324 = arith.select %eq3A_1323, %select_n3A_1300, %select_n3A_1298 : vector<256x144xi1>, vector<256x144xf32>
    %select_n3A_1325 = arith.select %eq3A_1323, %select_n3A_1301, %select_n3A_1299 : vector<256x144xi1>, vector<256x144xf32>
    %select_n3A_1326 = arith.select %eq3A_1323, %select_n3A_1304, %select_n3A_1300 : vector<256x144xi1>, vector<256x144xf32>
    %select_n3A_1327 = arith.select %eq3A_1323, %concatenate3A_1177, %select_n3A_1301 : vector<256x144xi1>, vector<256x144xf32>
    %jit3A_1328 = arith.constant 1.000000e+30 : f32
    %broadcast_in_dim3A_1329 = vector.broadcast %jit3A_1328 : f32 to vector<256x144xf32>
    %select_n3A_1330 = arith.select %eq3A_1323, %broadcast_in_dim3A_1329, %select_n3A_1304 : vector<256x144xi1>, vector<256x144xf32>
    %reduce_min3A_1331 = arith.constant dense<0x7F800000> : vector<256xf32>
    %reduce_min3A_1332 = vector.multi_reduction <minimumf>, %select_n3A_1324, %reduce_min3A_1331 [1] : vector<256x144xf32> to vector<256xf32>
    %broadcast_in_dim3A_1333 = vector.shape_cast %reduce_min3A_1332 : vector<256xf32> to vector<256x1xf32>
    %eq3A_1334 = vector.broadcast %broadcast_in_dim3A_1333 : vector<256x1xf32> to vector<256x144xf32>
    %eq3A_1335 = arith.cmpf oeq, %select_n3A_1324, %eq3A_1334 : vector<256x144xf32>
    %jit3A_1336 = arith.constant 3.000000e+08 : f32
    %broadcast_in_dim3A_1337 = vector.broadcast %jit3A_1336 : f32 to vector<256x144xf32>
    %select_n3A_1338 = arith.select %eq3A_1335, %select_n3A_1325, %broadcast_in_dim3A_1337 : vector<256x144xi1>, vector<256x144xf32>
    %reduce_min3A_1339 = arith.constant dense<0x7F800000> : vector<256xf32>
    %reduce_min3A_1340 = vector.multi_reduction <minimumf>, %select_n3A_1338, %reduce_min3A_1339 [1] : vector<256x144xf32> to vector<256xf32>
    %broadcast_in_dim3A_1341 = vector.shape_cast %reduce_min3A_1340 : vector<256xf32> to vector<256x1xf32>
    %swap3A_1342 = arith.index_cast %mul3A_0 : i32 to index
    %swap3A_1343 = arith.constant 6 : index
    %swap3A_1344 = vector.load %arg8[%swap3A_1342, %swap3A_1343] : memref<2048x16xf32, #tpu.memory_space<vmem>>, vector<256x1xf32>
    tpu.vector_store %arg8[%swap3A_1342, %swap3A_1343], %broadcast_in_dim3A_1333 {strides = array<i32>} : memref<2048x16xf32, #tpu.memory_space<vmem>>, vector<256x1xf32>,
    %swap3A_1345 = arith.index_cast %mul3A_0 : i32 to index
    %swap3A_1346 = arith.constant 6 : index
    %swap3A_1347 = vector.load %arg9[%swap3A_1345, %swap3A_1346] : memref<2048x16xf32, #tpu.memory_space<vmem>>, vector<256x1xf32>
    tpu.vector_store %arg9[%swap3A_1345, %swap3A_1346], %broadcast_in_dim3A_1341 {strides = array<i32>} : memref<2048x16xf32, #tpu.memory_space<vmem>>, vector<256x1xf32>,
    %eq3A_1348 = vector.broadcast %broadcast_in_dim3A_1341 : vector<256x1xf32> to vector<256x144xf32>
    %eq3A_1349 = arith.cmpf oeq, %select_n3A_1325, %eq3A_1348 : vector<256x144xf32>
    %select_n3A_1350 = arith.select %eq3A_1349, %select_n3A_1326, %select_n3A_1324 : vector<256x144xi1>, vector<256x144xf32>
    %select_n3A_1351 = arith.select %eq3A_1349, %select_n3A_1327, %select_n3A_1325 : vector<256x144xi1>, vector<256x144xf32>
    %select_n3A_1352 = arith.select %eq3A_1349, %select_n3A_1330, %select_n3A_1326 : vector<256x144xi1>, vector<256x144xf32>
    %select_n3A_1353 = arith.select %eq3A_1349, %concatenate3A_1177, %select_n3A_1327 : vector<256x144xi1>, vector<256x144xf32>
    %jit3A_1354 = arith.constant 1.000000e+30 : f32
    %broadcast_in_dim3A_1355 = vector.broadcast %jit3A_1354 : f32 to vector<256x144xf32>
    %select_n3A_1356 = arith.select %eq3A_1349, %broadcast_in_dim3A_1355, %select_n3A_1330 : vector<256x144xi1>, vector<256x144xf32>
    %reduce_min3A_1357 = arith.constant dense<0x7F800000> : vector<256xf32>
    %reduce_min3A_1358 = vector.multi_reduction <minimumf>, %select_n3A_1350, %reduce_min3A_1357 [1] : vector<256x144xf32> to vector<256xf32>
    %broadcast_in_dim3A_1359 = vector.shape_cast %reduce_min3A_1358 : vector<256xf32> to vector<256x1xf32>
    %eq3A_1360 = vector.broadcast %broadcast_in_dim3A_1359 : vector<256x1xf32> to vector<256x144xf32>
    %eq3A_1361 = arith.cmpf oeq, %select_n3A_1350, %eq3A_1360 : vector<256x144xf32>
    %jit3A_1362 = arith.constant 3.000000e+08 : f32
    %broadcast_in_dim3A_1363 = vector.broadcast %jit3A_1362 : f32 to vector<256x144xf32>
    %select_n3A_1364 = arith.select %eq3A_1361, %select_n3A_1351, %broadcast_in_dim3A_1363 : vector<256x144xi1>, vector<256x144xf32>
    %reduce_min3A_1365 = arith.constant dense<0x7F800000> : vector<256xf32>
    %reduce_min3A_1366 = vector.multi_reduction <minimumf>, %select_n3A_1364, %reduce_min3A_1365 [1] : vector<256x144xf32> to vector<256xf32>
    %broadcast_in_dim3A_1367 = vector.shape_cast %reduce_min3A_1366 : vector<256xf32> to vector<256x1xf32>
    %swap3A_1368 = arith.index_cast %mul3A_0 : i32 to index
    %swap3A_1369 = arith.constant 7 : index
    %swap3A_1370 = vector.load %arg8[%swap3A_1368, %swap3A_1369] : memref<2048x16xf32, #tpu.memory_space<vmem>>, vector<256x1xf32>
    tpu.vector_store %arg8[%swap3A_1368, %swap3A_1369], %broadcast_in_dim3A_1359 {strides = array<i32>} : memref<2048x16xf32, #tpu.memory_space<vmem>>, vector<256x1xf32>,
    %swap3A_1371 = arith.index_cast %mul3A_0 : i32 to index
    %swap3A_1372 = arith.constant 7 : index
    %swap3A_1373 = vector.load %arg9[%swap3A_1371, %swap3A_1372] : memref<2048x16xf32, #tpu.memory_space<vmem>>, vector<256x1xf32>
    tpu.vector_store %arg9[%swap3A_1371, %swap3A_1372], %broadcast_in_dim3A_1367 {strides = array<i32>} : memref<2048x16xf32, #tpu.memory_space<vmem>>, vector<256x1xf32>,
    %eq3A_1374 = vector.broadcast %broadcast_in_dim3A_1367 : vector<256x1xf32> to vector<256x144xf32>
    %eq3A_1375 = arith.cmpf oeq, %select_n3A_1351, %eq3A_1374 : vector<256x144xf32>
    %select_n3A_1376 = arith.select %eq3A_1375, %select_n3A_1352, %select_n3A_1350 : vector<256x144xi1>, vector<256x144xf32>
    %select_n3A_1377 = arith.select %eq3A_1375, %select_n3A_1353, %select_n3A_1351 : vector<256x144xi1>, vector<256x144xf32>
    %select_n3A_1378 = arith.select %eq3A_1375, %select_n3A_1356, %select_n3A_1352 : vector<256x144xi1>, vector<256x144xf32>
    %select_n3A_1379 = arith.select %eq3A_1375, %concatenate3A_1177, %select_n3A_1353 : vector<256x144xi1>, vector<256x144xf32>
    %jit3A_1380 = arith.constant 1.000000e+30 : f32
    %broadcast_in_dim3A_1381 = vector.broadcast %jit3A_1380 : f32 to vector<256x144xf32>
    %select_n3A_1382 = arith.select %eq3A_1375, %broadcast_in_dim3A_1381, %select_n3A_1356 : vector<256x144xi1>, vector<256x144xf32>
    %reduce_min3A_1383 = arith.constant dense<0x7F800000> : vector<256xf32>
    %reduce_min3A_1384 = vector.multi_reduction <minimumf>, %select_n3A_1376, %reduce_min3A_1383 [1] : vector<256x144xf32> to vector<256xf32>
    %broadcast_in_dim3A_1385 = vector.shape_cast %reduce_min3A_1384 : vector<256xf32> to vector<256x1xf32>
    %eq3A_1386 = vector.broadcast %broadcast_in_dim3A_1385 : vector<256x1xf32> to vector<256x144xf32>
    %eq3A_1387 = arith.cmpf oeq, %select_n3A_1376, %eq3A_1386 : vector<256x144xf32>
    %jit3A_1388 = arith.constant 3.000000e+08 : f32
    %broadcast_in_dim3A_1389 = vector.broadcast %jit3A_1388 : f32 to vector<256x144xf32>
    %select_n3A_1390 = arith.select %eq3A_1387, %select_n3A_1377, %broadcast_in_dim3A_1389 : vector<256x144xi1>, vector<256x144xf32>
    %reduce_min3A_1391 = arith.constant dense<0x7F800000> : vector<256xf32>
    %reduce_min3A_1392 = vector.multi_reduction <minimumf>, %select_n3A_1390, %reduce_min3A_1391 [1] : vector<256x144xf32> to vector<256xf32>
    %broadcast_in_dim3A_1393 = vector.shape_cast %reduce_min3A_1392 : vector<256xf32> to vector<256x1xf32>
    %swap3A_1394 = arith.index_cast %mul3A_0 : i32 to index
    %swap3A_1395 = arith.constant 8 : index
    %swap3A_1396 = vector.load %arg8[%swap3A_1394, %swap3A_1395] : memref<2048x16xf32, #tpu.memory_space<vmem>>, vector<256x1xf32>
    tpu.vector_store %arg8[%swap3A_1394, %swap3A_1395], %broadcast_in_dim3A_1385 {strides = array<i32>} : memref<2048x16xf32, #tpu.memory_space<vmem>>, vector<256x1xf32>,
    %swap3A_1397 = arith.index_cast %mul3A_0 : i32 to index
    %swap3A_1398 = arith.constant 8 : index
    %swap3A_1399 = vector.load %arg9[%swap3A_1397, %swap3A_1398] : memref<2048x16xf32, #tpu.memory_space<vmem>>, vector<256x1xf32>
    tpu.vector_store %arg9[%swap3A_1397, %swap3A_1398], %broadcast_in_dim3A_1393 {strides = array<i32>} : memref<2048x16xf32, #tpu.memory_space<vmem>>, vector<256x1xf32>,
    %eq3A_1400 = vector.broadcast %broadcast_in_dim3A_1393 : vector<256x1xf32> to vector<256x144xf32>
    %eq3A_1401 = arith.cmpf oeq, %select_n3A_1377, %eq3A_1400 : vector<256x144xf32>
    %select_n3A_1402 = arith.select %eq3A_1401, %select_n3A_1378, %select_n3A_1376 : vector<256x144xi1>, vector<256x144xf32>
    %select_n3A_1403 = arith.select %eq3A_1401, %select_n3A_1379, %select_n3A_1377 : vector<256x144xi1>, vector<256x144xf32>
    %select_n3A_1404 = arith.select %eq3A_1401, %select_n3A_1382, %select_n3A_1378 : vector<256x144xi1>, vector<256x144xf32>
    %select_n3A_1405 = arith.select %eq3A_1401, %concatenate3A_1177, %select_n3A_1379 : vector<256x144xi1>, vector<256x144xf32>
    %jit3A_1406 = arith.constant 1.000000e+30 : f32
    %broadcast_in_dim3A_1407 = vector.broadcast %jit3A_1406 : f32 to vector<256x144xf32>
    %select_n3A_1408 = arith.select %eq3A_1401, %broadcast_in_dim3A_1407, %select_n3A_1382 : vector<256x144xi1>, vector<256x144xf32>
    %reduce_min3A_1409 = arith.constant dense<0x7F800000> : vector<256xf32>
    %reduce_min3A_1410 = vector.multi_reduction <minimumf>, %select_n3A_1402, %reduce_min3A_1409 [1] : vector<256x144xf32> to vector<256xf32>
    %broadcast_in_dim3A_1411 = vector.shape_cast %reduce_min3A_1410 : vector<256xf32> to vector<256x1xf32>
    %eq3A_1412 = vector.broadcast %broadcast_in_dim3A_1411 : vector<256x1xf32> to vector<256x144xf32>
    %eq3A_1413 = arith.cmpf oeq, %select_n3A_1402, %eq3A_1412 : vector<256x144xf32>
    %jit3A_1414 = arith.constant 3.000000e+08 : f32
    %broadcast_in_dim3A_1415 = vector.broadcast %jit3A_1414 : f32 to vector<256x144xf32>
    %select_n3A_1416 = arith.select %eq3A_1413, %select_n3A_1403, %broadcast_in_dim3A_1415 : vector<256x144xi1>, vector<256x144xf32>
    %reduce_min3A_1417 = arith.constant dense<0x7F800000> : vector<256xf32>
    %reduce_min3A_1418 = vector.multi_reduction <minimumf>, %select_n3A_1416, %reduce_min3A_1417 [1] : vector<256x144xf32> to vector<256xf32>
    %broadcast_in_dim3A_1419 = vector.shape_cast %reduce_min3A_1418 : vector<256xf32> to vector<256x1xf32>
    %swap3A_1420 = arith.index_cast %mul3A_0 : i32 to index
    %swap3A_1421 = arith.constant 9 : index
    %swap3A_1422 = vector.load %arg8[%swap3A_1420, %swap3A_1421] : memref<2048x16xf32, #tpu.memory_space<vmem>>, vector<256x1xf32>
    tpu.vector_store %arg8[%swap3A_1420, %swap3A_1421], %broadcast_in_dim3A_1411 {strides = array<i32>} : memref<2048x16xf32, #tpu.memory_space<vmem>>, vector<256x1xf32>,
    %swap3A_1423 = arith.index_cast %mul3A_0 : i32 to index
    %swap3A_1424 = arith.constant 9 : index
    %swap3A_1425 = vector.load %arg9[%swap3A_1423, %swap3A_1424] : memref<2048x16xf32, #tpu.memory_space<vmem>>, vector<256x1xf32>
    tpu.vector_store %arg9[%swap3A_1423, %swap3A_1424], %broadcast_in_dim3A_1419 {strides = array<i32>} : memref<2048x16xf32, #tpu.memory_space<vmem>>, vector<256x1xf32>,
    %eq3A_1426 = vector.broadcast %broadcast_in_dim3A_1419 : vector<256x1xf32> to vector<256x144xf32>
    %eq3A_1427 = arith.cmpf oeq, %select_n3A_1403, %eq3A_1426 : vector<256x144xf32>
    %select_n3A_1428 = arith.select %eq3A_1427, %select_n3A_1404, %select_n3A_1402 : vector<256x144xi1>, vector<256x144xf32>
    %select_n3A_1429 = arith.select %eq3A_1427, %select_n3A_1405, %select_n3A_1403 : vector<256x144xi1>, vector<256x144xf32>
    %select_n3A_1430 = arith.select %eq3A_1427, %select_n3A_1408, %select_n3A_1404 : vector<256x144xi1>, vector<256x144xf32>
    %select_n3A_1431 = arith.select %eq3A_1427, %concatenate3A_1177, %select_n3A_1405 : vector<256x144xi1>, vector<256x144xf32>
    %jit3A_1432 = arith.constant 1.000000e+30 : f32
    %broadcast_in_dim3A_1433 = vector.broadcast %jit3A_1432 : f32 to vector<256x144xf32>
    %select_n3A_1434 = arith.select %eq3A_1427, %broadcast_in_dim3A_1433, %select_n3A_1408 : vector<256x144xi1>, vector<256x144xf32>
    %reduce_min3A_1435 = arith.constant dense<0x7F800000> : vector<256xf32>
    %reduce_min3A_1436 = vector.multi_reduction <minimumf>, %select_n3A_1428, %reduce_min3A_1435 [1] : vector<256x144xf32> to vector<256xf32>
    %broadcast_in_dim3A_1437 = vector.shape_cast %reduce_min3A_1436 : vector<256xf32> to vector<256x1xf32>
    %eq3A_1438 = vector.broadcast %broadcast_in_dim3A_1437 : vector<256x1xf32> to vector<256x144xf32>
    %eq3A_1439 = arith.cmpf oeq, %select_n3A_1428, %eq3A_1438 : vector<256x144xf32>
    %jit3A_1440 = arith.constant 3.000000e+08 : f32
    %broadcast_in_dim3A_1441 = vector.broadcast %jit3A_1440 : f32 to vector<256x144xf32>
    %select_n3A_1442 = arith.select %eq3A_1439, %select_n3A_1429, %broadcast_in_dim3A_1441 : vector<256x144xi1>, vector<256x144xf32>
    %reduce_min3A_1443 = arith.constant dense<0x7F800000> : vector<256xf32>
    %reduce_min3A_1444 = vector.multi_reduction <minimumf>, %select_n3A_1442, %reduce_min3A_1443 [1] : vector<256x144xf32> to vector<256xf32>
    %broadcast_in_dim3A_1445 = vector.shape_cast %reduce_min3A_1444 : vector<256xf32> to vector<256x1xf32>
    %swap3A_1446 = arith.index_cast %mul3A_0 : i32 to index
    %swap3A_1447 = arith.constant 10 : index
    %swap3A_1448 = vector.load %arg8[%swap3A_1446, %swap3A_1447] : memref<2048x16xf32, #tpu.memory_space<vmem>>, vector<256x1xf32>
    tpu.vector_store %arg8[%swap3A_1446, %swap3A_1447], %broadcast_in_dim3A_1437 {strides = array<i32>} : memref<2048x16xf32, #tpu.memory_space<vmem>>, vector<256x1xf32>,
    %swap3A_1449 = arith.index_cast %mul3A_0 : i32 to index
    %swap3A_1450 = arith.constant 10 : index
    %swap3A_1451 = vector.load %arg9[%swap3A_1449, %swap3A_1450] : memref<2048x16xf32, #tpu.memory_space<vmem>>, vector<256x1xf32>
    tpu.vector_store %arg9[%swap3A_1449, %swap3A_1450], %broadcast_in_dim3A_1445 {strides = array<i32>} : memref<2048x16xf32, #tpu.memory_space<vmem>>, vector<256x1xf32>,
    %eq3A_1452 = vector.broadcast %broadcast_in_dim3A_1445 : vector<256x1xf32> to vector<256x144xf32>
    %eq3A_1453 = arith.cmpf oeq, %select_n3A_1429, %eq3A_1452 : vector<256x144xf32>
    %select_n3A_1454 = arith.select %eq3A_1453, %select_n3A_1430, %select_n3A_1428 : vector<256x144xi1>, vector<256x144xf32>
    %select_n3A_1455 = arith.select %eq3A_1453, %select_n3A_1431, %select_n3A_1429 : vector<256x144xi1>, vector<256x144xf32>
    %select_n3A_1456 = arith.select %eq3A_1453, %select_n3A_1434, %select_n3A_1430 : vector<256x144xi1>, vector<256x144xf32>
    %select_n3A_1457 = arith.select %eq3A_1453, %concatenate3A_1177, %select_n3A_1431 : vector<256x144xi1>, vector<256x144xf32>
    %jit3A_1458 = arith.constant 1.000000e+30 : f32
    %broadcast_in_dim3A_1459 = vector.broadcast %jit3A_1458 : f32 to vector<256x144xf32>
    %select_n3A_1460 = arith.select %eq3A_1453, %broadcast_in_dim3A_1459, %select_n3A_1434 : vector<256x144xi1>, vector<256x144xf32>
    %reduce_min3A_1461 = arith.constant dense<0x7F800000> : vector<256xf32>
    %reduce_min3A_1462 = vector.multi_reduction <minimumf>, %select_n3A_1454, %reduce_min3A_1461 [1] : vector<256x144xf32> to vector<256xf32>
    %broadcast_in_dim3A_1463 = vector.shape_cast %reduce_min3A_1462 : vector<256xf32> to vector<256x1xf32>
    %eq3A_1464 = vector.broadcast %broadcast_in_dim3A_1463 : vector<256x1xf32> to vector<256x144xf32>
    %eq3A_1465 = arith.cmpf oeq, %select_n3A_1454, %eq3A_1464 : vector<256x144xf32>
    %jit3A_1466 = arith.constant 3.000000e+08 : f32
    %broadcast_in_dim3A_1467 = vector.broadcast %jit3A_1466 : f32 to vector<256x144xf32>
    %select_n3A_1468 = arith.select %eq3A_1465, %select_n3A_1455, %broadcast_in_dim3A_1467 : vector<256x144xi1>, vector<256x144xf32>
    %reduce_min3A_1469 = arith.constant dense<0x7F800000> : vector<256xf32>
    %reduce_min3A_1470 = vector.multi_reduction <minimumf>, %select_n3A_1468, %reduce_min3A_1469 [1] : vector<256x144xf32> to vector<256xf32>
    %broadcast_in_dim3A_1471 = vector.shape_cast %reduce_min3A_1470 : vector<256xf32> to vector<256x1xf32>
    %swap3A_1472 = arith.index_cast %mul3A_0 : i32 to index
    %swap3A_1473 = arith.constant 11 : index
    %swap3A_1474 = vector.load %arg8[%swap3A_1472, %swap3A_1473] : memref<2048x16xf32, #tpu.memory_space<vmem>>, vector<256x1xf32>
    tpu.vector_store %arg8[%swap3A_1472, %swap3A_1473], %broadcast_in_dim3A_1463 {strides = array<i32>} : memref<2048x16xf32, #tpu.memory_space<vmem>>, vector<256x1xf32>,
    %swap3A_1475 = arith.index_cast %mul3A_0 : i32 to index
    %swap3A_1476 = arith.constant 11 : index
    %swap3A_1477 = vector.load %arg9[%swap3A_1475, %swap3A_1476] : memref<2048x16xf32, #tpu.memory_space<vmem>>, vector<256x1xf32>
    tpu.vector_store %arg9[%swap3A_1475, %swap3A_1476], %broadcast_in_dim3A_1471 {strides = array<i32>} : memref<2048x16xf32, #tpu.memory_space<vmem>>, vector<256x1xf32>,
    %eq3A_1478 = vector.broadcast %broadcast_in_dim3A_1471 : vector<256x1xf32> to vector<256x144xf32>
    %eq3A_1479 = arith.cmpf oeq, %select_n3A_1455, %eq3A_1478 : vector<256x144xf32>
    %select_n3A_1480 = arith.select %eq3A_1479, %select_n3A_1456, %select_n3A_1454 : vector<256x144xi1>, vector<256x144xf32>
    %select_n3A_1481 = arith.select %eq3A_1479, %select_n3A_1457, %select_n3A_1455 : vector<256x144xi1>, vector<256x144xf32>
    %select_n3A_1482 = arith.select %eq3A_1479, %select_n3A_1460, %select_n3A_1456 : vector<256x144xi1>, vector<256x144xf32>
    %select_n3A_1483 = arith.select %eq3A_1479, %concatenate3A_1177, %select_n3A_1457 : vector<256x144xi1>, vector<256x144xf32>
    %jit3A_1484 = arith.constant 1.000000e+30 : f32
    %broadcast_in_dim3A_1485 = vector.broadcast %jit3A_1484 : f32 to vector<256x144xf32>
    %select_n3A_1486 = arith.select %eq3A_1479, %broadcast_in_dim3A_1485, %select_n3A_1460 : vector<256x144xi1>, vector<256x144xf32>
    %reduce_min3A_1487 = arith.constant dense<0x7F800000> : vector<256xf32>
    %reduce_min3A_1488 = vector.multi_reduction <minimumf>, %select_n3A_1480, %reduce_min3A_1487 [1] : vector<256x144xf32> to vector<256xf32>
    %broadcast_in_dim3A_1489 = vector.shape_cast %reduce_min3A_1488 : vector<256xf32> to vector<256x1xf32>
    %eq3A_1490 = vector.broadcast %broadcast_in_dim3A_1489 : vector<256x1xf32> to vector<256x144xf32>
    %eq3A_1491 = arith.cmpf oeq, %select_n3A_1480, %eq3A_1490 : vector<256x144xf32>
    %jit3A_1492 = arith.constant 3.000000e+08 : f32
    %broadcast_in_dim3A_1493 = vector.broadcast %jit3A_1492 : f32 to vector<256x144xf32>
    %select_n3A_1494 = arith.select %eq3A_1491, %select_n3A_1481, %broadcast_in_dim3A_1493 : vector<256x144xi1>, vector<256x144xf32>
    %reduce_min3A_1495 = arith.constant dense<0x7F800000> : vector<256xf32>
    %reduce_min3A_1496 = vector.multi_reduction <minimumf>, %select_n3A_1494, %reduce_min3A_1495 [1] : vector<256x144xf32> to vector<256xf32>
    %broadcast_in_dim3A_1497 = vector.shape_cast %reduce_min3A_1496 : vector<256xf32> to vector<256x1xf32>
    %swap3A_1498 = arith.index_cast %mul3A_0 : i32 to index
    %swap3A_1499 = arith.constant 12 : index
    %swap3A_1500 = vector.load %arg8[%swap3A_1498, %swap3A_1499] : memref<2048x16xf32, #tpu.memory_space<vmem>>, vector<256x1xf32>
    tpu.vector_store %arg8[%swap3A_1498, %swap3A_1499], %broadcast_in_dim3A_1489 {strides = array<i32>} : memref<2048x16xf32, #tpu.memory_space<vmem>>, vector<256x1xf32>,
    %swap3A_1501 = arith.index_cast %mul3A_0 : i32 to index
    %swap3A_1502 = arith.constant 12 : index
    %swap3A_1503 = vector.load %arg9[%swap3A_1501, %swap3A_1502] : memref<2048x16xf32, #tpu.memory_space<vmem>>, vector<256x1xf32>
    tpu.vector_store %arg9[%swap3A_1501, %swap3A_1502], %broadcast_in_dim3A_1497 {strides = array<i32>} : memref<2048x16xf32, #tpu.memory_space<vmem>>, vector<256x1xf32>,
    %eq3A_1504 = vector.broadcast %broadcast_in_dim3A_1497 : vector<256x1xf32> to vector<256x144xf32>
    %eq3A_1505 = arith.cmpf oeq, %select_n3A_1481, %eq3A_1504 : vector<256x144xf32>
    %select_n3A_1506 = arith.select %eq3A_1505, %select_n3A_1482, %select_n3A_1480 : vector<256x144xi1>, vector<256x144xf32>
    %select_n3A_1507 = arith.select %eq3A_1505, %select_n3A_1483, %select_n3A_1481 : vector<256x144xi1>, vector<256x144xf32>
    %select_n3A_1508 = arith.select %eq3A_1505, %select_n3A_1486, %select_n3A_1482 : vector<256x144xi1>, vector<256x144xf32>
    %select_n3A_1509 = arith.select %eq3A_1505, %concatenate3A_1177, %select_n3A_1483 : vector<256x144xi1>, vector<256x144xf32>
    %jit3A_1510 = arith.constant 1.000000e+30 : f32
    %broadcast_in_dim3A_1511 = vector.broadcast %jit3A_1510 : f32 to vector<256x144xf32>
    %select_n3A_1512 = arith.select %eq3A_1505, %broadcast_in_dim3A_1511, %select_n3A_1486 : vector<256x144xi1>, vector<256x144xf32>
    %reduce_min3A_1513 = arith.constant dense<0x7F800000> : vector<256xf32>
    %reduce_min3A_1514 = vector.multi_reduction <minimumf>, %select_n3A_1506, %reduce_min3A_1513 [1] : vector<256x144xf32> to vector<256xf32>
    %broadcast_in_dim3A_1515 = vector.shape_cast %reduce_min3A_1514 : vector<256xf32> to vector<256x1xf32>
    %eq3A_1516 = vector.broadcast %broadcast_in_dim3A_1515 : vector<256x1xf32> to vector<256x144xf32>
    %eq3A_1517 = arith.cmpf oeq, %select_n3A_1506, %eq3A_1516 : vector<256x144xf32>
    %jit3A_1518 = arith.constant 3.000000e+08 : f32
    %broadcast_in_dim3A_1519 = vector.broadcast %jit3A_1518 : f32 to vector<256x144xf32>
    %select_n3A_1520 = arith.select %eq3A_1517, %select_n3A_1507, %broadcast_in_dim3A_1519 : vector<256x144xi1>, vector<256x144xf32>
    %reduce_min3A_1521 = arith.constant dense<0x7F800000> : vector<256xf32>
    %reduce_min3A_1522 = vector.multi_reduction <minimumf>, %select_n3A_1520, %reduce_min3A_1521 [1] : vector<256x144xf32> to vector<256xf32>
    %broadcast_in_dim3A_1523 = vector.shape_cast %reduce_min3A_1522 : vector<256xf32> to vector<256x1xf32>
    %swap3A_1524 = arith.index_cast %mul3A_0 : i32 to index
    %swap3A_1525 = arith.constant 13 : index
    %swap3A_1526 = vector.load %arg8[%swap3A_1524, %swap3A_1525] : memref<2048x16xf32, #tpu.memory_space<vmem>>, vector<256x1xf32>
    tpu.vector_store %arg8[%swap3A_1524, %swap3A_1525], %broadcast_in_dim3A_1515 {strides = array<i32>} : memref<2048x16xf32, #tpu.memory_space<vmem>>, vector<256x1xf32>,
    %swap3A_1527 = arith.index_cast %mul3A_0 : i32 to index
    %swap3A_1528 = arith.constant 13 : index
    %swap3A_1529 = vector.load %arg9[%swap3A_1527, %swap3A_1528] : memref<2048x16xf32, #tpu.memory_space<vmem>>, vector<256x1xf32>
    tpu.vector_store %arg9[%swap3A_1527, %swap3A_1528], %broadcast_in_dim3A_1523 {strides = array<i32>} : memref<2048x16xf32, #tpu.memory_space<vmem>>, vector<256x1xf32>,
    %eq3A_1530 = vector.broadcast %broadcast_in_dim3A_1523 : vector<256x1xf32> to vector<256x144xf32>
    %eq3A_1531 = arith.cmpf oeq, %select_n3A_1507, %eq3A_1530 : vector<256x144xf32>
    %select_n3A_1532 = arith.select %eq3A_1531, %select_n3A_1508, %select_n3A_1506 : vector<256x144xi1>, vector<256x144xf32>
    %select_n3A_1533 = arith.select %eq3A_1531, %select_n3A_1509, %select_n3A_1507 : vector<256x144xi1>, vector<256x144xf32>
    %select_n3A_1534 = arith.select %eq3A_1531, %select_n3A_1512, %select_n3A_1508 : vector<256x144xi1>, vector<256x144xf32>
    %select_n3A_1535 = arith.select %eq3A_1531, %concatenate3A_1177, %select_n3A_1509 : vector<256x144xi1>, vector<256x144xf32>
    %reduce_min3A_1536 = arith.constant dense<0x7F800000> : vector<256xf32>
    %reduce_min3A_1537 = vector.multi_reduction <minimumf>, %select_n3A_1532, %reduce_min3A_1536 [1] : vector<256x144xf32> to vector<256xf32>
    %broadcast_in_dim3A_1538 = vector.shape_cast %reduce_min3A_1537 : vector<256xf32> to vector<256x1xf32>
    %eq3A_1539 = vector.broadcast %broadcast_in_dim3A_1538 : vector<256x1xf32> to vector<256x144xf32>
    %eq3A_1540 = arith.cmpf oeq, %select_n3A_1532, %eq3A_1539 : vector<256x144xf32>
    %jit3A_1541 = arith.constant 3.000000e+08 : f32
    %broadcast_in_dim3A_1542 = vector.broadcast %jit3A_1541 : f32 to vector<256x144xf32>
    %select_n3A_1543 = arith.select %eq3A_1540, %select_n3A_1533, %broadcast_in_dim3A_1542 : vector<256x144xi1>, vector<256x144xf32>
    %reduce_min3A_1544 = arith.constant dense<0x7F800000> : vector<256xf32>
    %reduce_min3A_1545 = vector.multi_reduction <minimumf>, %select_n3A_1543, %reduce_min3A_1544 [1] : vector<256x144xf32> to vector<256xf32>
    %broadcast_in_dim3A_1546 = vector.shape_cast %reduce_min3A_1545 : vector<256xf32> to vector<256x1xf32>
    %swap3A_1547 = arith.index_cast %mul3A_0 : i32 to index
    %swap3A_1548 = arith.constant 14 : index
    %swap3A_1549 = vector.load %arg8[%swap3A_1547, %swap3A_1548] : memref<2048x16xf32, #tpu.memory_space<vmem>>, vector<256x1xf32>
    tpu.vector_store %arg8[%swap3A_1547, %swap3A_1548], %broadcast_in_dim3A_1538 {strides = array<i32>} : memref<2048x16xf32, #tpu.memory_space<vmem>>, vector<256x1xf32>,
    %swap3A_1550 = arith.index_cast %mul3A_0 : i32 to index
    %swap3A_1551 = arith.constant 14 : index
    %swap3A_1552 = vector.load %arg9[%swap3A_1550, %swap3A_1551] : memref<2048x16xf32, #tpu.memory_space<vmem>>, vector<256x1xf32>
    tpu.vector_store %arg9[%swap3A_1550, %swap3A_1551], %broadcast_in_dim3A_1546 {strides = array<i32>} : memref<2048x16xf32, #tpu.memory_space<vmem>>, vector<256x1xf32>,
    %eq3A_1553 = vector.broadcast %broadcast_in_dim3A_1546 : vector<256x1xf32> to vector<256x144xf32>
    %eq3A_1554 = arith.cmpf oeq, %select_n3A_1533, %eq3A_1553 : vector<256x144xf32>
    %select_n3A_1555 = arith.select %eq3A_1554, %select_n3A_1534, %select_n3A_1532 : vector<256x144xi1>, vector<256x144xf32>
    %select_n3A_1556 = arith.select %eq3A_1554, %select_n3A_1535, %select_n3A_1533 : vector<256x144xi1>, vector<256x144xf32>
    %reduce_min3A_1557 = arith.constant dense<0x7F800000> : vector<256xf32>
    %reduce_min3A_1558 = vector.multi_reduction <minimumf>, %select_n3A_1555, %reduce_min3A_1557 [1] : vector<256x144xf32> to vector<256xf32>
    %broadcast_in_dim3A_1559 = vector.shape_cast %reduce_min3A_1558 : vector<256xf32> to vector<256x1xf32>
    %eq3A_1560 = vector.broadcast %broadcast_in_dim3A_1559 : vector<256x1xf32> to vector<256x144xf32>
    %eq3A_1561 = arith.cmpf oeq, %select_n3A_1555, %eq3A_1560 : vector<256x144xf32>
    %jit3A_1562 = arith.constant 3.000000e+08 : f32
    %broadcast_in_dim3A_1563 = vector.broadcast %jit3A_1562 : f32 to vector<256x144xf32>
    %select_n3A_1564 = arith.select %eq3A_1561, %select_n3A_1556, %broadcast_in_dim3A_1563 : vector<256x144xi1>, vector<256x144xf32>
    %reduce_min3A_1565 = arith.constant dense<0x7F800000> : vector<256xf32>
    %reduce_min3A_1566 = vector.multi_reduction <minimumf>, %select_n3A_1564, %reduce_min3A_1565 [1] : vector<256x144xf32> to vector<256xf32>
    %broadcast_in_dim3A_1567 = vector.shape_cast %reduce_min3A_1566 : vector<256xf32> to vector<256x1xf32>
    %swap3A_1568 = arith.index_cast %mul3A_0 : i32 to index
    %swap3A_1569 = arith.constant 15 : index
    %swap3A_1570 = vector.load %arg8[%swap3A_1568, %swap3A_1569] : memref<2048x16xf32, #tpu.memory_space<vmem>>, vector<256x1xf32>
    tpu.vector_store %arg8[%swap3A_1568, %swap3A_1569], %broadcast_in_dim3A_1559 {strides = array<i32>} : memref<2048x16xf32, #tpu.memory_space<vmem>>, vector<256x1xf32>,
    %swap3A_1571 = arith.index_cast %mul3A_0 : i32 to index
    %swap3A_1572 = arith.constant 15 : index
    %swap3A_1573 = vector.load %arg9[%swap3A_1571, %swap3A_1572] : memref<2048x16xf32, #tpu.memory_space<vmem>>, vector<256x1xf32>
    tpu.vector_store %arg9[%swap3A_1571, %swap3A_1572], %broadcast_in_dim3A_1567 {strides = array<i32>} : memref<2048x16xf32, #tpu.memory_space<vmem>>, vector<256x1xf32>,
    %eq3A_1574 = arith.constant 12 : i32
    %eq3A_1575 = arith.cmpi eq, %arg0, %eq3A_1574 : i32
    %convert_element_type3A_1576 = arith.extui %eq3A_1575 : i1 to i32
    %cond3A_1577 = arith.constant 0 : i32
    %cond3A_1578 = arith.cmpi ne, %convert_element_type3A_1576, %cond3A_1577 : i32
    scf.if %cond3A_1578 {
      %get3A_1579 = arith.index_cast %mul3A_0 : i32 to index
      %get3A_1580 = arith.constant 0 : index
      %get3A_1581 = vector.load %arg9[%get3A_1579, %get3A_1580] : memref<2048x16xf32, #tpu.memory_space<vmem>>, vector<256x16xf32>
      %convert_element_type3A_1582 = arith.fptosi %get3A_1581 : vector<256x16xf32> to vector<256x16xi32>
      %swap3A_1583 = arith.constant 0 : index
      %swap3A_1584 = arith.constant 0 : index
      %swap3A_1585 = vector.load %arg6[%swap3A_1583, %swap3A_1584] : memref<256x16xi32, #tpu.memory_space<vmem>>, vector<256x16xi32>
      tpu.vector_store %arg6[%swap3A_1583, %swap3A_1584], %convert_element_type3A_1582 {strides = array<i32>} : memref<256x16xi32, #tpu.memory_space<vmem>>, vector<256x16xi32>,
    } else {
    }
    return
  }
  func.func @transform_0(%arg0: i32, %arg1: i32) -> (i32, i32) {
    %c0_i32 = arith.constant 0 : i32
    %c0_i32_0 = arith.constant 0 : i32
    return %arg1, %c0_i32 : i32, i32
  }
  func.func @transform_1(%arg0: i32, %arg1: i32) -> (i32, i32) {
    %c0_i32 = arith.constant 0 : i32
    %c0_i32_0 = arith.constant 0 : i32
    return %arg0, %c0_i32 : i32, i32
  }
  func.func @transform_2(%arg0: i32, %arg1: i32) -> (i32, i32) {
    %c0_i32 = arith.constant 0 : i32
    %c0_i32_0 = arith.constant 0 : i32
    return %c0_i32, %arg0 : i32, i32
  }
  func.func @transform_3(%arg0: i32, %arg1: i32) -> (i32, i32) {
    %c0_i32 = arith.constant 0 : i32
    %c0_i32_0 = arith.constant 0 : i32
    return %arg0, %c0_i32 : i32, i32
  }
  func.func @transform_4(%arg0: i32, %arg1: i32) -> (i32, i32) {
    %c0_i32 = arith.constant 0 : i32
    %c0_i32_0 = arith.constant 0 : i32
    return %arg1, %c0_i32 : i32, i32
  }
  func.func @transform_5(%arg0: i32, %arg1: i32) -> (i32, i32) {
    %c0_i32 = arith.constant 0 : i32
    %c0_i32_0 = arith.constant 0 : i32
    return %arg0, %c0_i32 : i32, i32
  }
}

module attributes {stable_mosaic.version = 14 : i64} {
  func.func @_mlp_block(%arg0: i32, %arg1: memref<512x128xf32, #tpu.memory_space<vmem>>, %arg2: memref<512x3xf32, #tpu.memory_space<vmem>>, %arg3: memref<128x128xf32, #tpu.memory_space<vmem>>, %arg4: memref<3x128xf32, #tpu.memory_space<vmem>>, %arg5: memref<1x128xf32, #tpu.memory_space<vmem>>, %arg6: memref<128x128xf32, #tpu.memory_space<vmem>>, %arg7: memref<1x128xf32, #tpu.memory_space<vmem>>, %arg8: memref<128x128xf32, #tpu.memory_space<vmem>>, %arg9: memref<1x128xf32, #tpu.memory_space<vmem>>, %arg10: memref<512x128xf32, #tpu.memory_space<vmem>>) attributes {dimension_semantics = [#tpu.dimension_semantics<arbitrary>], iteration_bounds = array<i64: 4>, scalar_prefetch = 0 : i64, scratch_operands = 0 : i64, tpu.core_type = #tpu.core_type<tc>, window_params = [{transform_indices = @transform_0, window_bounds = array<i64: 512, 128>}, {transform_indices = @transform_1, window_bounds = array<i64: 512, 3>}, {pipeline_mode = #tpu.pipeline_mode<synchronous>, transform_indices = @transform_2, window_bounds = array<i64: 128, 128>}, {pipeline_mode = #tpu.pipeline_mode<synchronous>, transform_indices = @transform_3, window_bounds = array<i64: 3, 128>}, {pipeline_mode = #tpu.pipeline_mode<synchronous>, transform_indices = @transform_4, window_bounds = array<i64: 1, 128>}, {pipeline_mode = #tpu.pipeline_mode<synchronous>, transform_indices = @transform_5, window_bounds = array<i64: 128, 128>}, {pipeline_mode = #tpu.pipeline_mode<synchronous>, transform_indices = @transform_6, window_bounds = array<i64: 1, 128>}, {pipeline_mode = #tpu.pipeline_mode<synchronous>, transform_indices = @transform_7, window_bounds = array<i64: 128, 128>}, {pipeline_mode = #tpu.pipeline_mode<synchronous>, transform_indices = @transform_8, window_bounds = array<i64: 1, 128>}, {transform_indices = @transform_9, window_bounds = array<i64: 512, 128>}]} {
    %get3A = arith.constant 0 : index
    %get3A_0 = arith.constant 0 : index
    %get3A_1 = vector.load %arg1[%get3A, %get3A_0] : memref<512x128xf32, #tpu.memory_space<vmem>>, vector<512x128xf32>
    %get3A_2 = arith.constant 0 : index
    %get3A_3 = arith.constant 0 : index
    %get3A_4 = vector.load %arg3[%get3A_2, %get3A_3] : memref<128x128xf32, #tpu.memory_space<vmem>>, vector<128x128xf32>
    %dot_general3A = arith.constant dense<0.000000e+00> : vector<512x128xf32>
    %dot_general3A_5 = tpu.matmul %get3A_1, %get3A_4, %dot_general3A {dimension_numbers = #tpu.dot_dimension_numbers<[1], [0], [0], [1], [0, 0, 1, 1], [], []>, transpose_lhs_hint = false} : vector<512x128xf32>, vector<128x128xf32>, vector<512x128xf32> -> vector<512x128xf32>
    %get3A_6 = arith.constant 0 : index
    %get3A_7 = arith.constant 0 : index
    %get3A_8 = vector.load %arg2[%get3A_6, %get3A_7] : memref<512x3xf32, #tpu.memory_space<vmem>>, vector<512x3xf32>
    %get3A_9 = arith.constant 0 : index
    %get3A_10 = arith.constant 0 : index
    %get3A_11 = vector.load %arg4[%get3A_9, %get3A_10] : memref<3x128xf32, #tpu.memory_space<vmem>>, vector<3x128xf32>
    %dot_general3A_12 = arith.constant dense<0.000000e+00> : vector<512x128xf32>
    %dot_general3A_13 = tpu.matmul %get3A_8, %get3A_11, %dot_general3A_12 {dimension_numbers = #tpu.dot_dimension_numbers<[1], [0], [0], [1], [0, 0, 1, 1], [], []>, transpose_lhs_hint = false} : vector<512x3xf32>, vector<3x128xf32>, vector<512x128xf32> -> vector<512x128xf32>
    %add3A = arith.addf %dot_general3A_5, %dot_general3A_13 : vector<512x128xf32>
    %get3A_14 = arith.constant 0 : index
    %get3A_15 = arith.constant 0 : index
    %get3A_16 = vector.load %arg5[%get3A_14, %get3A_15] : memref<1x128xf32, #tpu.memory_space<vmem>>, vector<1x128xf32>
    %add3A_17 = vector.broadcast %get3A_16 : vector<1x128xf32> to vector<512x128xf32>
    %add3A_18 = arith.addf %add3A, %add3A_17 : vector<512x128xf32>
    %max3A = arith.constant 0.000000e+00 : f32
    %max3A_19 = vector.broadcast %max3A : f32 to vector<512x128xf32>
    %max3A_20 = arith.maximumf %add3A_18, %max3A_19 : vector<512x128xf32>
    %get3A_21 = arith.constant 0 : index
    %get3A_22 = arith.constant 0 : index
    %get3A_23 = vector.load %arg6[%get3A_21, %get3A_22] : memref<128x128xf32, #tpu.memory_space<vmem>>, vector<128x128xf32>
    %dot_general3A_24 = arith.constant dense<0.000000e+00> : vector<512x128xf32>
    %dot_general3A_25 = tpu.matmul %max3A_20, %get3A_23, %dot_general3A_24 {dimension_numbers = #tpu.dot_dimension_numbers<[1], [0], [0], [1], [0, 0, 1, 1], [], []>, transpose_lhs_hint = false} : vector<512x128xf32>, vector<128x128xf32>, vector<512x128xf32> -> vector<512x128xf32>
    %get3A_26 = arith.constant 0 : index
    %get3A_27 = arith.constant 0 : index
    %get3A_28 = vector.load %arg7[%get3A_26, %get3A_27] : memref<1x128xf32, #tpu.memory_space<vmem>>, vector<1x128xf32>
    %add3A_29 = vector.broadcast %get3A_28 : vector<1x128xf32> to vector<512x128xf32>
    %add3A_30 = arith.addf %dot_general3A_25, %add3A_29 : vector<512x128xf32>
    %max3A_31 = arith.constant 0.000000e+00 : f32
    %max3A_32 = vector.broadcast %max3A_31 : f32 to vector<512x128xf32>
    %max3A_33 = arith.maximumf %add3A_30, %max3A_32 : vector<512x128xf32>
    %get3A_34 = arith.constant 0 : index
    %get3A_35 = arith.constant 0 : index
    %get3A_36 = vector.load %arg8[%get3A_34, %get3A_35] : memref<128x128xf32, #tpu.memory_space<vmem>>, vector<128x128xf32>
    %dot_general3A_37 = arith.constant dense<0.000000e+00> : vector<512x128xf32>
    %dot_general3A_38 = tpu.matmul %max3A_33, %get3A_36, %dot_general3A_37 {dimension_numbers = #tpu.dot_dimension_numbers<[1], [0], [0], [1], [0, 0, 1, 1], [], []>, transpose_lhs_hint = false} : vector<512x128xf32>, vector<128x128xf32>, vector<512x128xf32> -> vector<512x128xf32>
    %get3A_39 = arith.constant 0 : index
    %get3A_40 = arith.constant 0 : index
    %get3A_41 = vector.load %arg9[%get3A_39, %get3A_40] : memref<1x128xf32, #tpu.memory_space<vmem>>, vector<1x128xf32>
    %add3A_42 = vector.broadcast %get3A_41 : vector<1x128xf32> to vector<512x128xf32>
    %add3A_43 = arith.addf %dot_general3A_38, %add3A_42 : vector<512x128xf32>
    %swap3A = arith.constant 0 : index
    %swap3A_44 = arith.constant 0 : index
    %swap3A_45 = vector.load %arg10[%swap3A, %swap3A_44] : memref<512x128xf32, #tpu.memory_space<vmem>>, vector<512x128xf32>
    tpu.vector_store %arg10[%swap3A, %swap3A_44], %add3A_43 {strides = array<i32>} : memref<512x128xf32, #tpu.memory_space<vmem>>, vector<512x128xf32>,
    return
  }
  func.func @transform_0(%arg0: i32) -> (i32, i32) {
    %c0_i32 = arith.constant 0 : i32
    %c0_i32_0 = arith.constant 0 : i32
    return %arg0, %c0_i32 : i32, i32
  }
  func.func @transform_1(%arg0: i32) -> (i32, i32) {
    %c0_i32 = arith.constant 0 : i32
    %c0_i32_0 = arith.constant 0 : i32
    return %arg0, %c0_i32 : i32, i32
  }
  func.func @transform_2(%arg0: i32) -> (i32, i32) {
    %c0_i32 = arith.constant 0 : i32
    %c0_i32_0 = arith.constant 0 : i32
    %c0_i32_1 = arith.constant 0 : i32
    return %c0_i32, %c0_i32_0 : i32, i32
  }
  func.func @transform_3(%arg0: i32) -> (i32, i32) {
    %c0_i32 = arith.constant 0 : i32
    %c0_i32_0 = arith.constant 0 : i32
    %c0_i32_1 = arith.constant 0 : i32
    return %c0_i32, %c0_i32_0 : i32, i32
  }
  func.func @transform_4(%arg0: i32) -> (i32, i32) {
    %c0_i32 = arith.constant 0 : i32
    %c0_i32_0 = arith.constant 0 : i32
    %c0_i32_1 = arith.constant 0 : i32
    return %c0_i32, %c0_i32_0 : i32, i32
  }
  func.func @transform_5(%arg0: i32) -> (i32, i32) {
    %c0_i32 = arith.constant 0 : i32
    %c0_i32_0 = arith.constant 0 : i32
    %c0_i32_1 = arith.constant 0 : i32
    return %c0_i32, %c0_i32_0 : i32, i32
  }
  func.func @transform_6(%arg0: i32) -> (i32, i32) {
    %c0_i32 = arith.constant 0 : i32
    %c0_i32_0 = arith.constant 0 : i32
    %c0_i32_1 = arith.constant 0 : i32
    return %c0_i32, %c0_i32_0 : i32, i32
  }
  func.func @transform_7(%arg0: i32) -> (i32, i32) {
    %c0_i32 = arith.constant 0 : i32
    %c0_i32_0 = arith.constant 0 : i32
    %c0_i32_1 = arith.constant 0 : i32
    return %c0_i32, %c0_i32_0 : i32, i32
  }
  func.func @transform_8(%arg0: i32) -> (i32, i32) {
    %c0_i32 = arith.constant 0 : i32
    %c0_i32_0 = arith.constant 0 : i32
    %c0_i32_1 = arith.constant 0 : i32
    return %c0_i32, %c0_i32_0 : i32, i32
  }
  func.func @transform_9(%arg0: i32) -> (i32, i32) {
    %c0_i32 = arith.constant 0 : i32
    %c0_i32_0 = arith.constant 0 : i32
    return %arg0, %c0_i32 : i32, i32
  }
}

</mosaic_0001>

<sc_bundles>
// kernel: kernel.5.cloned.1.call-start
scs
__scs_entry_jumppad:
0x0: {  	(pc) =	sbr.rel $0x88, $3  }
0x1: {  	(tag) =	ssettag $0x0;
	lr =	simm.s32 $0x1  }
0x2: {  	[smem:$0x3F98] =	sst lr;
	_ =	strace $0xD0000000  }
0x3: {  	_ = 	snop  }
0x4: {  	_ = 	snop  }
0x5: {  	_ = 	snop  }
0x6: {  	_ = 	snop  }
0x7: {  	_ = 	snop  }
__scs_overlays_trampoline_lowered:
0x8: {  	[smem:$0x3FA7] =	sst s0  }
0x9: {  	[smem:$0x3FA8] =	sst s1  }
0xa: {  	[smem:$0x3FA9] =	sst s2  }
0xb: {  	[smem:$0x3FAA] =	sst s3  }
0xc: {  	[smem:$0x3FAB] =	sst s4  }
0xd: {  	[smem:$0x3FAC] =	sst s5  }
0xe: {  	[smem:$0x3FAD] =	sst s6  }
0xf: {  	[smem:$0x3FAE] =	sst s7  }
0x10: {  	[smem:$0x3FAF] =	sst s8  }
0x11: {  	[smem:$0x3FB0] =	sst s9;
	s0 =	simm.s32 @!p0 $0x0  }
0x12: {  	s1 =	sld [smem:$0x3F96];
	s0 =	simm.s32 @p0 $0x1  }
0x13: {  	[smem:$0x3FB1] =	sst s0;
	s0 =	simm.s32 @!p1 $0x0  }
0x14: {  	s2 =	sld [smem:$0x3F95];
	s0 =	simm.s32 @p1 $0x1  }
0x15: {  	[smem:$0x3FB2] =	sst s0;
	s0 =	simm.s32 @!p2 $0x0  }
0x16: {  	s3 =	sld [smem:$0x3FDB];
	s0 =	simm.s32 @p2 $0x1  }
0x17: {  	s4 =	simm.s32 $0x1BF5;
	[smem:$0x3FB4] =	sst s0  }
0x18: {  	s0 =	sld [smem:$0x3F97];
	_ =	swait.ge [sflag:s4], $0x0  }
0x19: {  	s7 =	sld [smem:$0x3F98]  }
0x1a: {  	s8 =	sadd.s32 $0xFFFFE003, lr  }
0x1b: {  	s9 =	sadd.s32 $0xFFFFFEF7, lr;
	s5 =	simm.s32 $0xFFFFFFFF;
	p2 =	slt.u32 s8, $0xFFFFF086  }
0x1c: {  	p1 =	slt.u32 s9, $0xF7A;
	s5 =	simm.s32 @!p2 $0x0  }
0x1d: {  	s5 =	simm.s32 @p1 $0x1;
	p0 =	seq.s32 s7, s2  }
0x1e: {  	s7 =	smul.u32 @!p0 $0xF7A, s2;
	p2 =	seq.s32 @!p0 s5, $0x0  }
0x1f: {  	s9 =	smul.u32 $0xF7A, s1;
	s8 =	simm.s32 @!p0 $0x1BF5;
	p2 =	por !p2, p0  }
0x20: {  	[sflag:s8] =	ssyncset.s32 @!p0 $0xFFFFF086;
	s6 =	sadd.s32 @!p0 s3, s7;
	s7 =	simm.s32 @!p0 $0x108  }
0x21: {  	s3 =	sadd.s32 s3, s9;
	s6 =	sadd.s32 @!p0 $0x88, s6;
	s7 =	simm.s32 @p2 $0x1082  }
0x22: {  	[simem:s7], [sflag:s8] =	dma.local @!p0 [hbm:s6], $0xF7A  }
0x23: {  	s9 =	sor.u32 $0xD0000000, s2;
	s6 =	simm.s32 $0x108;
	_ =	swait.ge @!p0 [sflag:s8], $0x0  }
0x24: {  	s3 =	sadd.s32 $0x88, s3;
	s6 =	simm.s32 @!p1 $0x1082;
	[sflag:s4] =	ssyncset.s32 $0xFFFFF086  }
0x25: {  	[simem:s6], [sflag:s4] =	dma.local [hbm:s3], $0xF7A  }
0x26: {  	[smem:$0x3F98] =	sst s1;
	(tag) =	ssettag s2;
	_ =	strace s9  }
0x27: {  	s1 =	sld [smem:$0x3FA8]  }
0x28: {  	s2 =	sld [smem:$0x3FA9]  }
0x29: {  	s4 =	sld [smem:$0x3FAB]  }
0x2a: {  	p0 =	seq.s32 s5, $0x0;
	s5 =	sld [smem:$0x3FAC]  }
0x2b: {  	s6 =	sld [smem:$0x3FAD]  }
0x2c: {  	s7 =	sld [smem:$0x3FAE]  }
0x2d: {  	s3 =	simm.s32 $0x108;
	s8 =	sld [smem:$0x3FAF]  }
0x2e: {  	s3 =	simm.s32 @!p0 $0x1082;
	s9 =	sld [smem:$0x3FB0]  }
0x2f: {  	lr =	sadd.s32 s0, s3;
	s0 =	sld [smem:$0x3FA7]  }
0x30: {  	s3 =	sld [smem:$0x3FAA]  }
0x31: {  	[smem:$0x3FB3] =	sst s10  }
0x32: {  	s10 =	sld [smem:$0x3FB1];
	_ =	sdelay $0x3  }
0x33: {  	p0 =	seq.s32 s10, $0x1;
	s10 =	sld [smem:$0x3FB3];
	_ =	sdelay $0x3  }
0x34: {  	[smem:$0x3FB3] =	sst s10  }
0x35: {  	s10 =	sld [smem:$0x3FB2];
	_ =	sdelay $0x3  }
0x36: {  	p1 =	seq.s32 s10, $0x1;
	s10 =	sld [smem:$0x3FB3];
	_ =	sdelay $0x3  }
0x37: {  	[smem:$0x3FB3] =	sst s10  }
0x38: {  	s10 =	sld [smem:$0x3FB4]  }
0x39: {  	_ = 	snop;
	(pc) =	sbr.ind lr, $3  }
0x3a: {  	_ = 	snop  }
0x3b: {  	_ = 	snop  }
0x3c: {  	p2 =	seq.s32 s10, $0x1;
	s10 =	sld [smem:$0x3FB3]  }
0x3d: {  	_ =	shalt  }
0x3e: {  	_ =	shalt  }
0x3f: {  	_ =	shalt  }
0x40: {  	_ =	shalt  }
0x41: {  	_ =	shalt  }
0x42: {  	_ =	shalt  }
0x43: {  	_ =	shalt  }
0x44: {  	_ =	shalt  }
0x45: {  	_ =	shalt  }
0x46: {  	_ =	shalt  }
0x47: {  	_ =	shalt  }
0x48: {  	_ =	shalt  }
0x49: {  	_ =	shalt  }
0x4a: {  	_ =	shalt  }
0x4b: {  	_ =	shalt  }
0x4c: {  	_ =	shalt  }
0x4d: {  	_ =	shalt  }
0x4e: {  	_ =	shalt  }
0x4f: {  	_ =	shalt  }
0x50: {  	_ =	shalt  }
0x51: {  	_ =	shalt  }
0x52: {  	_ =	shalt  }
0x53: {  	_ =	shalt  }
0x54: {  	_ =	shalt  }
0x55: {  	_ =	shalt  }
0x56: {  	_ =	shalt  }
0x57: {  	_ =	shalt  }
0x58: {  	_ =	shalt  }
0x59: {  	_ =	shalt  }
0x5a: {  	_ =	shalt  }
0x5b: {  	_ =	shalt  }
0x5c: {  	_ =	shalt  }
0x5d: {  	_ =	shalt  }
0x5e: {  	_ =	shalt  }
0x5f: {  	_ =	shalt  }
0x60: {  	_ =	shalt  }
0x61: {  	_ =	shalt  }
0x62: {  	_ =	shalt  }
0x63: {  	_ =	shalt  }
0x64: {  	_ =	shalt  }
0x65: {  	_ =	shalt  }
0x66: {  	_ =	shalt  }
0x67: {  	_ =	shalt  }
0x68: {  	_ =	shalt  }
0x69: {  	_ =	shalt  }
0x6a: {  	_ =	shalt  }
0x6b: {  	_ =	shalt  }
0x6c: {  	_ =	shalt  }
0x6d: {  	_ =	shalt  }
0x6e: {  	_ =	shalt  }
0x6f: {  	_ =	shalt  }
0x70: {  	_ =	shalt  }
0x71: {  	_ =	shalt  }
0x72: {  	_ =	shalt  }
0x73: {  	_ =	shalt  }
0x74: {  	_ =	shalt  }
0x75: {  	_ =	shalt  }
0x76: {  	_ =	shalt  }
0x77: {  	_ =	shalt  }
0x78: {  	_ =	shalt  }
0x79: {  	_ =	shalt  }
0x7a: {  	_ =	shalt  }
0x7b: {  	_ =	shalt  }
0x7c: {  	_ =	shalt  }
0x7d: {  	_ =	shalt  }
0x7e: {  	_ =	shalt  }
0x7f: {  	_ =	shalt  }
0x80: {  	_ =	shalt  }
0x81: {  	_ =	shalt  }
0x82: {  	_ =	shalt  }
0x83: {  	_ =	shalt  }
0x84: {  	_ =	shalt  }
0x85: {  	_ =	shalt  }
0x86: {  	_ =	shalt  }
0x87: {  	_ =	shalt  }
.Lfunc_end0:
.L_simem_size_0:
called_computation_lowered:
.L_overlay_start_0:
0x88: {  	s2 =	sld [smem:$0x3FD9]  }
0x89: {  	s3 =	sld [smem:$0x3FFE];
	_ =	sdelay $0x1  }
0x8a: {  	s1 =	srdreg.scid  }
0x8b: {  	s0 =	sand.u32 $0x1, s1  }
0x8c: {  	s17 =	sshll.u32 s0, $0xA;
	s2 =	sadd.s32 s3, s2  }
0x8d: {  	s2 =	sadd.s32 s2, s17  }
0x8e: {  	[smem:$0x3FBF] =	sst s2  }
0x8f: {  	_ = 	snop  }
0x90: {  	s2 =	sld [smem:$0x3FD0];
	(tm) =	ssettm $0x1  }
0x91: {  	s18 =	sld [smem:$0x3FFB];
	_ =	sdelay $0x3  }
0x92: {  	_ =	strace s18  }
0x93: {  	s3 =	sld [smem:$0x3FFC];
	_ =	sdelay $0x3  }
0x94: {  	_ =	strace s3  }
0x95: {  	s3 =	sld [smem:$0x3FFD];
	_ =	sdelay $0x3  }
0x96: {  	_ =	strace s3  }
0x97: {  	_ =	strace $0x8FFFFFFF  }
0x98: {  	s19 =	sld [smem:$0x3FDB];
	_ =	sdelay $0x1  }
0x99: {  	s4 =	simm.s32 $_scs_section_size  }
0x9a: {  	s5 =	simm.s32 $_size__tile_overlayer_lowered;
	s6 =	simm.s32 $_tile_overlayer_lowered  }
0x9b: {  	s22 =	simm.s32 $0x1BFF;
	s21 =	sshll.u32 s6, $0x1;
	s3 =	sadd.s32 s4, s19  }
0x9c: {  	s7 =	simm.s32 $0x0;
	s20 =	sshll.u32 s5, $0x1;
	s5 =	sadd.s32 s21, s3  }
0x9d: {  	[timem:s7], [sflag:s22] =	dma.local [hbm:s5], s20  }
0x9e: {  	_ =	swait.ge [sflag:s22], s20  }
0x9f: {  	s4 =	ssub.s32 $0x0, s20;
	[sflag:s22] =	ssyncset.done $0x0  }
0xa0: {  	[sflag:s22] =	ssyncadd.s32 s4;
	_ =	sdelay $0x1  }
0xa1: {  	s23 =	simm.s32 $0x1B8B  }
0xa2: {  	_ =	swait.ge [sflag:s23], $0x1  }
0xa3: {  	[sflag:s23] =	ssyncset.done $0x0  }
0xa4: {  	s25 =	simm.s32 $0x1B8E;
	s24 =	sld [smem:$0x3FFE];
	[sflag:s23] =	ssyncadd.s32 $0xFFFFFFFF  }
0xa5: {  	s26 =	simm.s32 $execute0_lowered;
	[smem:$0x3FD2] =	sst s25  }
0xa6: {  	s5 =	sshll.u32 s26, $0x1;
	_ =	strace $0x80000046;
	[dreg:$0x1] =	wrdreg $0xFFFFFFFF  }
0xa7: {  	s28 =	simm.s32 $_size_execute0_lowered;
	s3 =	sadd.s32 s3, s5;
	[dreg:$0x0] =	wrdreg $0x0  }
0xa8: {  	s5 =	sshll.u32 s28, $0x1;
	[dreg:$0x2] =	wrdreg s3  }
0xa9: {  	[dreg:$0x3] =	wrdreg s5  }
0xaa: {  	[dreg:$0x4] =	wrdreg $0xC0  }
0xab: {  	_ =	task [dreg:s7], $0x5FFFF  }
0xac: {  	[dreg:$0x1] =	wrdreg $0xFFFFFFFF  }
0xad: {  	[dreg:$0x0] =	wrdreg $0x60  }
0xae: {  	[dreg:$0x2] =	wrdreg s24  }
0xaf: {  	[dreg:$0x3] =	wrdreg s2  }
0xb0: {  	[dreg:$0x4] =	wrdreg $0x9  }
0xb1: {  	_ =	task.clear_ibuf [dreg:s7], $0x5FFFF;
	_ =	strace $0x90000046  }
0xb2: {  	s29 =	simm.s32 $0x9;
	_ =	strace $0x80000048  }
0xb3: {  	_ =	swait.ge [sflag:s29], $0x1  }
0xb4: {  	[sflag:s29] =	ssyncadd.s32 $0xFFFFFFFF  }
0xb5: {  	_ =	strace $0x90000048  }
0xb6: {  	_ =	sfence  }
0xb7: {  	s30 =	sld [smem:$0x0];
	_ =	sdelay $0x2  }
0xb8: {  	s31 =	sshll.u32 s1, $0xD;
	s1 =	sshrl.u32 s1, $0x2  }
0xb9: {  	s3 =	sand.u32 $0x4000, s31;
	s1 =	sadd.s32 s1, s30  }
0xba: {  	s0 =	sor.u32 s3, s0;
	s1 =	sshll.u32 s1, $0x11  }
0xbb: {  	s0 =	sor.u32 s1, s0  }
0xbc: {  	s0 =	sadd.s32 $0x8F2B, s0  }
0xbd: {  	[sflag:s0] =	ssyncadd.remote.s32 $0x1  }
0xbe: {  	_ =	sfence.sel $0xFFFF  }
0xbf: {  	[dreg:$0x0] =	wrdreg $0xFFFFFFFF;
	(pc) =	sbr.abs _section_cstart, $3  }
0xc0: {  	[dreg:$0x1] =	wrdreg $0xFFFFFFFF  }
0xc1: {  	_ =	task.clear_ibuf [dreg:s7], $0x2FFFF;
	_ =	strace $0x9FFFFFFF  }
0xc2: {  	(tm) =	ssettm $0x7FFFFFFF  }
0xc3: {  	_ =	shalt  }
tec
execute0_lowered:
.L_overlay_start_1:
0x0: {  	(tag) =	ssettag $0x1  }
0x1: {  	s3 =	rddreg [dreg:$0x0]  }
0x2: {  	s1 =	srdreg.scid;
	s0 =	stileid.u32  }
0x3: {  	s5 =	rddreg [dreg:$0x1];
	s2 =	simm.s32 $0x0;
	s9 =	simm.s32 $0x400  }
0x4: {  	s10 =	simm.s32 $0x1;
	s11 =	simm.s32 $0x10400;
	s12 =	simm.s32 $0x0  }
0x5: {  	s4 =	sand.u32 $0x1, s1;
	s6 =	sshll.u32 s0, $0x1;
	s1 =	rddreg [dreg:$0x2]  }
0x6: {  	[smem:$0x7FF] =	sst s2;
	s6 =	sor.u32 s4, s6;
	s4 =	ssub.s32 $0x2, s4  }
0x7: {  	_ =	strace $0x80000047;
	s7 =	sshll.u32 s6, $0x7;
	s8 =	sshrl.u32 s4, $0x1  }
0x8: {  	s6 =	sshll.u32 s6, $0xA;
	s7 =	sadd.s32 s7, s3;
	s3 =	sadd.s32 $0x4B0600, s3  }
0x9: {  	s8 =	ssub.s32 s4, s8;
	s5 =	sadd.s32 s5, s6;
	s4 =	sadd.s32 $0x3200, s7  }
0xa: {  	s6 =	smax.u32 s8, $0x1;
	s7 =	simm.s32 $0x2;
	s8 =	simm.s32 $0x200  }
.LBB2_1:
0xb: {  	[tilespmem:s2], [sflag:$0x2] =	stream.linear.gather [hbm4b:s4+s2], $0x400, $0x38;
	[tilespmem:$0x12400] =	vst v63  }
0xc: {  	_ =	swait.ge [sflag:s7], $0x400  }
0xd: {  	[sflag:s7] =	ssyncset.done $0x0  }
0xe: {  	[sflag:s7] =	ssyncadd.s32 $0xFFFFFC00  }
0xf: {  	[tilespmem:s9], [sflag:$0x1] =	stream.indirect.gather [hbm4b:s3+s8], $0x80, s2, s8, $0xb8;
	[tilespmem:$0x12400] =	vst v63  }
0x10: {  	_ =	swait.ge [sflag:s10], $0x10000  }
0x11: {  	[sflag:s10] =	ssyncset.done $0x0  }
0x12: {  	s13 =	simm.s32 $0x800;
	[sflag:s10] =	ssyncadd.s32 $0xFFFF0000  }
0x13: {  	v0 =	vld [tilespmem:s13+$0xFFFFFC80]  }
0x14: {  	v1 =	vld [tilespmem:s13+$0xFFFFFC00];
	_ =	sdelay $0x1  }
0x15: {  	v2 =	vld [tilespmem:s13+$0xFFFFFD00];
	_ =	sdelay $0x1  }
0x16: {  	v3 =	vld [tilespmem:s13+$0xFFFFFD80]  }
0x17: {  	v0 =	vadd.f32 v0, v1  }
0x18: {  	v1 =	vld [tilespmem:s13+$0xFFFFFE00]  }
0x19: {  	v0 =	vadd.f32 v2, v0  }
0x1a: {  	v2 =	vld [tilespmem:s13+$0xFFFFFE80]  }
0x1b: {  	v0 =	vadd.f32 v3, v0  }
0x1c: {  	v3 =	vld [tilespmem:s13+$0xFFFFFF00]  }
0x1d: {  	v0 =	vadd.f32 v1, v0  }
0x1e: {  	v1 =	vld [tilespmem:s13+$0xFFFFFF80]  }
0x1f: {  	v0 =	vadd.f32 v2, v0  }
0x20: {  	v2 =	vld [tilespmem:s13+$0x0]  }
0x21: {  	v0 =	vadd.f32 v3, v0  }
0x22: {  	v3 =	vld [tilespmem:s13+$0x80]  }
0x23: {  	v0 =	vadd.f32 v1, v0  }
0x24: {  	v1 =	vld [tilespmem:s13+$0x100]  }
0x25: {  	v0 =	vadd.f32 v2, v0  }
0x26: {  	v2 =	vld [tilespmem:s13+$0x180]  }
0x27: {  	v0 =	vadd.f32 v3, v0  }
0x28: {  	v3 =	vld [tilespmem:s13+$0x200]  }
0x29: {  	v0 =	vadd.f32 v1, v0  }
0x2a: {  	v1 =	vld [tilespmem:s13+$0x280]  }
0x2b: {  	v0 =	vadd.f32 v2, v0  }
0x2c: {  	v2 =	vld [tilespmem:s13+$0x300]  }
0x2d: {  	v0 =	vadd.f32 v3, v0  }
0x2e: {  	v3 =	vld [tilespmem:s13+$0x380]  }
0x2f: {  	v0 =	vadd.f32 v1, v0;
	_ =	sdelay $0x1  }
0x30: {  	v0 =	vadd.f32 v2, v0;
	_ =	sdelay $0x1  }
0x31: {  	v0 =	vadd.f32 v3, v0;
	_ =	sdelay $0x1  }
0x32: {  	v0 =	vmul.f32 $6.250000000e-02, v0  }
0x33: {  	s14 =	simm.s32 $0x0  }
0x34: {  	[tilespmem:s14+$0x10400] =	vst v0  }
0x35: {  	v0 =	vld [tilespmem:s13+$0xFFFFFC10]  }
0x36: {  	v1 =	vld [tilespmem:s13+$0xFFFFFC90];
	_ =	sdelay $0x1  }
0x37: {  	v2 =	vld [tilespmem:s13+$0xFFFFFD10];
	_ =	sdelay $0x1  }
0x38: {  	v3 =	vld [tilespmem:s13+$0xFFFFFD90]  }
0x39: {  	v0 =	vadd.f32 v1, v0  }
0x3a: {  	v1 =	vld [tilespmem:s13+$0xFFFFFE10]  }
0x3b: {  	v0 =	vadd.f32 v2, v0  }
0x3c: {  	v2 =	vld [tilespmem:s13+$0xFFFFFE90]  }
0x3d: {  	v0 =	vadd.f32 v3, v0  }
0x3e: {  	v3 =	vld [tilespmem:s13+$0xFFFFFF10]  }
0x3f: {  	v0 =	vadd.f32 v1, v0  }
0x40: {  	v1 =	vld [tilespmem:s13+$0xFFFFFF90]  }
0x41: {  	v0 =	vadd.f32 v2, v0  }
0x42: {  	v2 =	vld [tilespmem:s13+$0x10]  }
0x43: {  	v0 =	vadd.f32 v3, v0  }
0x44: {  	v3 =	vld [tilespmem:s13+$0x90]  }
0x45: {  	v0 =	vadd.f32 v1, v0  }
0x46: {  	v1 =	vld [tilespmem:s13+$0x110]  }
0x47: {  	v0 =	vadd.f32 v2, v0  }
0x48: {  	v2 =	vld [tilespmem:s13+$0x190]  }
0x49: {  	v0 =	vadd.f32 v3, v0  }
0x4a: {  	v3 =	vld [tilespmem:s13+$0x210]  }
0x4b: {  	v0 =	vadd.f32 v1, v0  }
0x4c: {  	v1 =	vld [tilespmem:s13+$0x290]  }
0x4d: {  	v0 =	vadd.f32 v2, v0  }
0x4e: {  	v2 =	vld [tilespmem:s13+$0x310]  }
0x4f: {  	v0 =	vadd.f32 v3, v0  }
0x50: {  	v3 =	vld [tilespmem:s13+$0x390]  }
0x51: {  	v0 =	vadd.f32 v1, v0;
	_ =	sdelay $0x1  }
0x52: {  	v0 =	vadd.f32 v2, v0;
	_ =	sdelay $0x1  }
0x53: {  	v0 =	vadd.f32 v3, v0;
	_ =	sdelay $0x1  }
0x54: {  	v0 =	vmul.f32 $6.250000000e-02, v0;
	_ =	sdelay $0x1  }
0x55: {  	[tilespmem:s14+$0x10410] =	vst v0  }
0x56: {  	v0 =	vld [tilespmem:s13+$0xFFFFFC20]  }
0x57: {  	v1 =	vld [tilespmem:s13+$0xFFFFFCA0];
	_ =	sdelay $0x1  }
0x58: {  	v2 =	vld [tilespmem:s13+$0xFFFFFD20];
	_ =	sdelay $0x1  }
0x59: {  	v3 =	vld [tilespmem:s13+$0xFFFFFDA0]  }
0x5a: {  	v0 =	vadd.f32 v1, v0  }
0x5b: {  	v1 =	vld [tilespmem:s13+$0xFFFFFE20]  }
0x5c: {  	v0 =	vadd.f32 v2, v0  }
0x5d: {  	v2 =	vld [tilespmem:s13+$0xFFFFFEA0]  }
0x5e: {  	v0 =	vadd.f32 v3, v0  }
0x5f: {  	v3 =	vld [tilespmem:s13+$0xFFFFFF20]  }
0x60: {  	v0 =	vadd.f32 v1, v0  }
0x61: {  	v1 =	vld [tilespmem:s13+$0xFFFFFFA0]  }
0x62: {  	v0 =	vadd.f32 v2, v0  }
0x63: {  	v2 =	vld [tilespmem:s13+$0x20]  }
0x64: {  	v0 =	vadd.f32 v3, v0  }
0x65: {  	v3 =	vld [tilespmem:s13+$0xA0]  }
0x66: {  	v0 =	vadd.f32 v1, v0  }
0x67: {  	v1 =	vld [tilespmem:s13+$0x120]  }
0x68: {  	v0 =	vadd.f32 v2, v0  }
0x69: {  	v2 =	vld [tilespmem:s13+$0x1A0]  }
0x6a: {  	v0 =	vadd.f32 v3, v0  }
0x6b: {  	v3 =	vld [tilespmem:s13+$0x220]  }
0x6c: {  	v0 =	vadd.f32 v1, v0  }
0x6d: {  	v1 =	vld [tilespmem:s13+$0x2A0]  }
0x6e: {  	v0 =	vadd.f32 v2, v0  }
0x6f: {  	v2 =	vld [tilespmem:s13+$0x320]  }
0x70: {  	v0 =	vadd.f32 v3, v0  }
0x71: {  	v3 =	vld [tilespmem:s13+$0x3A0]  }
0x72: {  	v0 =	vadd.f32 v1, v0;
	_ =	sdelay $0x1  }
0x73: {  	v0 =	vadd.f32 v2, v0;
	_ =	sdelay $0x1  }
0x74: {  	v0 =	vadd.f32 v3, v0;
	_ =	sdelay $0x1  }
0x75: {  	v0 =	vmul.f32 $6.250000000e-02, v0;
	_ =	sdelay $0x1  }
0x76: {  	[tilespmem:s14+$0x10420] =	vst v0  }
0x77: {  	v0 =	vld [tilespmem:s13+$0xFFFFFC30]  }
0x78: {  	v1 =	vld [tilespmem:s13+$0xFFFFFCB0];
	_ =	sdelay $0x1  }
0x79: {  	v2 =	vld [tilespmem:s13+$0xFFFFFD30];
	_ =	sdelay $0x1  }
0x7a: {  	v3 =	vld [tilespmem:s13+$0xFFFFFDB0]  }
0x7b: {  	v0 =	vadd.f32 v1, v0  }
0x7c: {  	v1 =	vld [tilespmem:s13+$0xFFFFFE30]  }
0x7d: {  	v0 =	vadd.f32 v2, v0  }
0x7e: {  	v2 =	vld [tilespmem:s13+$0xFFFFFEB0]  }
0x7f: {  	v0 =	vadd.f32 v3, v0  }
0x80: {  	v3 =	vld [tilespmem:s13+$0xFFFFFF30]  }
0x81: {  	v0 =	vadd.f32 v1, v0  }
0x82: {  	v1 =	vld [tilespmem:s13+$0xFFFFFFB0]  }
0x83: {  	v0 =	vadd.f32 v2, v0  }
0x84: {  	v2 =	vld [tilespmem:s13+$0x30]  }
0x85: {  	v0 =	vadd.f32 v3, v0  }
0x86: {  	v3 =	vld [tilespmem:s13+$0xB0]  }
0x87: {  	v0 =	vadd.f32 v1, v0  }
0x88: {  	v1 =	vld [tilespmem:s13+$0x130]  }
0x89: {  	v0 =	vadd.f32 v2, v0  }
0x8a: {  	v2 =	vld [tilespmem:s13+$0x1B0]  }
0x8b: {  	v0 =	vadd.f32 v3, v0  }
0x8c: {  	v3 =	vld [tilespmem:s13+$0x230]  }
0x8d: {  	v0 =	vadd.f32 v1, v0  }
0x8e: {  	v1 =	vld [tilespmem:s13+$0x2B0]  }
0x8f: {  	v0 =	vadd.f32 v2, v0  }
0x90: {  	v2 =	vld [tilespmem:s13+$0x330]  }
0x91: {  	v0 =	vadd.f32 v3, v0  }
0x92: {  	v3 =	vld [tilespmem:s13+$0x3B0]  }
0x93: {  	v0 =	vadd.f32 v1, v0;
	_ =	sdelay $0x1  }
0x94: {  	v0 =	vadd.f32 v2, v0;
	_ =	sdelay $0x1  }
0x95: {  	v0 =	vadd.f32 v3, v0;
	_ =	sdelay $0x1  }
0x96: {  	v0 =	vmul.f32 $6.250000000e-02, v0;
	_ =	sdelay $0x1  }
0x97: {  	[tilespmem:s14+$0x10430] =	vst v0  }
0x98: {  	v0 =	vld [tilespmem:s13+$0xFFFFFC40]  }
0x99: {  	v1 =	vld [tilespmem:s13+$0xFFFFFCC0];
	_ =	sdelay $0x1  }
0x9a: {  	v2 =	vld [tilespmem:s13+$0xFFFFFD40];
	_ =	sdelay $0x1  }
0x9b: {  	v3 =	vld [tilespmem:s13+$0xFFFFFDC0]  }
0x9c: {  	v0 =	vadd.f32 v1, v0  }
0x9d: {  	v1 =	vld [tilespmem:s13+$0xFFFFFE40]  }
0x9e: {  	v0 =	vadd.f32 v2, v0  }
0x9f: {  	v2 =	vld [tilespmem:s13+$0xFFFFFEC0]  }
0xa0: {  	v0 =	vadd.f32 v3, v0  }
0xa1: {  	v3 =	vld [tilespmem:s13+$0xFFFFFF40]  }
0xa2: {  	v0 =	vadd.f32 v1, v0  }
0xa3: {  	v1 =	vld [tilespmem:s13+$0xFFFFFFC0]  }
0xa4: {  	v0 =	vadd.f32 v2, v0  }
0xa5: {  	v2 =	vld [tilespmem:s13+$0x40]  }
0xa6: {  	v0 =	vadd.f32 v3, v0  }
0xa7: {  	v3 =	vld [tilespmem:s13+$0xC0]  }
0xa8: {  	v0 =	vadd.f32 v1, v0  }
0xa9: {  	v1 =	vld [tilespmem:s13+$0x140]  }
0xaa: {  	v0 =	vadd.f32 v2, v0  }
0xab: {  	v2 =	vld [tilespmem:s13+$0x1C0]  }
0xac: {  	v0 =	vadd.f32 v3, v0  }
0xad: {  	v3 =	vld [tilespmem:s13+$0x240]  }
0xae: {  	v0 =	vadd.f32 v1, v0  }
0xaf: {  	v1 =	vld [tilespmem:s13+$0x2C0]  }
0xb0: {  	v0 =	vadd.f32 v2, v0  }
0xb1: {  	v2 =	vld [tilespmem:s13+$0x340]  }
0xb2: {  	v0 =	vadd.f32 v3, v0  }
0xb3: {  	v3 =	vld [tilespmem:s13+$0x3C0]  }
0xb4: {  	v0 =	vadd.f32 v1, v0;
	_ =	sdelay $0x1  }
0xb5: {  	v0 =	vadd.f32 v2, v0;
	_ =	sdelay $0x1  }
0xb6: {  	v0 =	vadd.f32 v3, v0;
	_ =	sdelay $0x1  }
0xb7: {  	v0 =	vmul.f32 $6.250000000e-02, v0;
	_ =	sdelay $0x1  }
0xb8: {  	[tilespmem:s14+$0x10440] =	vst v0  }
0xb9: {  	v0 =	vld [tilespmem:s13+$0xFFFFFC50]  }
0xba: {  	v1 =	vld [tilespmem:s13+$0xFFFFFCD0];
	_ =	sdelay $0x1  }
0xbb: {  	v2 =	vld [tilespmem:s13+$0xFFFFFD50];
	_ =	sdelay $0x1  }
0xbc: {  	v3 =	vld [tilespmem:s13+$0xFFFFFDD0]  }
0xbd: {  	v0 =	vadd.f32 v1, v0  }
0xbe: {  	v1 =	vld [tilespmem:s13+$0xFFFFFE50]  }
0xbf: {  	v0 =	vadd.f32 v2, v0  }
0xc0: {  	v2 =	vld [tilespmem:s13+$0xFFFFFED0]  }
0xc1: {  	v0 =	vadd.f32 v3, v0  }
0xc2: {  	v3 =	vld [tilespmem:s13+$0xFFFFFF50]  }
0xc3: {  	v0 =	vadd.f32 v1, v0  }
0xc4: {  	v1 =	vld [tilespmem:s13+$0xFFFFFFD0]  }
0xc5: {  	v0 =	vadd.f32 v2, v0  }
0xc6: {  	v2 =	vld [tilespmem:s13+$0x50]  }
0xc7: {  	v0 =	vadd.f32 v3, v0  }
0xc8: {  	v3 =	vld [tilespmem:s13+$0xD0]  }
0xc9: {  	v0 =	vadd.f32 v1, v0  }
0xca: {  	v1 =	vld [tilespmem:s13+$0x150]  }
0xcb: {  	v0 =	vadd.f32 v2, v0  }
0xcc: {  	v2 =	vld [tilespmem:s13+$0x1D0]  }
0xcd: {  	v0 =	vadd.f32 v3, v0  }
0xce: {  	v3 =	vld [tilespmem:s13+$0x250]  }
0xcf: {  	v0 =	vadd.f32 v1, v0  }
0xd0: {  	v1 =	vld [tilespmem:s13+$0x2D0]  }
0xd1: {  	v0 =	vadd.f32 v2, v0  }
0xd2: {  	v2 =	vld [tilespmem:s13+$0x350]  }
0xd3: {  	v0 =	vadd.f32 v3, v0  }
0xd4: {  	v3 =	vld [tilespmem:s13+$0x3D0]  }
0xd5: {  	v0 =	vadd.f32 v1, v0;
	_ =	sdelay $0x1  }
0xd6: {  	v0 =	vadd.f32 v2, v0;
	_ =	sdelay $0x1  }
0xd7: {  	v0 =	vadd.f32 v3, v0;
	_ =	sdelay $0x1  }
0xd8: {  	v0 =	vmul.f32 $6.250000000e-02, v0;
	_ =	sdelay $0x1  }
0xd9: {  	[tilespmem:s14+$0x10450] =	vst v0  }
0xda: {  	v0 =	vld [tilespmem:s13+$0xFFFFFC60]  }
0xdb: {  	v1 =	vld [tilespmem:s13+$0xFFFFFCE0];
	_ =	sdelay $0x1  }
0xdc: {  	v2 =	vld [tilespmem:s13+$0xFFFFFD60];
	_ =	sdelay $0x1  }
0xdd: {  	v3 =	vld [tilespmem:s13+$0xFFFFFDE0]  }
0xde: {  	v0 =	vadd.f32 v1, v0  }
0xdf: {  	v1 =	vld [tilespmem:s13+$0xFFFFFE60]  }
0xe0: {  	v0 =	vadd.f32 v2, v0  }
0xe1: {  	v2 =	vld [tilespmem:s13+$0xFFFFFEE0]  }
0xe2: {  	v0 =	vadd.f32 v3, v0  }
0xe3: {  	v3 =	vld [tilespmem:s13+$0xFFFFFF60]  }
0xe4: {  	v0 =	vadd.f32 v1, v0  }
0xe5: {  	v1 =	vld [tilespmem:s13+$0xFFFFFFE0]  }
0xe6: {  	v0 =	vadd.f32 v2, v0  }
0xe7: {  	v2 =	vld [tilespmem:s13+$0x60]  }
0xe8: {  	v0 =	vadd.f32 v3, v0  }
0xe9: {  	v3 =	vld [tilespmem:s13+$0xE0]  }
0xea: {  	v0 =	vadd.f32 v1, v0  }
0xeb: {  	v1 =	vld [tilespmem:s13+$0x160]  }
0xec: {  	v0 =	vadd.f32 v2, v0  }
0xed: {  	v2 =	vld [tilespmem:s13+$0x1E0]  }
0xee: {  	v0 =	vadd.f32 v3, v0  }
0xef: {  	v3 =	vld [tilespmem:s13+$0x260]  }
0xf0: {  	v0 =	vadd.f32 v1, v0  }
0xf1: {  	v1 =	vld [tilespmem:s13+$0x2E0]  }
0xf2: {  	v0 =	vadd.f32 v2, v0  }
0xf3: {  	v2 =	vld [tilespmem:s13+$0x360]  }
0xf4: {  	v0 =	vadd.f32 v3, v0  }
0xf5: {  	v3 =	vld [tilespmem:s13+$0x3E0]  }
0xf6: {  	v0 =	vadd.f32 v1, v0;
	_ =	sdelay $0x1  }
0xf7: {  	v0 =	vadd.f32 v2, v0;
	_ =	sdelay $0x1  }
0xf8: {  	v0 =	vadd.f32 v3, v0;
	_ =	sdelay $0x1  }
0xf9: {  	v0 =	vmul.f32 $6.250000000e-02, v0;
	_ =	sdelay $0x1  }
0xfa: {  	[tilespmem:s14+$0x10460] =	vst v0  }
0xfb: {  	v0 =	vld [tilespmem:s13+$0xFFFFFC70]  }
0xfc: {  	v1 =	vld [tilespmem:s13+$0xFFFFFCF0];
	_ =	sdelay $0x1  }
0xfd: {  	v2 =	vld [tilespmem:s13+$0xFFFFFD70];
	_ =	sdelay $0x1  }
0xfe: {  	v3 =	vld [tilespmem:s13+$0xFFFFFDF0]  }
0xff: {  	v0 =	vadd.f32 v1, v0  }
0x100: {  	v1 =	vld [tilespmem:s13+$0xFFFFFE70]  }
0x101: {  	v0 =	vadd.f32 v2, v0  }
0x102: {  	v2 =	vld [tilespmem:s13+$0xFFFFFEF0]  }
0x103: {  	v0 =	vadd.f32 v3, v0  }
0x104: {  	v3 =	vld [tilespmem:s13+$0xFFFFFF70]  }
0x105: {  	v0 =	vadd.f32 v1, v0  }
0x106: {  	v1 =	vld [tilespmem:s13+$0xFFFFFFF0]  }
0x107: {  	v0 =	vadd.f32 v2, v0  }
0x108: {  	v2 =	vld [tilespmem:s13+$0x70]  }
0x109: {  	v0 =	vadd.f32 v3, v0  }
0x10a: {  	v3 =	vld [tilespmem:s13+$0xF0]  }
0x10b: {  	v0 =	vadd.f32 v1, v0  }
0x10c: {  	v1 =	vld [tilespmem:s13+$0x170]  }
0x10d: {  	v0 =	vadd.f32 v2, v0  }
0x10e: {  	v4 =	vld [tilespmem:s13+$0x1F0]  }
0x10f: {  	v0 =	vadd.f32 v3, v0  }
0x110: {  	v3 =	vld [tilespmem:s13+$0x270]  }
0x111: {  	v0 =	vadd.f32 v1, v0  }
0x112: {  	v2 =	vld [tilespmem:s13+$0x2F0]  }
0x113: {  	v4 =	vadd.f32 v4, v0  }
0x114: {  	v0 =	vld [tilespmem:s13+$0x370]  }
0x115: {  	s15 =	simm.s32 $0x200;
	v1 =	vld [tilespmem:s13+$0x3F0];
	v3 =	vadd.f32 v3, v4  }
.LBB2_2:
0x116: {  	p0 =	sne.s32 s15, $0x3E00  }
0x117: {  	s13 =	sadd.s32 $0x800, s13;
	s16 =	smov.u32 s15;
	s15 =	sadd.s32 $0x200, s15;
	v2 =	vadd.f32 v2, v3  }
0x118: {  	_ = 	snop  }
0x119: {  	v0 =	vadd.f32 v0, v2;
	_ =	sdelay $0x1  }
0x11a: {  	v0 =	vadd.f32 v1, v0;
	_ =	sdelay $0x1  }
0x11b: {  	v0 =	vmul.f32 $6.250000000e-02, v0;
	_ =	sdelay $0x1  }
0x11c: {  	[tilespmem:s14+$0x10470] =	vst v0  }
0x11d: {  	v0 =	vld [tilespmem:s13+$0xFFFFFC80]  }
0x11e: {  	v1 =	vld [tilespmem:s13+$0xFFFFFC00]  }
0x11f: {  	v2 =	vld [tilespmem:s13+$0xFFFFFD00];
	_ =	sdelay $0x2  }
0x120: {  	v3 =	vld [tilespmem:s13+$0xFFFFFD80]  }
0x121: {  	v0 =	vadd.f32 v0, v1  }
0x122: {  	v1 =	vld [tilespmem:s13+$0xFFFFFE00]  }
0x123: {  	v0 =	vadd.f32 v2, v0  }
0x124: {  	v2 =	vld [tilespmem:s13+$0xFFFFFE80]  }
0x125: {  	v0 =	vadd.f32 v3, v0  }
0x126: {  	v3 =	vld [tilespmem:s13+$0xFFFFFF00]  }
0x127: {  	v0 =	vadd.f32 v1, v0  }
0x128: {  	v1 =	vld [tilespmem:s13+$0xFFFFFF80]  }
0x129: {  	v0 =	vadd.f32 v2, v0  }
0x12a: {  	v2 =	vld [tilespmem:s13+$0x0]  }
0x12b: {  	v0 =	vadd.f32 v3, v0  }
0x12c: {  	v3 =	vld [tilespmem:s13+$0x80]  }
0x12d: {  	v0 =	vadd.f32 v1, v0  }
0x12e: {  	v1 =	vld [tilespmem:s13+$0x100]  }
0x12f: {  	v0 =	vadd.f32 v2, v0  }
0x130: {  	v2 =	vld [tilespmem:s13+$0x180]  }
0x131: {  	v0 =	vadd.f32 v3, v0  }
0x132: {  	v3 =	vld [tilespmem:s13+$0x200]  }
0x133: {  	v0 =	vadd.f32 v1, v0  }
0x134: {  	v1 =	vld [tilespmem:s13+$0x280]  }
0x135: {  	v0 =	vadd.f32 v2, v0  }
0x136: {  	v2 =	vld [tilespmem:s13+$0x300]  }
0x137: {  	v0 =	vadd.f32 v3, v0  }
0x138: {  	v3 =	vld [tilespmem:s13+$0x380]  }
0x139: {  	v0 =	vadd.f32 v1, v0;
	_ =	sdelay $0x1  }
0x13a: {  	v0 =	vadd.f32 v2, v0;
	_ =	sdelay $0x1  }
0x13b: {  	v0 =	vadd.f32 v3, v0;
	_ =	sdelay $0x1  }
0x13c: {  	v0 =	vmul.f32 $6.250000000e-02, v0  }
0x13d: {  	s14 =	sshra.s32 s16, $0x2  }
0x13e: {  	[tilespmem:s14+$0x10400] =	vst v0  }
0x13f: {  	v0 =	vld [tilespmem:s13+$0xFFFFFC10]  }
0x140: {  	v1 =	vld [tilespmem:s13+$0xFFFFFC90];
	_ =	sdelay $0x1  }
0x141: {  	v2 =	vld [tilespmem:s13+$0xFFFFFD10];
	_ =	sdelay $0x1  }
0x142: {  	v3 =	vld [tilespmem:s13+$0xFFFFFD90]  }
0x143: {  	v0 =	vadd.f32 v1, v0  }
0x144: {  	v1 =	vld [tilespmem:s13+$0xFFFFFE10]  }
0x145: {  	v0 =	vadd.f32 v2, v0  }
0x146: {  	v2 =	vld [tilespmem:s13+$0xFFFFFE90]  }
0x147: {  	v0 =	vadd.f32 v3, v0  }
0x148: {  	v3 =	vld [tilespmem:s13+$0xFFFFFF10]  }
0x149: {  	v0 =	vadd.f32 v1, v0  }
0x14a: {  	v1 =	vld [tilespmem:s13+$0xFFFFFF90]  }
0x14b: {  	v0 =	vadd.f32 v2, v0  }
0x14c: {  	v2 =	vld [tilespmem:s13+$0x10]  }
0x14d: {  	v0 =	vadd.f32 v3, v0  }
0x14e: {  	v3 =	vld [tilespmem:s13+$0x90]  }
0x14f: {  	v0 =	vadd.f32 v1, v0  }
0x150: {  	v1 =	vld [tilespmem:s13+$0x110]  }
0x151: {  	v0 =	vadd.f32 v2, v0  }
0x152: {  	v2 =	vld [tilespmem:s13+$0x190]  }
0x153: {  	v0 =	vadd.f32 v3, v0  }
0x154: {  	v3 =	vld [tilespmem:s13+$0x210]  }
0x155: {  	v0 =	vadd.f32 v1, v0  }
0x156: {  	v1 =	vld [tilespmem:s13+$0x290]  }
0x157: {  	v0 =	vadd.f32 v2, v0  }
0x158: {  	v2 =	vld [tilespmem:s13+$0x310]  }
0x159: {  	v0 =	vadd.f32 v3, v0  }
0x15a: {  	v3 =	vld [tilespmem:s13+$0x390]  }
0x15b: {  	v0 =	vadd.f32 v1, v0;
	_ =	sdelay $0x1  }
0x15c: {  	v0 =	vadd.f32 v2, v0;
	_ =	sdelay $0x1  }
0x15d: {  	v0 =	vadd.f32 v3, v0;
	_ =	sdelay $0x1  }
0x15e: {  	v0 =	vmul.f32 $6.250000000e-02, v0;
	_ =	sdelay $0x1  }
0x15f: {  	[tilespmem:s14+$0x10410] =	vst v0  }
0x160: {  	v0 =	vld [tilespmem:s13+$0xFFFFFC20]  }
0x161: {  	v1 =	vld [tilespmem:s13+$0xFFFFFCA0];
	_ =	sdelay $0x1  }
0x162: {  	v2 =	vld [tilespmem:s13+$0xFFFFFD20];
	_ =	sdelay $0x1  }
0x163: {  	v3 =	vld [tilespmem:s13+$0xFFFFFDA0]  }
0x164: {  	v0 =	vadd.f32 v1, v0  }
0x165: {  	v1 =	vld [tilespmem:s13+$0xFFFFFE20]  }
0x166: {  	v0 =	vadd.f32 v2, v0  }
0x167: {  	v2 =	vld [tilespmem:s13+$0xFFFFFEA0]  }
0x168: {  	v0 =	vadd.f32 v3, v0  }
0x169: {  	v3 =	vld [tilespmem:s13+$0xFFFFFF20]  }
0x16a: {  	v0 =	vadd.f32 v1, v0  }
0x16b: {  	v1 =	vld [tilespmem:s13+$0xFFFFFFA0]  }
0x16c: {  	v0 =	vadd.f32 v2, v0  }
0x16d: {  	v2 =	vld [tilespmem:s13+$0x20]  }
0x16e: {  	v0 =	vadd.f32 v3, v0  }
0x16f: {  	v3 =	vld [tilespmem:s13+$0xA0]  }
0x170: {  	v0 =	vadd.f32 v1, v0  }
0x171: {  	v1 =	vld [tilespmem:s13+$0x120]  }
0x172: {  	v0 =	vadd.f32 v2, v0  }
0x173: {  	v2 =	vld [tilespmem:s13+$0x1A0]  }
0x174: {  	v0 =	vadd.f32 v3, v0  }
0x175: {  	v3 =	vld [tilespmem:s13+$0x220]  }
0x176: {  	v0 =	vadd.f32 v1, v0  }
0x177: {  	v1 =	vld [tilespmem:s13+$0x2A0]  }
0x178: {  	v0 =	vadd.f32 v2, v0  }
0x179: {  	v2 =	vld [tilespmem:s13+$0x320]  }
0x17a: {  	v0 =	vadd.f32 v3, v0  }
0x17b: {  	v3 =	vld [tilespmem:s13+$0x3A0]  }
0x17c: {  	v0 =	vadd.f32 v1, v0;
	_ =	sdelay $0x1  }
0x17d: {  	v0 =	vadd.f32 v2, v0;
	_ =	sdelay $0x1  }
0x17e: {  	v0 =	vadd.f32 v3, v0;
	_ =	sdelay $0x1  }
0x17f: {  	v0 =	vmul.f32 $6.250000000e-02, v0;
	_ =	sdelay $0x1  }
0x180: {  	[tilespmem:s14+$0x10420] =	vst v0  }
0x181: {  	v0 =	vld [tilespmem:s13+$0xFFFFFC30]  }
0x182: {  	v1 =	vld [tilespmem:s13+$0xFFFFFCB0];
	_ =	sdelay $0x1  }
0x183: {  	v2 =	vld [tilespmem:s13+$0xFFFFFD30];
	_ =	sdelay $0x1  }
0x184: {  	v3 =	vld [tilespmem:s13+$0xFFFFFDB0]  }
0x185: {  	v0 =	vadd.f32 v1, v0  }
0x186: {  	v1 =	vld [tilespmem:s13+$0xFFFFFE30]  }
0x187: {  	v0 =	vadd.f32 v2, v0  }
0x188: {  	v2 =	vld [tilespmem:s13+$0xFFFFFEB0]  }
0x189: {  	v0 =	vadd.f32 v3, v0  }
0x18a: {  	v3 =	vld [tilespmem:s13+$0xFFFFFF30]  }
0x18b: {  	v0 =	vadd.f32 v1, v0  }
0x18c: {  	v1 =	vld [tilespmem:s13+$0xFFFFFFB0]  }
0x18d: {  	v0 =	vadd.f32 v2, v0  }
0x18e: {  	v2 =	vld [tilespmem:s13+$0x30]  }
0x18f: {  	v0 =	vadd.f32 v3, v0  }
0x190: {  	v3 =	vld [tilespmem:s13+$0xB0]  }
0x191: {  	v0 =	vadd.f32 v1, v0  }
0x192: {  	v1 =	vld [tilespmem:s13+$0x130]  }
0x193: {  	v0 =	vadd.f32 v2, v0  }
0x194: {  	v2 =	vld [tilespmem:s13+$0x1B0]  }
0x195: {  	v0 =	vadd.f32 v3, v0  }
0x196: {  	v3 =	vld [tilespmem:s13+$0x230]  }
0x197: {  	v0 =	vadd.f32 v1, v0  }
0x198: {  	v1 =	vld [tilespmem:s13+$0x2B0]  }
0x199: {  	v0 =	vadd.f32 v2, v0  }
0x19a: {  	v2 =	vld [tilespmem:s13+$0x330]  }
0x19b: {  	v0 =	vadd.f32 v3, v0  }
0x19c: {  	v3 =	vld [tilespmem:s13+$0x3B0]  }
0x19d: {  	v0 =	vadd.f32 v1, v0;
	_ =	sdelay $0x1  }
0x19e: {  	v0 =	vadd.f32 v2, v0;
	_ =	sdelay $0x1  }
0x19f: {  	v0 =	vadd.f32 v3, v0;
	_ =	sdelay $0x1  }
0x1a0: {  	v0 =	vmul.f32 $6.250000000e-02, v0;
	_ =	sdelay $0x1  }
0x1a1: {  	[tilespmem:s14+$0x10430] =	vst v0  }
0x1a2: {  	v0 =	vld [tilespmem:s13+$0xFFFFFC40]  }
0x1a3: {  	v1 =	vld [tilespmem:s13+$0xFFFFFCC0];
	_ =	sdelay $0x1  }
0x1a4: {  	v2 =	vld [tilespmem:s13+$0xFFFFFD40];
	_ =	sdelay $0x1  }
0x1a5: {  	v3 =	vld [tilespmem:s13+$0xFFFFFDC0]  }
0x1a6: {  	v0 =	vadd.f32 v1, v0  }
0x1a7: {  	v1 =	vld [tilespmem:s13+$0xFFFFFE40]  }
0x1a8: {  	v0 =	vadd.f32 v2, v0  }
0x1a9: {  	v2 =	vld [tilespmem:s13+$0xFFFFFEC0]  }
0x1aa: {  	v0 =	vadd.f32 v3, v0  }
0x1ab: {  	v3 =	vld [tilespmem:s13+$0xFFFFFF40]  }
0x1ac: {  	v0 =	vadd.f32 v1, v0  }
0x1ad: {  	v1 =	vld [tilespmem:s13+$0xFFFFFFC0]  }
0x1ae: {  	v0 =	vadd.f32 v2, v0  }
0x1af: {  	v2 =	vld [tilespmem:s13+$0x40]  }
0x1b0: {  	v0 =	vadd.f32 v3, v0  }
0x1b1: {  	v3 =	vld [tilespmem:s13+$0xC0]  }
0x1b2: {  	v0 =	vadd.f32 v1, v0  }
0x1b3: {  	v1 =	vld [tilespmem:s13+$0x140]  }
0x1b4: {  	v0 =	vadd.f32 v2, v0  }
0x1b5: {  	v2 =	vld [tilespmem:s13+$0x1C0]  }
0x1b6: {  	v0 =	vadd.f32 v3, v0  }
0x1b7: {  	v3 =	vld [tilespmem:s13+$0x240]  }
0x1b8: {  	v0 =	vadd.f32 v1, v0  }
0x1b9: {  	v1 =	vld [tilespmem:s13+$0x2C0]  }
0x1ba: {  	v0 =	vadd.f32 v2, v0  }
0x1bb: {  	v2 =	vld [tilespmem:s13+$0x340]  }
0x1bc: {  	v0 =	vadd.f32 v3, v0  }
0x1bd: {  	v3 =	vld [tilespmem:s13+$0x3C0]  }
0x1be: {  	v0 =	vadd.f32 v1, v0;
	_ =	sdelay $0x1  }
0x1bf: {  	v0 =	vadd.f32 v2, v0;
	_ =	sdelay $0x1  }
0x1c0: {  	v0 =	vadd.f32 v3, v0;
	_ =	sdelay $0x1  }
0x1c1: {  	v0 =	vmul.f32 $6.250000000e-02, v0;
	_ =	sdelay $0x1  }
0x1c2: {  	[tilespmem:s14+$0x10440] =	vst v0  }
0x1c3: {  	v0 =	vld [tilespmem:s13+$0xFFFFFC50]  }
0x1c4: {  	v1 =	vld [tilespmem:s13+$0xFFFFFCD0]  }
0x1c5: {  	v2 =	vld [tilespmem:s13+$0xFFFFFD50]  }
0x1c6: {  	v3 =	vld [tilespmem:s13+$0xFFFFFDD0]  }
0x1c7: {  	v4 =	vld [tilespmem:s13+$0xFFFFFE50]  }
0x1c8: {  	v5 =	vld [tilespmem:s13+$0xFFFFFED0]  }
0x1c9: {  	v0 =	vadd.f32 v1, v0;
	v1 =	vld [tilespmem:s13+$0xFFFFFF50]  }
0x1ca: {  	v6 =	vld [tilespmem:s13+$0xFFFFFFD0]  }
0x1cb: {  	v0 =	vadd.f32 v2, v0;
	v2 =	vld [tilespmem:s13+$0x50]  }
0x1cc: {  	v7 =	vld [tilespmem:s13+$0xD0]  }
0x1cd: {  	v0 =	vadd.f32 v3, v0;
	v3 =	vld [tilespmem:s13+$0x150]  }
0x1ce: {  	v8 =	vld [tilespmem:s13+$0x1D0]  }
0x1cf: {  	v0 =	vadd.f32 v4, v0;
	v4 =	vld [tilespmem:s13+$0x250]  }
0x1d0: {  	v9 =	vld [tilespmem:s13+$0x2D0]  }
0x1d1: {  	v0 =	vadd.f32 v5, v0;
	v5 =	vld [tilespmem:s13+$0x350]  }
0x1d2: {  	v10 =	vld [tilespmem:s13+$0x3D0]  }
0x1d3: {  	v0 =	vadd.f32 v1, v0;
	_ =	sdelay $0x1  }
0x1d4: {  	v0 =	vadd.f32 v6, v0;
	_ =	sdelay $0x1  }
0x1d5: {  	v0 =	vadd.f32 v2, v0;
	_ =	sdelay $0x1  }
0x1d6: {  	v0 =	vadd.f32 v7, v0;
	_ =	sdelay $0x1  }
0x1d7: {  	v0 =	vadd.f32 v3, v0;
	_ =	sdelay $0x1  }
0x1d8: {  	v0 =	vadd.f32 v8, v0;
	_ =	sdelay $0x1  }
0x1d9: {  	v0 =	vadd.f32 v4, v0;
	_ =	sdelay $0x1  }
0x1da: {  	v0 =	vadd.f32 v9, v0;
	_ =	sdelay $0x1  }
0x1db: {  	v0 =	vadd.f32 v5, v0;
	_ =	sdelay $0x1  }
0x1dc: {  	v0 =	vadd.f32 v10, v0;
	_ =	sdelay $0x1  }
0x1dd: {  	v0 =	vmul.f32 $6.250000000e-02, v0;
	_ =	sdelay $0x1  }
0x1de: {  	[tilespmem:s14+$0x10450] =	vst v0  }
0x1df: {  	v0 =	vld [tilespmem:s13+$0xFFFFFC60]  }
0x1e0: {  	v1 =	vld [tilespmem:s13+$0xFFFFFCE0]  }
0x1e1: {  	v2 =	vld [tilespmem:s13+$0xFFFFFD60]  }
0x1e2: {  	v3 =	vld [tilespmem:s13+$0xFFFFFDE0]  }
0x1e3: {  	v4 =	vld [tilespmem:s13+$0xFFFFFE60]  }
0x1e4: {  	v5 =	vld [tilespmem:s13+$0xFFFFFEE0]  }
0x1e5: {  	v0 =	vadd.f32 v1, v0;
	v1 =	vld [tilespmem:s13+$0xFFFFFF60]  }
0x1e6: {  	v6 =	vld [tilespmem:s13+$0xFFFFFFE0]  }
0x1e7: {  	v0 =	vadd.f32 v2, v0;
	v2 =	vld [tilespmem:s13+$0x60]  }
0x1e8: {  	v7 =	vld [tilespmem:s13+$0xE0]  }
0x1e9: {  	v0 =	vadd.f32 v3, v0;
	v3 =	vld [tilespmem:s13+$0x160]  }
0x1ea: {  	v8 =	vld [tilespmem:s13+$0x1E0]  }
0x1eb: {  	v0 =	vadd.f32 v4, v0;
	v4 =	vld [tilespmem:s13+$0x260]  }
0x1ec: {  	v9 =	vld [tilespmem:s13+$0x2E0]  }
0x1ed: {  	v0 =	vadd.f32 v5, v0;
	v5 =	vld [tilespmem:s13+$0x360]  }
0x1ee: {  	v10 =	vld [tilespmem:s13+$0x3E0]  }
0x1ef: {  	v0 =	vadd.f32 v1, v0;
	_ =	sdelay $0x1  }
0x1f0: {  	v0 =	vadd.f32 v6, v0;
	_ =	sdelay $0x1  }
0x1f1: {  	v0 =	vadd.f32 v2, v0;
	_ =	sdelay $0x1  }
0x1f2: {  	v0 =	vadd.f32 v7, v0;
	_ =	sdelay $0x1  }
0x1f3: {  	v0 =	vadd.f32 v3, v0;
	_ =	sdelay $0x1  }
0x1f4: {  	v0 =	vadd.f32 v8, v0;
	_ =	sdelay $0x1  }
0x1f5: {  	v0 =	vadd.f32 v4, v0;
	_ =	sdelay $0x1  }
0x1f6: {  	v0 =	vadd.f32 v9, v0;
	_ =	sdelay $0x1  }
0x1f7: {  	v0 =	vadd.f32 v5, v0;
	_ =	sdelay $0x1  }
0x1f8: {  	v0 =	vadd.f32 v10, v0;
	_ =	sdelay $0x1  }
0x1f9: {  	v0 =	vmul.f32 $6.250000000e-02, v0;
	_ =	sdelay $0x1  }
0x1fa: {  	[tilespmem:s14+$0x10460] =	vst v0  }
0x1fb: {  	v0 =	vld [tilespmem:s13+$0xFFFFFC70]  }
0x1fc: {  	v1 =	vld [tilespmem:s13+$0xFFFFFCF0]  }
0x1fd: {  	v2 =	vld [tilespmem:s13+$0xFFFFFD70]  }
0x1fe: {  	v3 =	vld [tilespmem:s13+$0xFFFFFDF0]  }
0x1ff: {  	v4 =	vld [tilespmem:s13+$0xFFFFFE70]  }
0x200: {  	v5 =	vld [tilespmem:s13+$0xFFFFFEF0]  }
0x201: {  	v0 =	vadd.f32 v1, v0;
	v6 =	vld [tilespmem:s13+$0xFFFFFF70]  }
0x202: {  	v7 =	vld [tilespmem:s13+$0xFFFFFFF0]  }
0x203: {  	v0 =	vadd.f32 v2, v0;
	v8 =	vld [tilespmem:s13+$0x70]  }
0x204: {  	v9 =	vld [tilespmem:s13+$0xF0]  }
0x205: {  	v0 =	vadd.f32 v3, v0;
	v3 =	vld [tilespmem:s13+$0x170]  }
0x206: {  	v10 =	vld [tilespmem:s13+$0x1F0]  }
0x207: {  	v0 =	vadd.f32 v4, v0;
	v4 =	vld [tilespmem:s13+$0x270]  }
0x208: {  	v2 =	vld [tilespmem:s13+$0x2F0]  }
0x209: {  	v5 =	vadd.f32 v5, v0;
	v0 =	vld [tilespmem:s13+$0x370]  }
0x20a: {  	v1 =	vld [tilespmem:s13+$0x3F0]  }
0x20b: {  	v5 =	vadd.f32 v6, v5;
	_ =	sdelay $0x1  }
0x20c: {  	v5 =	vadd.f32 v7, v5;
	_ =	sdelay $0x1  }
0x20d: {  	v5 =	vadd.f32 v8, v5;
	_ =	sdelay $0x1  }
0x20e: {  	v5 =	vadd.f32 v9, v5;
	_ =	sdelay $0x1  }
.Ltmp0:
0x20f: {  	v3 =	vadd.f32 v3, v5;
	(pc) =	sbr.rel @p0 .LBB2_2-.Ltmp0, $3  }
0x210: {  	_ = 	snop  }
0x211: {  	v3 =	vadd.f32 v10, v3;
	_ =	sdelay $0x1  }
0x212: {  	v3 =	vadd.f32 v4, v3  }
0x213: {  	_ = 	snop  }
0x214: {  	v2 =	vadd.f32 v2, v3;
	_ =	sdelay $0x1  }
0x215: {  	v0 =	vadd.f32 v0, v2;
	_ =	sdelay $0x1  }
0x216: {  	v0 =	vadd.f32 v1, v0;
	_ =	sdelay $0x1  }
0x217: {  	v0 =	vmul.f32 $6.250000000e-02, v0;
	_ =	sdelay $0x1  }
0x218: {  	[tilespmem:s14+$0x10470] =	vst v0  }
0x219: {  	[tilespmem:s9], [sflag:$0x1] =	stream.indirect.gather [hbm4b:s3+s8], $0x80, s8, s8, $0xb8;
	[tilespmem:$0x12400] =	vst v63  }
0x21a: {  	_ =	swait.ge [sflag:s10], $0x10000  }
0x21b: {  	[sflag:s10] =	ssyncset.done $0x0  }
0x21c: {  	s13 =	simm.s32 $0x800;
	[sflag:s10] =	ssyncadd.s32 $0xFFFF0000  }
0x21d: {  	v0 =	vld [tilespmem:s13+$0xFFFFFC80]  }
0x21e: {  	v1 =	vld [tilespmem:s13+$0xFFFFFC00];
	_ =	sdelay $0x1  }
0x21f: {  	v2 =	vld [tilespmem:s13+$0xFFFFFD00];
	_ =	sdelay $0x1  }
0x220: {  	v3 =	vld [tilespmem:s13+$0xFFFFFD80]  }
0x221: {  	v0 =	vadd.f32 v0, v1  }
0x222: {  	v1 =	vld [tilespmem:s13+$0xFFFFFE00]  }
0x223: {  	v0 =	vadd.f32 v2, v0  }
0x224: {  	v2 =	vld [tilespmem:s13+$0xFFFFFE80]  }
0x225: {  	v0 =	vadd.f32 v3, v0  }
0x226: {  	v3 =	vld [tilespmem:s13+$0xFFFFFF00]  }
0x227: {  	v0 =	vadd.f32 v1, v0  }
0x228: {  	v1 =	vld [tilespmem:s13+$0xFFFFFF80]  }
0x229: {  	v0 =	vadd.f32 v2, v0  }
0x22a: {  	v2 =	vld [tilespmem:s13+$0x0]  }
0x22b: {  	v0 =	vadd.f32 v3, v0  }
0x22c: {  	v3 =	vld [tilespmem:s13+$0x80]  }
0x22d: {  	v0 =	vadd.f32 v1, v0  }
0x22e: {  	v1 =	vld [tilespmem:s13+$0x100]  }
0x22f: {  	v0 =	vadd.f32 v2, v0  }
0x230: {  	v2 =	vld [tilespmem:s13+$0x180]  }
0x231: {  	v0 =	vadd.f32 v3, v0  }
0x232: {  	v3 =	vld [tilespmem:s13+$0x200]  }
0x233: {  	v0 =	vadd.f32 v1, v0  }
0x234: {  	v1 =	vld [tilespmem:s13+$0x280]  }
0x235: {  	v0 =	vadd.f32 v2, v0  }
0x236: {  	v2 =	vld [tilespmem:s13+$0x300]  }
0x237: {  	v0 =	vadd.f32 v3, v0  }
0x238: {  	v3 =	vld [tilespmem:s13+$0x380]  }
0x239: {  	v0 =	vadd.f32 v1, v0;
	_ =	sdelay $0x1  }
0x23a: {  	v0 =	vadd.f32 v2, v0;
	_ =	sdelay $0x1  }
0x23b: {  	v0 =	vadd.f32 v3, v0;
	_ =	sdelay $0x1  }
0x23c: {  	v0 =	vmul.f32 $6.250000000e-02, v0  }
0x23d: {  	s14 =	simm.s32 $0x0  }
0x23e: {  	[tilespmem:s14+$0x11400] =	vst v0  }
0x23f: {  	v0 =	vld [tilespmem:s13+$0xFFFFFC10]  }
0x240: {  	v1 =	vld [tilespmem:s13+$0xFFFFFC90];
	_ =	sdelay $0x1  }
0x241: {  	v2 =	vld [tilespmem:s13+$0xFFFFFD10];
	_ =	sdelay $0x1  }
0x242: {  	v3 =	vld [tilespmem:s13+$0xFFFFFD90]  }
0x243: {  	v0 =	vadd.f32 v1, v0  }
0x244: {  	v1 =	vld [tilespmem:s13+$0xFFFFFE10]  }
0x245: {  	v0 =	vadd.f32 v2, v0  }
0x246: {  	v2 =	vld [tilespmem:s13+$0xFFFFFE90]  }
0x247: {  	v0 =	vadd.f32 v3, v0  }
0x248: {  	v3 =	vld [tilespmem:s13+$0xFFFFFF10]  }
0x249: {  	v0 =	vadd.f32 v1, v0  }
0x24a: {  	v1 =	vld [tilespmem:s13+$0xFFFFFF90]  }
0x24b: {  	v0 =	vadd.f32 v2, v0  }
0x24c: {  	v2 =	vld [tilespmem:s13+$0x10]  }
0x24d: {  	v0 =	vadd.f32 v3, v0  }
0x24e: {  	v3 =	vld [tilespmem:s13+$0x90]  }
0x24f: {  	v0 =	vadd.f32 v1, v0  }
0x250: {  	v1 =	vld [tilespmem:s13+$0x110]  }
0x251: {  	v0 =	vadd.f32 v2, v0  }
0x252: {  	v2 =	vld [tilespmem:s13+$0x190]  }
0x253: {  	v0 =	vadd.f32 v3, v0  }
0x254: {  	v3 =	vld [tilespmem:s13+$0x210]  }
0x255: {  	v0 =	vadd.f32 v1, v0  }
0x256: {  	v1 =	vld [tilespmem:s13+$0x290]  }
0x257: {  	v0 =	vadd.f32 v2, v0  }
0x258: {  	v2 =	vld [tilespmem:s13+$0x310]  }
0x259: {  	v0 =	vadd.f32 v3, v0  }
0x25a: {  	v3 =	vld [tilespmem:s13+$0x390]  }
0x25b: {  	v0 =	vadd.f32 v1, v0;
	_ =	sdelay $0x1  }
0x25c: {  	v0 =	vadd.f32 v2, v0;
	_ =	sdelay $0x1  }
0x25d: {  	v0 =	vadd.f32 v3, v0;
	_ =	sdelay $0x1  }
0x25e: {  	v0 =	vmul.f32 $6.250000000e-02, v0;
	_ =	sdelay $0x1  }
0x25f: {  	[tilespmem:s14+$0x11410] =	vst v0  }
0x260: {  	v0 =	vld [tilespmem:s13+$0xFFFFFC20]  }
0x261: {  	v1 =	vld [tilespmem:s13+$0xFFFFFCA0];
	_ =	sdelay $0x1  }
0x262: {  	v2 =	vld [tilespmem:s13+$0xFFFFFD20];
	_ =	sdelay $0x1  }
0x263: {  	v3 =	vld [tilespmem:s13+$0xFFFFFDA0]  }
0x264: {  	v0 =	vadd.f32 v1, v0  }
0x265: {  	v1 =	vld [tilespmem:s13+$0xFFFFFE20]  }
0x266: {  	v0 =	vadd.f32 v2, v0  }
0x267: {  	v2 =	vld [tilespmem:s13+$0xFFFFFEA0]  }
0x268: {  	v0 =	vadd.f32 v3, v0  }
0x269: {  	v3 =	vld [tilespmem:s13+$0xFFFFFF20]  }
0x26a: {  	v0 =	vadd.f32 v1, v0  }
0x26b: {  	v1 =	vld [tilespmem:s13+$0xFFFFFFA0]  }
0x26c: {  	v0 =	vadd.f32 v2, v0  }
0x26d: {  	v2 =	vld [tilespmem:s13+$0x20]  }
0x26e: {  	v0 =	vadd.f32 v3, v0  }
0x26f: {  	v3 =	vld [tilespmem:s13+$0xA0]  }
0x270: {  	v0 =	vadd.f32 v1, v0  }
0x271: {  	v1 =	vld [tilespmem:s13+$0x120]  }
0x272: {  	v0 =	vadd.f32 v2, v0  }
0x273: {  	v2 =	vld [tilespmem:s13+$0x1A0]  }
0x274: {  	v0 =	vadd.f32 v3, v0  }
0x275: {  	v3 =	vld [tilespmem:s13+$0x220]  }
0x276: {  	v0 =	vadd.f32 v1, v0  }
0x277: {  	v1 =	vld [tilespmem:s13+$0x2A0]  }
0x278: {  	v0 =	vadd.f32 v2, v0  }
0x279: {  	v2 =	vld [tilespmem:s13+$0x320]  }
0x27a: {  	v0 =	vadd.f32 v3, v0  }
0x27b: {  	v3 =	vld [tilespmem:s13+$0x3A0]  }
0x27c: {  	v0 =	vadd.f32 v1, v0;
	_ =	sdelay $0x1  }
0x27d: {  	v0 =	vadd.f32 v2, v0;
	_ =	sdelay $0x1  }
0x27e: {  	v0 =	vadd.f32 v3, v0;
	_ =	sdelay $0x1  }
0x27f: {  	v0 =	vmul.f32 $6.250000000e-02, v0;
	_ =	sdelay $0x1  }
0x280: {  	[tilespmem:s14+$0x11420] =	vst v0  }
0x281: {  	v0 =	vld [tilespmem:s13+$0xFFFFFC30]  }
0x282: {  	v1 =	vld [tilespmem:s13+$0xFFFFFCB0];
	_ =	sdelay $0x1  }
0x283: {  	v2 =	vld [tilespmem:s13+$0xFFFFFD30];
	_ =	sdelay $0x1  }
0x284: {  	v3 =	vld [tilespmem:s13+$0xFFFFFDB0]  }
0x285: {  	v0 =	vadd.f32 v1, v0  }
0x286: {  	v1 =	vld [tilespmem:s13+$0xFFFFFE30]  }
0x287: {  	v0 =	vadd.f32 v2, v0  }
0x288: {  	v2 =	vld [tilespmem:s13+$0xFFFFFEB0]  }
0x289: {  	v0 =	vadd.f32 v3, v0  }
0x28a: {  	v3 =	vld [tilespmem:s13+$0xFFFFFF30]  }
0x28b: {  	v0 =	vadd.f32 v1, v0  }
0x28c: {  	v1 =	vld [tilespmem:s13+$0xFFFFFFB0]  }
0x28d: {  	v0 =	vadd.f32 v2, v0  }
0x28e: {  	v2 =	vld [tilespmem:s13+$0x30]  }
0x28f: {  	v0 =	vadd.f32 v3, v0  }
0x290: {  	v3 =	vld [tilespmem:s13+$0xB0]  }
0x291: {  	v0 =	vadd.f32 v1, v0  }
0x292: {  	v1 =	vld [tilespmem:s13+$0x130]  }
0x293: {  	v0 =	vadd.f32 v2, v0  }
0x294: {  	v2 =	vld [tilespmem:s13+$0x1B0]  }
0x295: {  	v0 =	vadd.f32 v3, v0  }
0x296: {  	v3 =	vld [tilespmem:s13+$0x230]  }
0x297: {  	v0 =	vadd.f32 v1, v0  }
0x298: {  	v1 =	vld [tilespmem:s13+$0x2B0]  }
0x299: {  	v0 =	vadd.f32 v2, v0  }
0x29a: {  	v2 =	vld [tilespmem:s13+$0x330]  }
0x29b: {  	v0 =	vadd.f32 v3, v0  }
0x29c: {  	v3 =	vld [tilespmem:s13+$0x3B0]  }
0x29d: {  	v0 =	vadd.f32 v1, v0;
	_ =	sdelay $0x1  }
0x29e: {  	v0 =	vadd.f32 v2, v0;
	_ =	sdelay $0x1  }
0x29f: {  	v0 =	vadd.f32 v3, v0;
	_ =	sdelay $0x1  }
0x2a0: {  	v0 =	vmul.f32 $6.250000000e-02, v0;
	_ =	sdelay $0x1  }
0x2a1: {  	[tilespmem:s14+$0x11430] =	vst v0  }
0x2a2: {  	v0 =	vld [tilespmem:s13+$0xFFFFFC40]  }
0x2a3: {  	v1 =	vld [tilespmem:s13+$0xFFFFFCC0];
	_ =	sdelay $0x1  }
0x2a4: {  	v2 =	vld [tilespmem:s13+$0xFFFFFD40];
	_ =	sdelay $0x1  }
0x2a5: {  	v3 =	vld [tilespmem:s13+$0xFFFFFDC0]  }
0x2a6: {  	v0 =	vadd.f32 v1, v0  }
0x2a7: {  	v1 =	vld [tilespmem:s13+$0xFFFFFE40]  }
0x2a8: {  	v0 =	vadd.f32 v2, v0  }
0x2a9: {  	v2 =	vld [tilespmem:s13+$0xFFFFFEC0]  }
0x2aa: {  	v0 =	vadd.f32 v3, v0  }
0x2ab: {  	v3 =	vld [tilespmem:s13+$0xFFFFFF40]  }
0x2ac: {  	v0 =	vadd.f32 v1, v0  }
0x2ad: {  	v1 =	vld [tilespmem:s13+$0xFFFFFFC0]  }
0x2ae: {  	v0 =	vadd.f32 v2, v0  }
0x2af: {  	v2 =	vld [tilespmem:s13+$0x40]  }
0x2b0: {  	v0 =	vadd.f32 v3, v0  }
0x2b1: {  	v3 =	vld [tilespmem:s13+$0xC0]  }
0x2b2: {  	v0 =	vadd.f32 v1, v0  }
0x2b3: {  	v1 =	vld [tilespmem:s13+$0x140]  }
0x2b4: {  	v0 =	vadd.f32 v2, v0  }
0x2b5: {  	v2 =	vld [tilespmem:s13+$0x1C0]  }
0x2b6: {  	v0 =	vadd.f32 v3, v0  }
0x2b7: {  	v3 =	vld [tilespmem:s13+$0x240]  }
0x2b8: {  	v0 =	vadd.f32 v1, v0  }
0x2b9: {  	v1 =	vld [tilespmem:s13+$0x2C0]  }
0x2ba: {  	v0 =	vadd.f32 v2, v0  }
0x2bb: {  	v2 =	vld [tilespmem:s13+$0x340]  }
0x2bc: {  	v0 =	vadd.f32 v3, v0  }
0x2bd: {  	v3 =	vld [tilespmem:s13+$0x3C0]  }
0x2be: {  	v0 =	vadd.f32 v1, v0;
	_ =	sdelay $0x1  }
0x2bf: {  	v0 =	vadd.f32 v2, v0;
	_ =	sdelay $0x1  }
0x2c0: {  	v0 =	vadd.f32 v3, v0;
	_ =	sdelay $0x1  }
0x2c1: {  	v0 =	vmul.f32 $6.250000000e-02, v0;
	_ =	sdelay $0x1  }
0x2c2: {  	[tilespmem:s14+$0x11440] =	vst v0  }
0x2c3: {  	v0 =	vld [tilespmem:s13+$0xFFFFFC50]  }
0x2c4: {  	v1 =	vld [tilespmem:s13+$0xFFFFFCD0];
	_ =	sdelay $0x1  }
0x2c5: {  	v2 =	vld [tilespmem:s13+$0xFFFFFD50];
	_ =	sdelay $0x1  }
0x2c6: {  	v3 =	vld [tilespmem:s13+$0xFFFFFDD0]  }
0x2c7: {  	v0 =	vadd.f32 v1, v0  }
0x2c8: {  	v1 =	vld [tilespmem:s13+$0xFFFFFE50]  }
0x2c9: {  	v0 =	vadd.f32 v2, v0  }
0x2ca: {  	v2 =	vld [tilespmem:s13+$0xFFFFFED0]  }
0x2cb: {  	v0 =	vadd.f32 v3, v0  }
0x2cc: {  	v3 =	vld [tilespmem:s13+$0xFFFFFF50]  }
0x2cd: {  	v0 =	vadd.f32 v1, v0  }
0x2ce: {  	v1 =	vld [tilespmem:s13+$0xFFFFFFD0]  }
0x2cf: {  	v0 =	vadd.f32 v2, v0  }
0x2d0: {  	v2 =	vld [tilespmem:s13+$0x50]  }
0x2d1: {  	v0 =	vadd.f32 v3, v0  }
0x2d2: {  	v3 =	vld [tilespmem:s13+$0xD0]  }
0x2d3: {  	v0 =	vadd.f32 v1, v0  }
0x2d4: {  	v1 =	vld [tilespmem:s13+$0x150]  }
0x2d5: {  	v0 =	vadd.f32 v2, v0  }
0x2d6: {  	v2 =	vld [tilespmem:s13+$0x1D0]  }
0x2d7: {  	v0 =	vadd.f32 v3, v0  }
0x2d8: {  	v3 =	vld [tilespmem:s13+$0x250]  }
0x2d9: {  	v0 =	vadd.f32 v1, v0  }
0x2da: {  	v1 =	vld [tilespmem:s13+$0x2D0]  }
0x2db: {  	v0 =	vadd.f32 v2, v0  }
0x2dc: {  	v2 =	vld [tilespmem:s13+$0x350]  }
0x2dd: {  	v0 =	vadd.f32 v3, v0  }
0x2de: {  	v3 =	vld [tilespmem:s13+$0x3D0]  }
0x2df: {  	v0 =	vadd.f32 v1, v0;
	_ =	sdelay $0x1  }
0x2e0: {  	v0 =	vadd.f32 v2, v0;
	_ =	sdelay $0x1  }
0x2e1: {  	v0 =	vadd.f32 v3, v0;
	_ =	sdelay $0x1  }
0x2e2: {  	v0 =	vmul.f32 $6.250000000e-02, v0;
	_ =	sdelay $0x1  }
0x2e3: {  	[tilespmem:s14+$0x11450] =	vst v0  }
0x2e4: {  	v0 =	vld [tilespmem:s13+$0xFFFFFC60]  }
0x2e5: {  	v1 =	vld [tilespmem:s13+$0xFFFFFCE0];
	_ =	sdelay $0x1  }
0x2e6: {  	v2 =	vld [tilespmem:s13+$0xFFFFFD60];
	_ =	sdelay $0x1  }
0x2e7: {  	v3 =	vld [tilespmem:s13+$0xFFFFFDE0]  }
0x2e8: {  	v0 =	vadd.f32 v1, v0  }
0x2e9: {  	v1 =	vld [tilespmem:s13+$0xFFFFFE60]  }
0x2ea: {  	v0 =	vadd.f32 v2, v0  }
0x2eb: {  	v2 =	vld [tilespmem:s13+$0xFFFFFEE0]  }
0x2ec: {  	v0 =	vadd.f32 v3, v0  }
0x2ed: {  	v3 =	vld [tilespmem:s13+$0xFFFFFF60]  }
0x2ee: {  	v0 =	vadd.f32 v1, v0  }
0x2ef: {  	v1 =	vld [tilespmem:s13+$0xFFFFFFE0]  }
0x2f0: {  	v0 =	vadd.f32 v2, v0  }
0x2f1: {  	v2 =	vld [tilespmem:s13+$0x60]  }
0x2f2: {  	v0 =	vadd.f32 v3, v0  }
0x2f3: {  	v3 =	vld [tilespmem:s13+$0xE0]  }
0x2f4: {  	v0 =	vadd.f32 v1, v0  }
0x2f5: {  	v1 =	vld [tilespmem:s13+$0x160]  }
0x2f6: {  	v0 =	vadd.f32 v2, v0  }
0x2f7: {  	v2 =	vld [tilespmem:s13+$0x1E0]  }
0x2f8: {  	v0 =	vadd.f32 v3, v0  }
0x2f9: {  	v3 =	vld [tilespmem:s13+$0x260]  }
0x2fa: {  	v0 =	vadd.f32 v1, v0  }
0x2fb: {  	v1 =	vld [tilespmem:s13+$0x2E0]  }
0x2fc: {  	v0 =	vadd.f32 v2, v0  }
0x2fd: {  	v2 =	vld [tilespmem:s13+$0x360]  }
0x2fe: {  	v0 =	vadd.f32 v3, v0  }
0x2ff: {  	v3 =	vld [tilespmem:s13+$0x3E0]  }
0x300: {  	v0 =	vadd.f32 v1, v0;
	_ =	sdelay $0x1  }
0x301: {  	v0 =	vadd.f32 v2, v0;
	_ =	sdelay $0x1  }
0x302: {  	v0 =	vadd.f32 v3, v0;
	_ =	sdelay $0x1  }
0x303: {  	v0 =	vmul.f32 $6.250000000e-02, v0;
	_ =	sdelay $0x1  }
0x304: {  	[tilespmem:s14+$0x11460] =	vst v0  }
0x305: {  	v0 =	vld [tilespmem:s13+$0xFFFFFC70]  }
0x306: {  	v1 =	vld [tilespmem:s13+$0xFFFFFCF0];
	_ =	sdelay $0x1  }
0x307: {  	v2 =	vld [tilespmem:s13+$0xFFFFFD70];
	_ =	sdelay $0x1  }
0x308: {  	v3 =	vld [tilespmem:s13+$0xFFFFFDF0]  }
0x309: {  	v0 =	vadd.f32 v1, v0  }
0x30a: {  	v1 =	vld [tilespmem:s13+$0xFFFFFE70]  }
0x30b: {  	v0 =	vadd.f32 v2, v0  }
0x30c: {  	v2 =	vld [tilespmem:s13+$0xFFFFFEF0]  }
0x30d: {  	v0 =	vadd.f32 v3, v0  }
0x30e: {  	v3 =	vld [tilespmem:s13+$0xFFFFFF70]  }
0x30f: {  	v0 =	vadd.f32 v1, v0  }
0x310: {  	v1 =	vld [tilespmem:s13+$0xFFFFFFF0]  }
0x311: {  	v0 =	vadd.f32 v2, v0  }
0x312: {  	v2 =	vld [tilespmem:s13+$0x70]  }
0x313: {  	v0 =	vadd.f32 v3, v0  }
0x314: {  	v3 =	vld [tilespmem:s13+$0xF0]  }
0x315: {  	v0 =	vadd.f32 v1, v0  }
0x316: {  	v1 =	vld [tilespmem:s13+$0x170]  }
0x317: {  	v0 =	vadd.f32 v2, v0  }
0x318: {  	v4 =	vld [tilespmem:s13+$0x1F0]  }
0x319: {  	v0 =	vadd.f32 v3, v0  }
0x31a: {  	v3 =	vld [tilespmem:s13+$0x270]  }
0x31b: {  	v0 =	vadd.f32 v1, v0  }
0x31c: {  	v2 =	vld [tilespmem:s13+$0x2F0]  }
0x31d: {  	v4 =	vadd.f32 v4, v0  }
0x31e: {  	v0 =	vld [tilespmem:s13+$0x370]  }
0x31f: {  	s15 =	simm.s32 $0x200;
	v1 =	vld [tilespmem:s13+$0x3F0];
	v3 =	vadd.f32 v3, v4  }
.LBB2_4:
0x320: {  	p0 =	sne.s32 s15, $0x3E00  }
0x321: {  	s13 =	sadd.s32 $0x800, s13;
	s16 =	smov.u32 s15;
	s15 =	sadd.s32 $0x200, s15;
	v2 =	vadd.f32 v2, v3  }
0x322: {  	_ = 	snop  }
0x323: {  	v0 =	vadd.f32 v0, v2;
	_ =	sdelay $0x1  }
0x324: {  	v0 =	vadd.f32 v1, v0;
	_ =	sdelay $0x1  }
0x325: {  	v0 =	vmul.f32 $6.250000000e-02, v0;
	_ =	sdelay $0x1  }
0x326: {  	[tilespmem:s14+$0x11470] =	vst v0  }
0x327: {  	v0 =	vld [tilespmem:s13+$0xFFFFFC80]  }
0x328: {  	v1 =	vld [tilespmem:s13+$0xFFFFFC00]  }
0x329: {  	v2 =	vld [tilespmem:s13+$0xFFFFFD00];
	_ =	sdelay $0x2  }
0x32a: {  	v3 =	vld [tilespmem:s13+$0xFFFFFD80]  }
0x32b: {  	v0 =	vadd.f32 v0, v1  }
0x32c: {  	v1 =	vld [tilespmem:s13+$0xFFFFFE00]  }
0x32d: {  	v0 =	vadd.f32 v2, v0  }
0x32e: {  	v2 =	vld [tilespmem:s13+$0xFFFFFE80]  }
0x32f: {  	v0 =	vadd.f32 v3, v0  }
0x330: {  	v3 =	vld [tilespmem:s13+$0xFFFFFF00]  }
0x331: {  	v0 =	vadd.f32 v1, v0  }
0x332: {  	v1 =	vld [tilespmem:s13+$0xFFFFFF80]  }
0x333: {  	v0 =	vadd.f32 v2, v0  }
0x334: {  	v2 =	vld [tilespmem:s13+$0x0]  }
0x335: {  	v0 =	vadd.f32 v3, v0  }
0x336: {  	v3 =	vld [tilespmem:s13+$0x80]  }
0x337: {  	v0 =	vadd.f32 v1, v0  }
0x338: {  	v1 =	vld [tilespmem:s13+$0x100]  }
0x339: {  	v0 =	vadd.f32 v2, v0  }
0x33a: {  	v2 =	vld [tilespmem:s13+$0x180]  }
0x33b: {  	v0 =	vadd.f32 v3, v0  }
0x33c: {  	v3 =	vld [tilespmem:s13+$0x200]  }
0x33d: {  	v0 =	vadd.f32 v1, v0  }
0x33e: {  	v1 =	vld [tilespmem:s13+$0x280]  }
0x33f: {  	v0 =	vadd.f32 v2, v0  }
0x340: {  	v2 =	vld [tilespmem:s13+$0x300]  }
0x341: {  	v0 =	vadd.f32 v3, v0  }
0x342: {  	v3 =	vld [tilespmem:s13+$0x380]  }
0x343: {  	v0 =	vadd.f32 v1, v0;
	_ =	sdelay $0x1  }
0x344: {  	v0 =	vadd.f32 v2, v0;
	_ =	sdelay $0x1  }
0x345: {  	v0 =	vadd.f32 v3, v0;
	_ =	sdelay $0x1  }
0x346: {  	v0 =	vmul.f32 $6.250000000e-02, v0  }
0x347: {  	s14 =	sshra.s32 s16, $0x2  }
0x348: {  	[tilespmem:s14+$0x11400] =	vst v0  }
0x349: {  	v0 =	vld [tilespmem:s13+$0xFFFFFC10]  }
0x34a: {  	v1 =	vld [tilespmem:s13+$0xFFFFFC90];
	_ =	sdelay $0x1  }
0x34b: {  	v2 =	vld [tilespmem:s13+$0xFFFFFD10];
	_ =	sdelay $0x1  }
0x34c: {  	v3 =	vld [tilespmem:s13+$0xFFFFFD90]  }
0x34d: {  	v0 =	vadd.f32 v1, v0  }
0x34e: {  	v1 =	vld [tilespmem:s13+$0xFFFFFE10]  }
0x34f: {  	v0 =	vadd.f32 v2, v0  }
0x350: {  	v2 =	vld [tilespmem:s13+$0xFFFFFE90]  }
0x351: {  	v0 =	vadd.f32 v3, v0  }
0x352: {  	v3 =	vld [tilespmem:s13+$0xFFFFFF10]  }
0x353: {  	v0 =	vadd.f32 v1, v0  }
0x354: {  	v1 =	vld [tilespmem:s13+$0xFFFFFF90]  }
0x355: {  	v0 =	vadd.f32 v2, v0  }
0x356: {  	v2 =	vld [tilespmem:s13+$0x10]  }
0x357: {  	v0 =	vadd.f32 v3, v0  }
0x358: {  	v3 =	vld [tilespmem:s13+$0x90]  }
0x359: {  	v0 =	vadd.f32 v1, v0  }
0x35a: {  	v1 =	vld [tilespmem:s13+$0x110]  }
0x35b: {  	v0 =	vadd.f32 v2, v0  }
0x35c: {  	v2 =	vld [tilespmem:s13+$0x190]  }
0x35d: {  	v0 =	vadd.f32 v3, v0  }
0x35e: {  	v3 =	vld [tilespmem:s13+$0x210]  }
0x35f: {  	v0 =	vadd.f32 v1, v0  }
0x360: {  	v1 =	vld [tilespmem:s13+$0x290]  }
0x361: {  	v0 =	vadd.f32 v2, v0  }
0x362: {  	v2 =	vld [tilespmem:s13+$0x310]  }
0x363: {  	v0 =	vadd.f32 v3, v0  }
0x364: {  	v3 =	vld [tilespmem:s13+$0x390]  }
0x365: {  	v0 =	vadd.f32 v1, v0;
	_ =	sdelay $0x1  }
0x366: {  	v0 =	vadd.f32 v2, v0;
	_ =	sdelay $0x1  }
0x367: {  	v0 =	vadd.f32 v3, v0;
	_ =	sdelay $0x1  }
0x368: {  	v0 =	vmul.f32 $6.250000000e-02, v0;
	_ =	sdelay $0x1  }
0x369: {  	[tilespmem:s14+$0x11410] =	vst v0  }
0x36a: {  	v0 =	vld [tilespmem:s13+$0xFFFFFC20]  }
0x36b: {  	v1 =	vld [tilespmem:s13+$0xFFFFFCA0];
	_ =	sdelay $0x1  }
0x36c: {  	v2 =	vld [tilespmem:s13+$0xFFFFFD20];
	_ =	sdelay $0x1  }
0x36d: {  	v3 =	vld [tilespmem:s13+$0xFFFFFDA0]  }
0x36e: {  	v0 =	vadd.f32 v1, v0  }
0x36f: {  	v1 =	vld [tilespmem:s13+$0xFFFFFE20]  }
0x370: {  	v0 =	vadd.f32 v2, v0  }
0x371: {  	v2 =	vld [tilespmem:s13+$0xFFFFFEA0]  }
0x372: {  	v0 =	vadd.f32 v3, v0  }
0x373: {  	v3 =	vld [tilespmem:s13+$0xFFFFFF20]  }
0x374: {  	v0 =	vadd.f32 v1, v0  }
0x375: {  	v1 =	vld [tilespmem:s13+$0xFFFFFFA0]  }
0x376: {  	v0 =	vadd.f32 v2, v0  }
0x377: {  	v2 =	vld [tilespmem:s13+$0x20]  }
0x378: {  	v0 =	vadd.f32 v3, v0  }
0x379: {  	v3 =	vld [tilespmem:s13+$0xA0]  }
0x37a: {  	v0 =	vadd.f32 v1, v0  }
0x37b: {  	v1 =	vld [tilespmem:s13+$0x120]  }
0x37c: {  	v0 =	vadd.f32 v2, v0  }
0x37d: {  	v2 =	vld [tilespmem:s13+$0x1A0]  }
0x37e: {  	v0 =	vadd.f32 v3, v0  }
0x37f: {  	v3 =	vld [tilespmem:s13+$0x220]  }
0x380: {  	v0 =	vadd.f32 v1, v0  }
0x381: {  	v1 =	vld [tilespmem:s13+$0x2A0]  }
0x382: {  	v0 =	vadd.f32 v2, v0  }
0x383: {  	v2 =	vld [tilespmem:s13+$0x320]  }
0x384: {  	v0 =	vadd.f32 v3, v0  }
0x385: {  	v3 =	vld [tilespmem:s13+$0x3A0]  }
0x386: {  	v0 =	vadd.f32 v1, v0;
	_ =	sdelay $0x1  }
0x387: {  	v0 =	vadd.f32 v2, v0;
	_ =	sdelay $0x1  }
0x388: {  	v0 =	vadd.f32 v3, v0;
	_ =	sdelay $0x1  }
0x389: {  	v0 =	vmul.f32 $6.250000000e-02, v0;
	_ =	sdelay $0x1  }
0x38a: {  	[tilespmem:s14+$0x11420] =	vst v0  }
0x38b: {  	v0 =	vld [tilespmem:s13+$0xFFFFFC30]  }
0x38c: {  	v1 =	vld [tilespmem:s13+$0xFFFFFCB0];
	_ =	sdelay $0x1  }
0x38d: {  	v2 =	vld [tilespmem:s13+$0xFFFFFD30];
	_ =	sdelay $0x1  }
0x38e: {  	v3 =	vld [tilespmem:s13+$0xFFFFFDB0]  }
0x38f: {  	v0 =	vadd.f32 v1, v0  }
0x390: {  	v1 =	vld [tilespmem:s13+$0xFFFFFE30]  }
0x391: {  	v0 =	vadd.f32 v2, v0  }
0x392: {  	v2 =	vld [tilespmem:s13+$0xFFFFFEB0]  }
0x393: {  	v0 =	vadd.f32 v3, v0  }
0x394: {  	v3 =	vld [tilespmem:s13+$0xFFFFFF30]  }
0x395: {  	v0 =	vadd.f32 v1, v0  }
0x396: {  	v1 =	vld [tilespmem:s13+$0xFFFFFFB0]  }
0x397: {  	v0 =	vadd.f32 v2, v0  }
0x398: {  	v2 =	vld [tilespmem:s13+$0x30]  }
0x399: {  	v0 =	vadd.f32 v3, v0  }
0x39a: {  	v3 =	vld [tilespmem:s13+$0xB0]  }
0x39b: {  	v0 =	vadd.f32 v1, v0  }
0x39c: {  	v1 =	vld [tilespmem:s13+$0x130]  }
0x39d: {  	v0 =	vadd.f32 v2, v0  }
0x39e: {  	v2 =	vld [tilespmem:s13+$0x1B0]  }
0x39f: {  	v0 =	vadd.f32 v3, v0  }
0x3a0: {  	v3 =	vld [tilespmem:s13+$0x230]  }
0x3a1: {  	v0 =	vadd.f32 v1, v0  }
0x3a2: {  	v1 =	vld [tilespmem:s13+$0x2B0]  }
0x3a3: {  	v0 =	vadd.f32 v2, v0  }
0x3a4: {  	v2 =	vld [tilespmem:s13+$0x330]  }
0x3a5: {  	v0 =	vadd.f32 v3, v0  }
0x3a6: {  	v3 =	vld [tilespmem:s13+$0x3B0]  }
0x3a7: {  	v0 =	vadd.f32 v1, v0;
	_ =	sdelay $0x1  }
0x3a8: {  	v0 =	vadd.f32 v2, v0;
	_ =	sdelay $0x1  }
0x3a9: {  	v0 =	vadd.f32 v3, v0;
	_ =	sdelay $0x1  }
0x3aa: {  	v0 =	vmul.f32 $6.250000000e-02, v0;
	_ =	sdelay $0x1  }
0x3ab: {  	[tilespmem:s14+$0x11430] =	vst v0  }
0x3ac: {  	v0 =	vld [tilespmem:s13+$0xFFFFFC40]  }
0x3ad: {  	v1 =	vld [tilespmem:s13+$0xFFFFFCC0];
	_ =	sdelay $0x1  }
0x3ae: {  	v2 =	vld [tilespmem:s13+$0xFFFFFD40];
	_ =	sdelay $0x1  }
0x3af: {  	v3 =	vld [tilespmem:s13+$0xFFFFFDC0]  }
0x3b0: {  	v0 =	vadd.f32 v1, v0  }
0x3b1: {  	v1 =	vld [tilespmem:s13+$0xFFFFFE40]  }
0x3b2: {  	v0 =	vadd.f32 v2, v0  }
0x3b3: {  	v2 =	vld [tilespmem:s13+$0xFFFFFEC0]  }
0x3b4: {  	v0 =	vadd.f32 v3, v0  }
0x3b5: {  	v3 =	vld [tilespmem:s13+$0xFFFFFF40]  }
0x3b6: {  	v0 =	vadd.f32 v1, v0  }
0x3b7: {  	v1 =	vld [tilespmem:s13+$0xFFFFFFC0]  }
0x3b8: {  	v0 =	vadd.f32 v2, v0  }
0x3b9: {  	v2 =	vld [tilespmem:s13+$0x40]  }
0x3ba: {  	v0 =	vadd.f32 v3, v0  }
0x3bb: {  	v3 =	vld [tilespmem:s13+$0xC0]  }
0x3bc: {  	v0 =	vadd.f32 v1, v0  }
0x3bd: {  	v1 =	vld [tilespmem:s13+$0x140]  }
0x3be: {  	v0 =	vadd.f32 v2, v0  }
0x3bf: {  	v2 =	vld [tilespmem:s13+$0x1C0]  }
0x3c0: {  	v0 =	vadd.f32 v3, v0  }
0x3c1: {  	v3 =	vld [tilespmem:s13+$0x240]  }
0x3c2: {  	v0 =	vadd.f32 v1, v0  }
0x3c3: {  	v1 =	vld [tilespmem:s13+$0x2C0]  }
0x3c4: {  	v0 =	vadd.f32 v2, v0  }
0x3c5: {  	v2 =	vld [tilespmem:s13+$0x340]  }
0x3c6: {  	v0 =	vadd.f32 v3, v0  }
0x3c7: {  	v3 =	vld [tilespmem:s13+$0x3C0]  }
0x3c8: {  	v0 =	vadd.f32 v1, v0;
	_ =	sdelay $0x1  }
0x3c9: {  	v0 =	vadd.f32 v2, v0;
	_ =	sdelay $0x1  }
0x3ca: {  	v0 =	vadd.f32 v3, v0;
	_ =	sdelay $0x1  }
0x3cb: {  	v0 =	vmul.f32 $6.250000000e-02, v0;
	_ =	sdelay $0x1  }
0x3cc: {  	[tilespmem:s14+$0x11440] =	vst v0  }
0x3cd: {  	v0 =	vld [tilespmem:s13+$0xFFFFFC50]  }
0x3ce: {  	v1 =	vld [tilespmem:s13+$0xFFFFFCD0]  }
0x3cf: {  	v2 =	vld [tilespmem:s13+$0xFFFFFD50]  }
0x3d0: {  	v3 =	vld [tilespmem:s13+$0xFFFFFDD0]  }
0x3d1: {  	v4 =	vld [tilespmem:s13+$0xFFFFFE50]  }
0x3d2: {  	v5 =	vld [tilespmem:s13+$0xFFFFFED0]  }
0x3d3: {  	v0 =	vadd.f32 v1, v0;
	v1 =	vld [tilespmem:s13+$0xFFFFFF50]  }
0x3d4: {  	v6 =	vld [tilespmem:s13+$0xFFFFFFD0]  }
0x3d5: {  	v0 =	vadd.f32 v2, v0;
	v2 =	vld [tilespmem:s13+$0x50]  }
0x3d6: {  	v7 =	vld [tilespmem:s13+$0xD0]  }
0x3d7: {  	v0 =	vadd.f32 v3, v0;
	v3 =	vld [tilespmem:s13+$0x150]  }
0x3d8: {  	v8 =	vld [tilespmem:s13+$0x1D0]  }
0x3d9: {  	v0 =	vadd.f32 v4, v0;
	v4 =	vld [tilespmem:s13+$0x250]  }
0x3da: {  	v9 =	vld [tilespmem:s13+$0x2D0]  }
0x3db: {  	v0 =	vadd.f32 v5, v0;
	v5 =	vld [tilespmem:s13+$0x350]  }
0x3dc: {  	v10 =	vld [tilespmem:s13+$0x3D0]  }
0x3dd: {  	v0 =	vadd.f32 v1, v0;
	_ =	sdelay $0x1  }
0x3de: {  	v0 =	vadd.f32 v6, v0;
	_ =	sdelay $0x1  }
0x3df: {  	v0 =	vadd.f32 v2, v0;
	_ =	sdelay $0x1  }
0x3e0: {  	v0 =	vadd.f32 v7, v0;
	_ =	sdelay $0x1  }
0x3e1: {  	v0 =	vadd.f32 v3, v0;
	_ =	sdelay $0x1  }
0x3e2: {  	v0 =	vadd.f32 v8, v0;
	_ =	sdelay $0x1  }
0x3e3: {  	v0 =	vadd.f32 v4, v0;
	_ =	sdelay $0x1  }
0x3e4: {  	v0 =	vadd.f32 v9, v0;
	_ =	sdelay $0x1  }
0x3e5: {  	v0 =	vadd.f32 v5, v0;
	_ =	sdelay $0x1  }
0x3e6: {  	v0 =	vadd.f32 v10, v0;
	_ =	sdelay $0x1  }
0x3e7: {  	v0 =	vmul.f32 $6.250000000e-02, v0;
	_ =	sdelay $0x1  }
0x3e8: {  	[tilespmem:s14+$0x11450] =	vst v0  }
0x3e9: {  	v0 =	vld [tilespmem:s13+$0xFFFFFC60]  }
0x3ea: {  	v1 =	vld [tilespmem:s13+$0xFFFFFCE0]  }
0x3eb: {  	v2 =	vld [tilespmem:s13+$0xFFFFFD60]  }
0x3ec: {  	v3 =	vld [tilespmem:s13+$0xFFFFFDE0]  }
0x3ed: {  	v4 =	vld [tilespmem:s13+$0xFFFFFE60]  }
0x3ee: {  	v5 =	vld [tilespmem:s13+$0xFFFFFEE0]  }
0x3ef: {  	v0 =	vadd.f32 v1, v0;
	v1 =	vld [tilespmem:s13+$0xFFFFFF60]  }
0x3f0: {  	v6 =	vld [tilespmem:s13+$0xFFFFFFE0]  }
0x3f1: {  	v0 =	vadd.f32 v2, v0;
	v2 =	vld [tilespmem:s13+$0x60]  }
0x3f2: {  	v7 =	vld [tilespmem:s13+$0xE0]  }
0x3f3: {  	v0 =	vadd.f32 v3, v0;
	v3 =	vld [tilespmem:s13+$0x160]  }
0x3f4: {  	v8 =	vld [tilespmem:s13+$0x1E0]  }
0x3f5: {  	v0 =	vadd.f32 v4, v0;
	v4 =	vld [tilespmem:s13+$0x260]  }
0x3f6: {  	v9 =	vld [tilespmem:s13+$0x2E0]  }
0x3f7: {  	v0 =	vadd.f32 v5, v0;
	v5 =	vld [tilespmem:s13+$0x360]  }
0x3f8: {  	v10 =	vld [tilespmem:s13+$0x3E0]  }
0x3f9: {  	v0 =	vadd.f32 v1, v0;
	_ =	sdelay $0x1  }
0x3fa: {  	v0 =	vadd.f32 v6, v0;
	_ =	sdelay $0x1  }
0x3fb: {  	v0 =	vadd.f32 v2, v0;
	_ =	sdelay $0x1  }
0x3fc: {  	v0 =	vadd.f32 v7, v0;
	_ =	sdelay $0x1  }
0x3fd: {  	v0 =	vadd.f32 v3, v0;
	_ =	sdelay $0x1  }
0x3fe: {  	v0 =	vadd.f32 v8, v0;
	_ =	sdelay $0x1  }
0x3ff: {  	v0 =	vadd.f32 v4, v0;
	_ =	sdelay $0x1  }
0x400: {  	v0 =	vadd.f32 v9, v0;
	_ =	sdelay $0x1  }
0x401: {  	v0 =	vadd.f32 v5, v0;
	_ =	sdelay $0x1  }
0x402: {  	v0 =	vadd.f32 v10, v0;
	_ =	sdelay $0x1  }
0x403: {  	v0 =	vmul.f32 $6.250000000e-02, v0;
	_ =	sdelay $0x1  }
0x404: {  	[tilespmem:s14+$0x11460] =	vst v0  }
0x405: {  	v0 =	vld [tilespmem:s13+$0xFFFFFC70]  }
0x406: {  	v1 =	vld [tilespmem:s13+$0xFFFFFCF0]  }
0x407: {  	v2 =	vld [tilespmem:s13+$0xFFFFFD70]  }
0x408: {  	v3 =	vld [tilespmem:s13+$0xFFFFFDF0]  }
0x409: {  	v4 =	vld [tilespmem:s13+$0xFFFFFE70]  }
0x40a: {  	v5 =	vld [tilespmem:s13+$0xFFFFFEF0]  }
0x40b: {  	v0 =	vadd.f32 v1, v0;
	v6 =	vld [tilespmem:s13+$0xFFFFFF70]  }
0x40c: {  	v7 =	vld [tilespmem:s13+$0xFFFFFFF0]  }
0x40d: {  	v0 =	vadd.f32 v2, v0;
	v8 =	vld [tilespmem:s13+$0x70]  }
0x40e: {  	v9 =	vld [tilespmem:s13+$0xF0]  }
0x40f: {  	v0 =	vadd.f32 v3, v0;
	v3 =	vld [tilespmem:s13+$0x170]  }
0x410: {  	v10 =	vld [tilespmem:s13+$0x1F0]  }
0x411: {  	v0 =	vadd.f32 v4, v0;
	v4 =	vld [tilespmem:s13+$0x270]  }
0x412: {  	v2 =	vld [tilespmem:s13+$0x2F0]  }
0x413: {  	v5 =	vadd.f32 v5, v0;
	v0 =	vld [tilespmem:s13+$0x370]  }
0x414: {  	v1 =	vld [tilespmem:s13+$0x3F0]  }
0x415: {  	v5 =	vadd.f32 v6, v5;
	_ =	sdelay $0x1  }
0x416: {  	v5 =	vadd.f32 v7, v5;
	_ =	sdelay $0x1  }
0x417: {  	v5 =	vadd.f32 v8, v5;
	_ =	sdelay $0x1  }
0x418: {  	v5 =	vadd.f32 v9, v5;
	_ =	sdelay $0x1  }
.Ltmp1:
0x419: {  	v3 =	vadd.f32 v3, v5;
	(pc) =	sbr.rel @p0 .LBB2_4-.Ltmp1, $3  }
0x41a: {  	_ = 	snop  }
0x41b: {  	v3 =	vadd.f32 v10, v3;
	_ =	sdelay $0x1  }
0x41c: {  	v3 =	vadd.f32 v4, v3  }
0x41d: {  	_ = 	snop  }
0x41e: {  	v2 =	vadd.f32 v2, v3;
	_ =	sdelay $0x1  }
0x41f: {  	v0 =	vadd.f32 v0, v2;
	_ =	sdelay $0x1  }
0x420: {  	v0 =	vadd.f32 v1, v0;
	_ =	sdelay $0x1  }
0x421: {  	s12 =	sadd.s32 $0x1, s12;
	v0 =	vmul.f32 $6.250000000e-02, v0  }
0x422: {  	p0 =	sne.s32 s12, s6  }
.Ltmp2:
0x423: {  	[tilespmem:s14+$0x11470] =	vst v0;
	(pc) =	sbr.rel @p0 .LBB2_1-.Ltmp2, $4  }
0x424: {  	[hbm4b:s5+s2] =	stream.linear.scatter [tilespmem:s11], [sflag:$0x2], $0x2000, $0x38;
	[tilespmem:$0x12400] =	vst v63  }
0x425: {  	_ =	swait.ge [sflag:s7], $0x2000  }
0x426: {  	[sflag:s7] =	ssyncset.done $0x0  }
0x427: {  	[sflag:s7] =	ssyncadd.s32 $0xFFFFE000  }
0x428: {  	_ =	sfence.sel $0x180000  }
0x429: {  	[bflag:$0x0] =	sbarrier.arrive $0xFFFF  }
0x42a: {  	p0 =	sne.s32 s0, $0x0;
	_ =	strace $0x90000047  }
0x42b: {  	s0 =	sadd.s32 @!p0 $0x100000, s1;
	[bflag:$0x2] =	sbarrier.arrive $0xFFFF  }
0x42c: {  	[sflag:s0] =	ssyncadd.tile.s32 @!p0 $0x1;
	_ =	shalt  }
.Lfunc_end2:
_tile_overlayer_lowered:
.L_overlay_start_2:
0x42d: {  	(tag) =	ssettag $0x2  }
0x42e: {  	s0 =	rddreg [dreg:$0x0];
	s2 =	stileid.u32  }
0x42f: {  	s1 =	rddreg [dreg:$0x1];
	p0 =	sne.s32 s2, $0x0  }
0x430: {  	s3 =	rddreg [dreg:$0x2];
	[bflag:$0x3] =	sbarrier.arrive $0xFFFF;
	s2 =	simm.s32 @!p0 $0x1C02  }
0x431: {  	[timem:s3], [sflag:s2] =	dma.local @!p0 [hbm:s0], s1  }
0x432: {  	s0 =	simm.s32 @!p0 $0x2  }
0x433: {  	_ =	swait.ge @!p0 [sflag:s0], s1  }
0x434: {  	s1 =	ssub.s32 @!p0 $0x0, s1;
	[sflag:s0] =	ssyncset.done @!p0 $0x0  }
0x435: {  	[sflag:s0] =	ssyncadd.s32 @!p0 s1  }
0x436: {  	[bflag:$0x3] =	sbarrier.arrive $0xFFFF  }
0x437: {  	_ =	shalt  }

</sc_bundles>
